<compile_context>
chip_gen: v7x
topology: tpu7x:2x2x1
jax: 0.10.2.dev20260603
libtpu: 0.0.44.dev20260713+nightly
codegen_flags: <defaults>
</compile_context>

<pallas_src>
import functools

import jax
import jax.numpy as jnp
from jax import lax
from jax.experimental import pallas as pl
from jax.experimental.pallas import tpu as pltpu
from jax.experimental.pallas import tpu_sc as plsc

_B = 16384
_EMB = 64
_NC = 2
_NS = 16
_NW = _NC * _NS
_CHUNK = _B // _NW
_NGROUP = _CHUNK // 16
_GCHUNK = 128
_NGC = _CHUNK // _GCHUNK

_UV0, _UV1, _UV2, _UV3 = 944, 22, 2, 5
_GV0, _GV1, _GV2 = 1683, 5, 20
_NCU = _UV1 * _UV2 * _UV3
_NCG = _GV1 * _GV2


def _body(gid_h, pt_h, cat_h, uid_h, job_h, sex_h, age_h,
          wu0_h, wg0_h, cu_h, cg_h, w1g0_h, w1c_h, out_h,
          gidb, uidb, ptb, catb, jobb, sexb, ageb,
          ubuf, gbuf, cuv, cgv, w1g0v, w1cv, outb, gsems, rsem):
    wid = lax.axis_index("s") * _NC + lax.axis_index("c")
    base = wid * _CHUNK

    pltpu.sync_copy(gid_h.at[pl.ds(base, _CHUNK)], gidb)
    pltpu.sync_copy(uid_h.at[pl.ds(base, _CHUNK)], uidb)
    copies = []
    for c in range(_NGC):
        sl = pl.ds(c * _GCHUNK, _GCHUNK)
        copies.append(pltpu.async_copy(
            wg0_h.at[gidb.at[sl]], gbuf.at[sl], gsems.at[c]))
        copies.append(pltpu.async_copy(
            wu0_h.at[uidb.at[sl]], ubuf.at[sl], gsems.at[c]))
    rcopies = [
        pltpu.async_copy(pt_h.at[pl.ds(base, _CHUNK)], ptb, rsem),
        pltpu.async_copy(cat_h.at[pl.ds(base, _CHUNK)], catb, rsem),
        pltpu.async_copy(job_h.at[pl.ds(base, _CHUNK)], jobb, rsem),
        pltpu.async_copy(sex_h.at[pl.ds(base, _CHUNK)], sexb, rsem),
        pltpu.async_copy(age_h.at[pl.ds(base, _CHUNK)], ageb, rsem),
        pltpu.async_copy(cu_h, cuv, rsem),
        pltpu.async_copy(cg_h, cgv, rsem),
        pltpu.async_copy(w1g0_h, w1g0v, rsem),
        pltpu.async_copy(w1c_h, w1cv, rsem),
    ]
    for cp in rcopies:
        cp.wait()
    for cp in copies:
        cp.wait()

    rowi = lax.iota(jnp.int32, 16)

    def group(g, carry):
        s0 = g * 16
        sl = pl.ds(s0, 16)
        gv = gidb[sl]
        pv = ptb[sl]
        cv = catb[sl]
        jv = jobb[sl]
        sv = sexb[sl]
        av = ageb[sl]
        cu = jv * (_UV2 * _UV3) + sv * _UV3 + av
        cg = pv * _GV2 + cv
        g1 = plsc.load_gather(w1g0v, [gv]) + plsc.load_gather(w1cv, [cg])
        cub = cu * _EMB
        cgb = cg * _EMB
        row = rowi + s0
        accs = [jnp.zeros((16,), jnp.float32) for _ in range(4)]
        for d in range(_EMB):
            coloff = (rowi + d) & (_EMB - 1)
            u = (plsc.load_gather(ubuf, [row, coloff])
                 + plsc.load_gather(cuv, [cub + coloff]))
            gg = (plsc.load_gather(gbuf, [row, coloff])
                  + plsc.load_gather(cgv, [cgb + coloff]))
            accs[d % 4] = accs[d % 4] + u * gg
        acc = (accs[0] + accs[1]) + (accs[2] + accs[3])
        logit = g1 + acc * (1.0 / 12.0)
        outb[sl] = 5.0 / (1.0 + jnp.exp(-logit))
        return carry

    lax.fori_loop(0, _NGROUP, group, 0)
    pltpu.sync_copy(outb, out_h.at[pl.ds(base, _CHUNK)])


@functools.cache
def _build_fm():
    mesh = plsc.VectorSubcoreMesh(
        core_axis_name="c", subcore_axis_name="s",
        num_cores=_NC, num_subcores=_NS)
    return pl.kernel(
        _body,
        out_type=jax.ShapeDtypeStruct((_B,), jnp.float32),
        mesh=mesh,
        compiler_params=pltpu.CompilerParams(
            needs_layout_passes=False, use_tc_tiling_on_sc=False),
        scratch_types=[
            pltpu.VMEM((_CHUNK,), jnp.int32),
            pltpu.VMEM((_CHUNK,), jnp.int32),
            pltpu.VMEM((_CHUNK,), jnp.int32),
            pltpu.VMEM((_CHUNK,), jnp.int32),
            pltpu.VMEM((_CHUNK,), jnp.int32),
            pltpu.VMEM((_CHUNK,), jnp.int32),
            pltpu.VMEM((_CHUNK,), jnp.int32),
            pltpu.VMEM((_CHUNK, _EMB), jnp.float32),
            pltpu.VMEM((_CHUNK, _EMB), jnp.float32),
            pltpu.VMEM((_NCU * _EMB,), jnp.float32),
            pltpu.VMEM((_NCG * _EMB,), jnp.float32),
            pltpu.VMEM((_GV0,), jnp.float32),
            pltpu.VMEM((_NCG,), jnp.float32),
            pltpu.VMEM((_CHUNK,), jnp.float32),
            pltpu.SemaphoreType.DMA((_NGC,)),
            pltpu.SemaphoreType.DMA,
        ],
    )


@jax.jit
def kernel(gid, pubtime, category, uid, job, sex, age,
           W1g0, W1g1, W1g2, Wu0, Wu1, Wu2, Wu3, Wg0, Wg1, Wg2):
    i32 = jnp.int32
    cuf = (Wu1[:, None, None, :] + Wu2[None, :, None, :]
           + Wu3[None, None, :, :]).reshape(_NCU * _EMB)
    cgf = (Wg1[:, None, :] + Wg2[None, :, :]).reshape(_NCG * _EMB)
    w1g0f = W1g0[:, 0]
    w1cf = (W1g1[:, 0][:, None] + W1g2[:, 0][None, :]).reshape(_NCG)

    out = _build_fm()(
        gid.astype(i32), pubtime.astype(i32), category.astype(i32),
        uid.astype(i32), job.astype(i32), sex.astype(i32), age.astype(i32),
        Wu0, Wg0, cuf, cgf, w1g0f, w1cf)
    return out[:, None]

# --- scband reference (transcript-rebuilt; emitter-appended) ---
"""Pipeline reference for scband-recall-60387240181775 (READ-ONLY COPY).

The authoritative reference and input builder live on the scoring server;
editing this copy changes nothing except your own understanding.
"""

import jax, jax.numpy as jnp
import numpy as np

EMB = 64
USER_VOCAB = [944, 22, 2, 5]
GROUP_VOCAB = [1683, 5, 20]
B = 16384


def setup_inputs(seed: int = 0) -> dict:
    key = jax.random.key(seed)
    ks = jax.random.split(key, 20)
    inp = {}
    inp["gid"] = jax.random.randint(ks[0], (B,), 0, GROUP_VOCAB[0])
    inp["pubtime"] = jax.random.randint(ks[1], (B,), 0, GROUP_VOCAB[1])
    inp["category"] = jax.random.randint(ks[2], (B,), 0, GROUP_VOCAB[2])
    inp["uid"] = jax.random.randint(ks[3], (B,), 0, USER_VOCAB[0])
    inp["job"] = jax.random.randint(ks[4], (B,), 0, USER_VOCAB[1])
    inp["sex"] = jax.random.randint(ks[5], (B,), 0, USER_VOCAB[2])
    inp["age"] = jax.random.randint(ks[6], (B,), 0, USER_VOCAB[3])
    # fm 1st order group embeddings (dim 1)
    inp["W1g0"] = jax.random.normal(ks[7], (GROUP_VOCAB[0], 1), dtype=jnp.float32)
    inp["W1g1"] = jax.random.normal(ks[8], (GROUP_VOCAB[1], 1), dtype=jnp.float32)
    inp["W1g2"] = jax.random.normal(ks[9], (GROUP_VOCAB[2], 1), dtype=jnp.float32)
    # fm 2nd order user embeddings (dim EMB)
    inp["Wu0"] = jax.random.normal(ks[10], (USER_VOCAB[0], EMB), dtype=jnp.float32)
    inp["Wu1"] = jax.random.normal(ks[11], (USER_VOCAB[1], EMB), dtype=jnp.float32)
    inp["Wu2"] = jax.random.normal(ks[12], (USER_VOCAB[2], EMB), dtype=jnp.float32)
    inp["Wu3"] = jax.random.normal(ks[13], (USER_VOCAB[3], EMB), dtype=jnp.float32)
    # fm 2nd order group embeddings (dim EMB)
    inp["Wg0"] = jax.random.normal(ks[14], (GROUP_VOCAB[0], EMB), dtype=jnp.float32)
    inp["Wg1"] = jax.random.normal(ks[15], (GROUP_VOCAB[1], EMB), dtype=jnp.float32)
    inp["Wg2"] = jax.random.normal(ks[16], (GROUP_VOCAB[2], EMB), dtype=jnp.float32)
    return inp


def reference(gid, pubtime, category, uid, job, sex, age,
              W1g0, W1g1, W1g2, Wu0, Wu1, Wu2, Wu3, Wg0, Wg1, Wg2):
    # fm_1st_group_embedding: sum of concatenated 1-dim embeddings -> scalar per sample
    g1 = jnp.take(W1g0, gid, axis=0)[:, 0] + jnp.take(W1g1, pubtime, axis=0)[:, 0] + jnp.take(W1g2, category, axis=0)[:, 0]
    group_1st = g1[:, None]  # [B, 1]
    # fm_2nd_user_embedding: mean over 4 stacked embeddings
    user_2nd = (jnp.take(Wu0, uid, axis=0) + jnp.take(Wu1, job, axis=0) + jnp.take(Wu2, sex, axis=0) + jnp.take(Wu3, age, axis=0)) / 4.0
    # fm_2nd_group_embedding: mean over 3 stacked embeddings
    group_2nd = (jnp.take(Wg0, gid, axis=0) + jnp.take(Wg1, pubtime, axis=0) + jnp.take(Wg2, category, axis=0)) / 3.0
    logits = group_1st + jnp.sum(user_2nd * group_2nd, axis=1, keepdims=True)
    return 5.0 * jax.nn.sigmoid(logits)

if __name__ == "__main__":
    import jax
    _d = setup_inputs()
    print(jax.jit(kernel)(*tuple(_d.values())))

</pallas_src>

<mosaic_0001>
#map = affine_map<(d0, d1) -> (0)>
#map1 = affine_map<(d0, d1) -> (0, 0)>
module attributes {stable_mosaic.version = 14 : i64} {
  func.func @_body(%arg0: i32, %arg1: i32, %arg2: memref<16384xi32, #tpu.memory_space<hbm>>, %arg3: memref<16384xi32, #tpu.memory_space<hbm>>, %arg4: memref<16384xi32, #tpu.memory_space<hbm>>, %arg5: memref<16384xi32, #tpu.memory_space<hbm>>, %arg6: memref<16384xi32, #tpu.memory_space<hbm>>, %arg7: memref<16384xi32, #tpu.memory_space<hbm>>, %arg8: memref<16384xi32, #tpu.memory_space<hbm>>, %arg9: memref<944x64xf32, #tpu.memory_space<hbm>>, %arg10: memref<1683x64xf32, #tpu.memory_space<hbm>>, %arg11: memref<14080xf32, #tpu.memory_space<hbm>>, %arg12: memref<6400xf32, #tpu.memory_space<hbm>>, %arg13: memref<1683xf32, #tpu.memory_space<hbm>>, %arg14: memref<100xf32, #tpu.memory_space<hbm>>, %arg15: memref<16384xf32, #tpu.memory_space<hbm>>, %arg16: memref<512xi32, #tpu.memory_space<vmem>>, %arg17: memref<512xi32, #tpu.memory_space<vmem>>, %arg18: memref<512xi32, #tpu.memory_space<vmem>>, %arg19: memref<512xi32, #tpu.memory_space<vmem>>, %arg20: memref<512xi32, #tpu.memory_space<vmem>>, %arg21: memref<512xi32, #tpu.memory_space<vmem>>, %arg22: memref<512xi32, #tpu.memory_space<vmem>>, %arg23: memref<512x64xf32, #tpu.memory_space<vmem>>, %arg24: memref<512x64xf32, #tpu.memory_space<vmem>>, %arg25: memref<14080xf32, #tpu.memory_space<vmem>>, %arg26: memref<6400xf32, #tpu.memory_space<vmem>>, %arg27: memref<1683xf32, #tpu.memory_space<vmem>>, %arg28: memref<100xf32, #tpu.memory_space<vmem>>, %arg29: memref<512xf32, #tpu.memory_space<vmem>>, %arg30: memref<4x!tpu.dma_semaphore, #tpu.memory_space<semaphore_mem>>, %arg31: memref<!tpu.dma_semaphore, #tpu.memory_space<semaphore_mem>>) attributes {dimension_semantics = [#tpu.dimension_semantics<core_parallel>, #tpu.dimension_semantics<subcore_parallel>], iteration_bounds = array<i64: 2, 16>, scalar_prefetch = 0 : i64, scratch_operands = 16 : i64, tpu.core_type = #tpu.core_type<sc_vector_subcore>, window_params = [{transform_indices = #map}, {transform_indices = #map}, {transform_indices = #map}, {transform_indices = #map}, {transform_indices = #map}, {transform_indices = #map}, {transform_indices = #map}, {transform_indices = #map1}, {transform_indices = #map1}, {transform_indices = #map}, {transform_indices = #map}, {transform_indices = #map}, {transform_indices = #map}, {transform_indices = #map}]} {
    %mul3A = arith.constant 2 : i32
    %mul3A_0 = arith.muli %arg1, %mul3A : i32
    %add3A = arith.addi %mul3A_0, %arg0 : i32
    %mul3A_1 = arith.constant 512 : i32
    %mul3A_2 = arith.muli %add3A, %mul3A_1 : i32
    "tpu.region"() ({
      %run_scoped3A = tpu.sem_alloc : memref<!tpu.dma_semaphore, #tpu.memory_space<semaphore_mem>>
      %dma_start3A_202 = tpu.memref_slice %arg2[%mul3A_2] : memref<16384xi32, #tpu.memory_space<hbm>> -> memref<512xi32, #tpu.memory_space<hbm>>
      %dma_start3A_203 = tpu.memref_slice %arg2[%mul3A_2] : memref<16384xi32, #tpu.memory_space<hbm>> -> memref<512xi32, #tpu.memory_space<hbm>>
      tpu.enqueue_dma source(%dma_start3A_203 : memref<512xi32, #tpu.memory_space<hbm>>) target(%arg16 : memref<512xi32, #tpu.memory_space<vmem>>) target_semaphore(%run_scoped3A : memref<!tpu.dma_semaphore, #tpu.memory_space<semaphore_mem>>)
      %dma_wait3A_204 = tpu.memref_slice %arg2[%mul3A_2] : memref<16384xi32, #tpu.memory_space<hbm>> -> memref<512xi32, #tpu.memory_space<hbm>>
      %dma_wait3A_205 = tpu.memref_slice %arg2[%mul3A_2] : memref<16384xi32, #tpu.memory_space<hbm>> -> memref<512xi32, #tpu.memory_space<hbm>>
      tpu.wait_dma2 semaphore(%run_scoped3A : memref<!tpu.dma_semaphore, #tpu.memory_space<semaphore_mem>>) src(%dma_wait3A_205 : memref<512xi32, #tpu.memory_space<hbm>>) dst(%arg16 : memref<512xi32, #tpu.memory_space<vmem>>)
      tpu.yield
    }) : () -> ()
    "tpu.region"() ({
      %run_scoped3A = tpu.sem_alloc : memref<!tpu.dma_semaphore, #tpu.memory_space<semaphore_mem>>
      %dma_start3A_202 = tpu.memref_slice %arg5[%mul3A_2] : memref<16384xi32, #tpu.memory_space<hbm>> -> memref<512xi32, #tpu.memory_space<hbm>>
      %dma_start3A_203 = tpu.memref_slice %arg5[%mul3A_2] : memref<16384xi32, #tpu.memory_space<hbm>> -> memref<512xi32, #tpu.memory_space<hbm>>
      tpu.enqueue_dma source(%dma_start3A_203 : memref<512xi32, #tpu.memory_space<hbm>>) target(%arg17 : memref<512xi32, #tpu.memory_space<vmem>>) target_semaphore(%run_scoped3A : memref<!tpu.dma_semaphore, #tpu.memory_space<semaphore_mem>>)
      %dma_wait3A_204 = tpu.memref_slice %arg5[%mul3A_2] : memref<16384xi32, #tpu.memory_space<hbm>> -> memref<512xi32, #tpu.memory_space<hbm>>
      %dma_wait3A_205 = tpu.memref_slice %arg5[%mul3A_2] : memref<16384xi32, #tpu.memory_space<hbm>> -> memref<512xi32, #tpu.memory_space<hbm>>
      tpu.wait_dma2 semaphore(%run_scoped3A : memref<!tpu.dma_semaphore, #tpu.memory_space<semaphore_mem>>) src(%dma_wait3A_205 : memref<512xi32, #tpu.memory_space<hbm>>) dst(%arg17 : memref<512xi32, #tpu.memory_space<vmem>>)
      tpu.yield
    }) : () -> ()
    %dma_start3A = arith.constant 0 : i32
    %dma_start3A_3 = arith.constant 0 : i32
    %dma_start3A_4 = arith.constant 0 : i32
    %dma_start3A_5 = tpu.memref_slice %arg24[%dma_start3A_3, %dma_start3A_4] : memref<512x64xf32, #tpu.memory_space<vmem>> -> memref<128x64xf32, #tpu.memory_space<vmem>>
    %dma_start3A_6 = arith.constant 0 : i32
    %dma_start3A_7 = tpu.memref_slice %arg16[%dma_start3A_6] : memref<512xi32, #tpu.memory_space<vmem>> -> memref<128xi32, #tpu.memory_space<vmem>>
    %dma_start3A_8 = arith.constant 0 : i32
    %dma_start3A_9 = arith.constant 0 : i32
    %dma_start3A_10 = tpu.memref_slice %arg10[%dma_start3A_8, %dma_start3A_9] : memref<1683x64xf32, #tpu.memory_space<hbm>> -> memref<1683x64xf32, #tpu.memory_space<hbm>>
    %dma_start3A_11 = tpu.memref_slice %arg30[%dma_start3A] : memref<4x!tpu.dma_semaphore, #tpu.memory_space<semaphore_mem>> -> memref<1x!tpu.dma_semaphore, #tpu.memory_space<semaphore_mem>>
    %dma_start3A_12 = tpu.memref_squeeze %dma_start3A_11 : memref<1x!tpu.dma_semaphore, #tpu.memory_space<semaphore_mem>> -> memref<!tpu.dma_semaphore, #tpu.memory_space<semaphore_mem>>
    tpu.enqueue_indirect_dma source(%dma_start3A_10 : memref<1683x64xf32, #tpu.memory_space<hbm>>) target(%dma_start3A_5 : memref<128x64xf32, #tpu.memory_space<vmem>>) offsets(%dma_start3A_7 : memref<128xi32, #tpu.memory_space<vmem>>) semaphore(%dma_start3A_12 : memref<!tpu.dma_semaphore, #tpu.memory_space<semaphore_mem>>)
    %dma_start3A_13 = arith.constant 0 : i32
    %dma_start3A_14 = arith.constant 0 : i32
    %dma_start3A_15 = arith.constant 0 : i32
    %dma_start3A_16 = tpu.memref_slice %arg23[%dma_start3A_14, %dma_start3A_15] : memref<512x64xf32, #tpu.memory_space<vmem>> -> memref<128x64xf32, #tpu.memory_space<vmem>>
    %dma_start3A_17 = arith.constant 0 : i32
    %dma_start3A_18 = tpu.memref_slice %arg17[%dma_start3A_17] : memref<512xi32, #tpu.memory_space<vmem>> -> memref<128xi32, #tpu.memory_space<vmem>>
    %dma_start3A_19 = arith.constant 0 : i32
    %dma_start3A_20 = arith.constant 0 : i32
    %dma_start3A_21 = tpu.memref_slice %arg9[%dma_start3A_19, %dma_start3A_20] : memref<944x64xf32, #tpu.memory_space<hbm>> -> memref<944x64xf32, #tpu.memory_space<hbm>>
    %dma_start3A_22 = tpu.memref_slice %arg30[%dma_start3A_13] : memref<4x!tpu.dma_semaphore, #tpu.memory_space<semaphore_mem>> -> memref<1x!tpu.dma_semaphore, #tpu.memory_space<semaphore_mem>>
    %dma_start3A_23 = tpu.memref_squeeze %dma_start3A_22 : memref<1x!tpu.dma_semaphore, #tpu.memory_space<semaphore_mem>> -> memref<!tpu.dma_semaphore, #tpu.memory_space<semaphore_mem>>
    tpu.enqueue_indirect_dma source(%dma_start3A_21 : memref<944x64xf32, #tpu.memory_space<hbm>>) target(%dma_start3A_16 : memref<128x64xf32, #tpu.memory_space<vmem>>) offsets(%dma_start3A_18 : memref<128xi32, #tpu.memory_space<vmem>>) semaphore(%dma_start3A_23 : memref<!tpu.dma_semaphore, #tpu.memory_space<semaphore_mem>>)
    %dma_start3A_24 = arith.constant 1 : i32
    %dma_start3A_25 = arith.constant 128 : i32
    %dma_start3A_26 = arith.constant 0 : i32
    %dma_start3A_27 = tpu.memref_slice %arg24[%dma_start3A_25, %dma_start3A_26] : memref<512x64xf32, #tpu.memory_space<vmem>> -> memref<128x64xf32, #tpu.memory_space<vmem>>
    %dma_start3A_28 = arith.constant 128 : i32
    %dma_start3A_29 = tpu.memref_slice %arg16[%dma_start3A_28] : memref<512xi32, #tpu.memory_space<vmem>> -> memref<128xi32, #tpu.memory_space<vmem>>
    %dma_start3A_30 = arith.constant 0 : i32
    %dma_start3A_31 = arith.constant 0 : i32
    %dma_start3A_32 = tpu.memref_slice %arg10[%dma_start3A_30, %dma_start3A_31] : memref<1683x64xf32, #tpu.memory_space<hbm>> -> memref<1683x64xf32, #tpu.memory_space<hbm>>
    %dma_start3A_33 = tpu.memref_slice %arg30[%dma_start3A_24] : memref<4x!tpu.dma_semaphore, #tpu.memory_space<semaphore_mem>> -> memref<1x!tpu.dma_semaphore, #tpu.memory_space<semaphore_mem>>
    %dma_start3A_34 = tpu.memref_squeeze %dma_start3A_33 : memref<1x!tpu.dma_semaphore, #tpu.memory_space<semaphore_mem>> -> memref<!tpu.dma_semaphore, #tpu.memory_space<semaphore_mem>>
    tpu.enqueue_indirect_dma source(%dma_start3A_32 : memref<1683x64xf32, #tpu.memory_space<hbm>>) target(%dma_start3A_27 : memref<128x64xf32, #tpu.memory_space<vmem>>) offsets(%dma_start3A_29 : memref<128xi32, #tpu.memory_space<vmem>>) semaphore(%dma_start3A_34 : memref<!tpu.dma_semaphore, #tpu.memory_space<semaphore_mem>>)
    %dma_start3A_35 = arith.constant 1 : i32
    %dma_start3A_36 = arith.constant 128 : i32
    %dma_start3A_37 = arith.constant 0 : i32
    %dma_start3A_38 = tpu.memref_slice %arg23[%dma_start3A_36, %dma_start3A_37] : memref<512x64xf32, #tpu.memory_space<vmem>> -> memref<128x64xf32, #tpu.memory_space<vmem>>
    %dma_start3A_39 = arith.constant 128 : i32
    %dma_start3A_40 = tpu.memref_slice %arg17[%dma_start3A_39] : memref<512xi32, #tpu.memory_space<vmem>> -> memref<128xi32, #tpu.memory_space<vmem>>
    %dma_start3A_41 = arith.constant 0 : i32
    %dma_start3A_42 = arith.constant 0 : i32
    %dma_start3A_43 = tpu.memref_slice %arg9[%dma_start3A_41, %dma_start3A_42] : memref<944x64xf32, #tpu.memory_space<hbm>> -> memref<944x64xf32, #tpu.memory_space<hbm>>
    %dma_start3A_44 = tpu.memref_slice %arg30[%dma_start3A_35] : memref<4x!tpu.dma_semaphore, #tpu.memory_space<semaphore_mem>> -> memref<1x!tpu.dma_semaphore, #tpu.memory_space<semaphore_mem>>
    %dma_start3A_45 = tpu.memref_squeeze %dma_start3A_44 : memref<1x!tpu.dma_semaphore, #tpu.memory_space<semaphore_mem>> -> memref<!tpu.dma_semaphore, #tpu.memory_space<semaphore_mem>>
    tpu.enqueue_indirect_dma source(%dma_start3A_43 : memref<944x64xf32, #tpu.memory_space<hbm>>) target(%dma_start3A_38 : memref<128x64xf32, #tpu.memory_space<vmem>>) offsets(%dma_start3A_40 : memref<128xi32, #tpu.memory_space<vmem>>) semaphore(%dma_start3A_45 : memref<!tpu.dma_semaphore, #tpu.memory_space<semaphore_mem>>)
    %dma_start3A_46 = arith.constant 2 : i32
    %dma_start3A_47 = arith.constant 256 : i32
    %dma_start3A_48 = arith.constant 0 : i32
    %dma_start3A_49 = tpu.memref_slice %arg24[%dma_start3A_47, %dma_start3A_48] : memref<512x64xf32, #tpu.memory_space<vmem>> -> memref<128x64xf32, #tpu.memory_space<vmem>>
    %dma_start3A_50 = arith.constant 256 : i32
    %dma_start3A_51 = tpu.memref_slice %arg16[%dma_start3A_50] : memref<512xi32, #tpu.memory_space<vmem>> -> memref<128xi32, #tpu.memory_space<vmem>>
    %dma_start3A_52 = arith.constant 0 : i32
    %dma_start3A_53 = arith.constant 0 : i32
    %dma_start3A_54 = tpu.memref_slice %arg10[%dma_start3A_52, %dma_start3A_53] : memref<1683x64xf32, #tpu.memory_space<hbm>> -> memref<1683x64xf32, #tpu.memory_space<hbm>>
    %dma_start3A_55 = tpu.memref_slice %arg30[%dma_start3A_46] : memref<4x!tpu.dma_semaphore, #tpu.memory_space<semaphore_mem>> -> memref<1x!tpu.dma_semaphore, #tpu.memory_space<semaphore_mem>>
    %dma_start3A_56 = tpu.memref_squeeze %dma_start3A_55 : memref<1x!tpu.dma_semaphore, #tpu.memory_space<semaphore_mem>> -> memref<!tpu.dma_semaphore, #tpu.memory_space<semaphore_mem>>
    tpu.enqueue_indirect_dma source(%dma_start3A_54 : memref<1683x64xf32, #tpu.memory_space<hbm>>) target(%dma_start3A_49 : memref<128x64xf32, #tpu.memory_space<vmem>>) offsets(%dma_start3A_51 : memref<128xi32, #tpu.memory_space<vmem>>) semaphore(%dma_start3A_56 : memref<!tpu.dma_semaphore, #tpu.memory_space<semaphore_mem>>)
    %dma_start3A_57 = arith.constant 2 : i32
    %dma_start3A_58 = arith.constant 256 : i32
    %dma_start3A_59 = arith.constant 0 : i32
    %dma_start3A_60 = tpu.memref_slice %arg23[%dma_start3A_58, %dma_start3A_59] : memref<512x64xf32, #tpu.memory_space<vmem>> -> memref<128x64xf32, #tpu.memory_space<vmem>>
    %dma_start3A_61 = arith.constant 256 : i32
    %dma_start3A_62 = tpu.memref_slice %arg17[%dma_start3A_61] : memref<512xi32, #tpu.memory_space<vmem>> -> memref<128xi32, #tpu.memory_space<vmem>>
    %dma_start3A_63 = arith.constant 0 : i32
    %dma_start3A_64 = arith.constant 0 : i32
    %dma_start3A_65 = tpu.memref_slice %arg9[%dma_start3A_63, %dma_start3A_64] : memref<944x64xf32, #tpu.memory_space<hbm>> -> memref<944x64xf32, #tpu.memory_space<hbm>>
    %dma_start3A_66 = tpu.memref_slice %arg30[%dma_start3A_57] : memref<4x!tpu.dma_semaphore, #tpu.memory_space<semaphore_mem>> -> memref<1x!tpu.dma_semaphore, #tpu.memory_space<semaphore_mem>>
    %dma_start3A_67 = tpu.memref_squeeze %dma_start3A_66 : memref<1x!tpu.dma_semaphore, #tpu.memory_space<semaphore_mem>> -> memref<!tpu.dma_semaphore, #tpu.memory_space<semaphore_mem>>
    tpu.enqueue_indirect_dma source(%dma_start3A_65 : memref<944x64xf32, #tpu.memory_space<hbm>>) target(%dma_start3A_60 : memref<128x64xf32, #tpu.memory_space<vmem>>) offsets(%dma_start3A_62 : memref<128xi32, #tpu.memory_space<vmem>>) semaphore(%dma_start3A_67 : memref<!tpu.dma_semaphore, #tpu.memory_space<semaphore_mem>>)
    %dma_start3A_68 = arith.constant 3 : i32
    %dma_start3A_69 = arith.constant 384 : i32
    %dma_start3A_70 = arith.constant 0 : i32
    %dma_start3A_71 = tpu.memref_slice %arg24[%dma_start3A_69, %dma_start3A_70] : memref<512x64xf32, #tpu.memory_space<vmem>> -> memref<128x64xf32, #tpu.memory_space<vmem>>
    %dma_start3A_72 = arith.constant 384 : i32
    %dma_start3A_73 = tpu.memref_slice %arg16[%dma_start3A_72] : memref<512xi32, #tpu.memory_space<vmem>> -> memref<128xi32, #tpu.memory_space<vmem>>
    %dma_start3A_74 = arith.constant 0 : i32
    %dma_start3A_75 = arith.constant 0 : i32
    %dma_start3A_76 = tpu.memref_slice %arg10[%dma_start3A_74, %dma_start3A_75] : memref<1683x64xf32, #tpu.memory_space<hbm>> -> memref<1683x64xf32, #tpu.memory_space<hbm>>
    %dma_start3A_77 = tpu.memref_slice %arg30[%dma_start3A_68] : memref<4x!tpu.dma_semaphore, #tpu.memory_space<semaphore_mem>> -> memref<1x!tpu.dma_semaphore, #tpu.memory_space<semaphore_mem>>
    %dma_start3A_78 = tpu.memref_squeeze %dma_start3A_77 : memref<1x!tpu.dma_semaphore, #tpu.memory_space<semaphore_mem>> -> memref<!tpu.dma_semaphore, #tpu.memory_space<semaphore_mem>>
    tpu.enqueue_indirect_dma source(%dma_start3A_76 : memref<1683x64xf32, #tpu.memory_space<hbm>>) target(%dma_start3A_71 : memref<128x64xf32, #tpu.memory_space<vmem>>) offsets(%dma_start3A_73 : memref<128xi32, #tpu.memory_space<vmem>>) semaphore(%dma_start3A_78 : memref<!tpu.dma_semaphore, #tpu.memory_space<semaphore_mem>>)
    %dma_start3A_79 = arith.constant 3 : i32
    %dma_start3A_80 = arith.constant 384 : i32
    %dma_start3A_81 = arith.constant 0 : i32
    %dma_start3A_82 = tpu.memref_slice %arg23[%dma_start3A_80, %dma_start3A_81] : memref<512x64xf32, #tpu.memory_space<vmem>> -> memref<128x64xf32, #tpu.memory_space<vmem>>
    %dma_start3A_83 = arith.constant 384 : i32
    %dma_start3A_84 = tpu.memref_slice %arg17[%dma_start3A_83] : memref<512xi32, #tpu.memory_space<vmem>> -> memref<128xi32, #tpu.memory_space<vmem>>
    %dma_start3A_85 = arith.constant 0 : i32
    %dma_start3A_86 = arith.constant 0 : i32
    %dma_start3A_87 = tpu.memref_slice %arg9[%dma_start3A_85, %dma_start3A_86] : memref<944x64xf32, #tpu.memory_space<hbm>> -> memref<944x64xf32, #tpu.memory_space<hbm>>
    %dma_start3A_88 = tpu.memref_slice %arg30[%dma_start3A_79] : memref<4x!tpu.dma_semaphore, #tpu.memory_space<semaphore_mem>> -> memref<1x!tpu.dma_semaphore, #tpu.memory_space<semaphore_mem>>
    %dma_start3A_89 = tpu.memref_squeeze %dma_start3A_88 : memref<1x!tpu.dma_semaphore, #tpu.memory_space<semaphore_mem>> -> memref<!tpu.dma_semaphore, #tpu.memory_space<semaphore_mem>>
    tpu.enqueue_indirect_dma source(%dma_start3A_87 : memref<944x64xf32, #tpu.memory_space<hbm>>) target(%dma_start3A_82 : memref<128x64xf32, #tpu.memory_space<vmem>>) offsets(%dma_start3A_84 : memref<128xi32, #tpu.memory_space<vmem>>) semaphore(%dma_start3A_89 : memref<!tpu.dma_semaphore, #tpu.memory_space<semaphore_mem>>)
    %dma_start3A_90 = tpu.memref_slice %arg3[%mul3A_2] : memref<16384xi32, #tpu.memory_space<hbm>> -> memref<512xi32, #tpu.memory_space<hbm>>
    %dma_start3A_91 = tpu.memref_slice %arg3[%mul3A_2] : memref<16384xi32, #tpu.memory_space<hbm>> -> memref<512xi32, #tpu.memory_space<hbm>>
    tpu.enqueue_dma source(%dma_start3A_91 : memref<512xi32, #tpu.memory_space<hbm>>) target(%arg18 : memref<512xi32, #tpu.memory_space<vmem>>) target_semaphore(%arg31 : memref<!tpu.dma_semaphore, #tpu.memory_space<semaphore_mem>>)
    %dma_start3A_92 = tpu.memref_slice %arg4[%mul3A_2] : memref<16384xi32, #tpu.memory_space<hbm>> -> memref<512xi32, #tpu.memory_space<hbm>>
    %dma_start3A_93 = tpu.memref_slice %arg4[%mul3A_2] : memref<16384xi32, #tpu.memory_space<hbm>> -> memref<512xi32, #tpu.memory_space<hbm>>
    tpu.enqueue_dma source(%dma_start3A_93 : memref<512xi32, #tpu.memory_space<hbm>>) target(%arg19 : memref<512xi32, #tpu.memory_space<vmem>>) target_semaphore(%arg31 : memref<!tpu.dma_semaphore, #tpu.memory_space<semaphore_mem>>)
    %dma_start3A_94 = tpu.memref_slice %arg6[%mul3A_2] : memref<16384xi32, #tpu.memory_space<hbm>> -> memref<512xi32, #tpu.memory_space<hbm>>
    %dma_start3A_95 = tpu.memref_slice %arg6[%mul3A_2] : memref<16384xi32, #tpu.memory_space<hbm>> -> memref<512xi32, #tpu.memory_space<hbm>>
    tpu.enqueue_dma source(%dma_start3A_95 : memref<512xi32, #tpu.memory_space<hbm>>) target(%arg20 : memref<512xi32, #tpu.memory_space<vmem>>) target_semaphore(%arg31 : memref<!tpu.dma_semaphore, #tpu.memory_space<semaphore_mem>>)
    %dma_start3A_96 = tpu.memref_slice %arg7[%mul3A_2] : memref<16384xi32, #tpu.memory_space<hbm>> -> memref<512xi32, #tpu.memory_space<hbm>>
    %dma_start3A_97 = tpu.memref_slice %arg7[%mul3A_2] : memref<16384xi32, #tpu.memory_space<hbm>> -> memref<512xi32, #tpu.memory_space<hbm>>
    tpu.enqueue_dma source(%dma_start3A_97 : memref<512xi32, #tpu.memory_space<hbm>>) target(%arg21 : memref<512xi32, #tpu.memory_space<vmem>>) target_semaphore(%arg31 : memref<!tpu.dma_semaphore, #tpu.memory_space<semaphore_mem>>)
    %dma_start3A_98 = tpu.memref_slice %arg8[%mul3A_2] : memref<16384xi32, #tpu.memory_space<hbm>> -> memref<512xi32, #tpu.memory_space<hbm>>
    %dma_start3A_99 = tpu.memref_slice %arg8[%mul3A_2] : memref<16384xi32, #tpu.memory_space<hbm>> -> memref<512xi32, #tpu.memory_space<hbm>>
    tpu.enqueue_dma source(%dma_start3A_99 : memref<512xi32, #tpu.memory_space<hbm>>) target(%arg22 : memref<512xi32, #tpu.memory_space<vmem>>) target_semaphore(%arg31 : memref<!tpu.dma_semaphore, #tpu.memory_space<semaphore_mem>>)
    tpu.enqueue_dma source(%arg11 : memref<14080xf32, #tpu.memory_space<hbm>>) target(%arg25 : memref<14080xf32, #tpu.memory_space<vmem>>) target_semaphore(%arg31 : memref<!tpu.dma_semaphore, #tpu.memory_space<semaphore_mem>>)
    tpu.enqueue_dma source(%arg12 : memref<6400xf32, #tpu.memory_space<hbm>>) target(%arg26 : memref<6400xf32, #tpu.memory_space<vmem>>) target_semaphore(%arg31 : memref<!tpu.dma_semaphore, #tpu.memory_space<semaphore_mem>>)
    tpu.enqueue_dma source(%arg13 : memref<1683xf32, #tpu.memory_space<hbm>>) target(%arg27 : memref<1683xf32, #tpu.memory_space<vmem>>) target_semaphore(%arg31 : memref<!tpu.dma_semaphore, #tpu.memory_space<semaphore_mem>>)
    tpu.enqueue_dma source(%arg14 : memref<100xf32, #tpu.memory_space<hbm>>) target(%arg28 : memref<100xf32, #tpu.memory_space<vmem>>) target_semaphore(%arg31 : memref<!tpu.dma_semaphore, #tpu.memory_space<semaphore_mem>>)
    %dma_wait3A = tpu.memref_slice %arg3[%mul3A_2] : memref<16384xi32, #tpu.memory_space<hbm>> -> memref<512xi32, #tpu.memory_space<hbm>>
    %dma_wait3A_100 = tpu.memref_slice %arg3[%mul3A_2] : memref<16384xi32, #tpu.memory_space<hbm>> -> memref<512xi32, #tpu.memory_space<hbm>>
    tpu.wait_dma2 semaphore(%arg31 : memref<!tpu.dma_semaphore, #tpu.memory_space<semaphore_mem>>) src(%dma_wait3A_100 : memref<512xi32, #tpu.memory_space<hbm>>) dst(%arg18 : memref<512xi32, #tpu.memory_space<vmem>>)
    %dma_wait3A_101 = tpu.memref_slice %arg4[%mul3A_2] : memref<16384xi32, #tpu.memory_space<hbm>> -> memref<512xi32, #tpu.memory_space<hbm>>
    %dma_wait3A_102 = tpu.memref_slice %arg4[%mul3A_2] : memref<16384xi32, #tpu.memory_space<hbm>> -> memref<512xi32, #tpu.memory_space<hbm>>
    tpu.wait_dma2 semaphore(%arg31 : memref<!tpu.dma_semaphore, #tpu.memory_space<semaphore_mem>>) src(%dma_wait3A_102 : memref<512xi32, #tpu.memory_space<hbm>>) dst(%arg19 : memref<512xi32, #tpu.memory_space<vmem>>)
    %dma_wait3A_103 = tpu.memref_slice %arg6[%mul3A_2] : memref<16384xi32, #tpu.memory_space<hbm>> -> memref<512xi32, #tpu.memory_space<hbm>>
    %dma_wait3A_104 = tpu.memref_slice %arg6[%mul3A_2] : memref<16384xi32, #tpu.memory_space<hbm>> -> memref<512xi32, #tpu.memory_space<hbm>>
    tpu.wait_dma2 semaphore(%arg31 : memref<!tpu.dma_semaphore, #tpu.memory_space<semaphore_mem>>) src(%dma_wait3A_104 : memref<512xi32, #tpu.memory_space<hbm>>) dst(%arg20 : memref<512xi32, #tpu.memory_space<vmem>>)
    %dma_wait3A_105 = tpu.memref_slice %arg7[%mul3A_2] : memref<16384xi32, #tpu.memory_space<hbm>> -> memref<512xi32, #tpu.memory_space<hbm>>
    %dma_wait3A_106 = tpu.memref_slice %arg7[%mul3A_2] : memref<16384xi32, #tpu.memory_space<hbm>> -> memref<512xi32, #tpu.memory_space<hbm>>
    tpu.wait_dma2 semaphore(%arg31 : memref<!tpu.dma_semaphore, #tpu.memory_space<semaphore_mem>>) src(%dma_wait3A_106 : memref<512xi32, #tpu.memory_space<hbm>>) dst(%arg21 : memref<512xi32, #tpu.memory_space<vmem>>)
    %dma_wait3A_107 = tpu.memref_slice %arg8[%mul3A_2] : memref<16384xi32, #tpu.memory_space<hbm>> -> memref<512xi32, #tpu.memory_space<hbm>>
    %dma_wait3A_108 = tpu.memref_slice %arg8[%mul3A_2] : memref<16384xi32, #tpu.memory_space<hbm>> -> memref<512xi32, #tpu.memory_space<hbm>>
    tpu.wait_dma2 semaphore(%arg31 : memref<!tpu.dma_semaphore, #tpu.memory_space<semaphore_mem>>) src(%dma_wait3A_108 : memref<512xi32, #tpu.memory_space<hbm>>) dst(%arg22 : memref<512xi32, #tpu.memory_space<vmem>>)
    tpu.wait_dma2 semaphore(%arg31 : memref<!tpu.dma_semaphore, #tpu.memory_space<semaphore_mem>>) src(%arg11 : memref<14080xf32, #tpu.memory_space<hbm>>) dst(%arg25 : memref<14080xf32, #tpu.memory_space<vmem>>)
    tpu.wait_dma2 semaphore(%arg31 : memref<!tpu.dma_semaphore, #tpu.memory_space<semaphore_mem>>) src(%arg12 : memref<6400xf32, #tpu.memory_space<hbm>>) dst(%arg26 : memref<6400xf32, #tpu.memory_space<vmem>>)
    tpu.wait_dma2 semaphore(%arg31 : memref<!tpu.dma_semaphore, #tpu.memory_space<semaphore_mem>>) src(%arg13 : memref<1683xf32, #tpu.memory_space<hbm>>) dst(%arg27 : memref<1683xf32, #tpu.memory_space<vmem>>)
    tpu.wait_dma2 semaphore(%arg31 : memref<!tpu.dma_semaphore, #tpu.memory_space<semaphore_mem>>) src(%arg14 : memref<100xf32, #tpu.memory_space<hbm>>) dst(%arg28 : memref<100xf32, #tpu.memory_space<vmem>>)
    %dma_wait3A_109 = arith.constant 0 : i32
    %dma_wait3A_110 = arith.constant 0 : i32
    %dma_wait3A_111 = arith.constant 0 : i32
    %dma_wait3A_112 = tpu.memref_slice %arg24[%dma_wait3A_110, %dma_wait3A_111] : memref<512x64xf32, #tpu.memory_space<vmem>> -> memref<128x64xf32, #tpu.memory_space<vmem>>
    %dma_wait3A_113 = arith.constant 0 : i32
    %dma_wait3A_114 = tpu.memref_slice %arg16[%dma_wait3A_113] : memref<512xi32, #tpu.memory_space<vmem>> -> memref<128xi32, #tpu.memory_space<vmem>>
    %dma_wait3A_115 = arith.constant 0 : i32
    %dma_wait3A_116 = arith.constant 0 : i32
    %dma_wait3A_117 = tpu.memref_slice %arg10[%dma_wait3A_115, %dma_wait3A_116] : memref<1683x64xf32, #tpu.memory_space<hbm>> -> memref<1683x64xf32, #tpu.memory_space<hbm>>
    %dma_wait3A_118 = tpu.memref_slice %arg30[%dma_wait3A_109] : memref<4x!tpu.dma_semaphore, #tpu.memory_space<semaphore_mem>> -> memref<1x!tpu.dma_semaphore, #tpu.memory_space<semaphore_mem>>
    %dma_wait3A_119 = tpu.memref_squeeze %dma_wait3A_118 : memref<1x!tpu.dma_semaphore, #tpu.memory_space<semaphore_mem>> -> memref<!tpu.dma_semaphore, #tpu.memory_space<semaphore_mem>>
    tpu.wait_indirect_dma semaphore(%dma_wait3A_119 : memref<!tpu.dma_semaphore, #tpu.memory_space<semaphore_mem>>) src(%dma_wait3A_117 : memref<1683x64xf32, #tpu.memory_space<hbm>>) dst(%dma_wait3A_112 : memref<128x64xf32, #tpu.memory_space<vmem>>)
    %dma_wait3A_120 = arith.constant 0 : i32
    %dma_wait3A_121 = arith.constant 0 : i32
    %dma_wait3A_122 = arith.constant 0 : i32
    %dma_wait3A_123 = tpu.memref_slice %arg23[%dma_wait3A_121, %dma_wait3A_122] : memref<512x64xf32, #tpu.memory_space<vmem>> -> memref<128x64xf32, #tpu.memory_space<vmem>>
    %dma_wait3A_124 = arith.constant 0 : i32
    %dma_wait3A_125 = tpu.memref_slice %arg17[%dma_wait3A_124] : memref<512xi32, #tpu.memory_space<vmem>> -> memref<128xi32, #tpu.memory_space<vmem>>
    %dma_wait3A_126 = arith.constant 0 : i32
    %dma_wait3A_127 = arith.constant 0 : i32
    %dma_wait3A_128 = tpu.memref_slice %arg9[%dma_wait3A_126, %dma_wait3A_127] : memref<944x64xf32, #tpu.memory_space<hbm>> -> memref<944x64xf32, #tpu.memory_space<hbm>>
    %dma_wait3A_129 = tpu.memref_slice %arg30[%dma_wait3A_120] : memref<4x!tpu.dma_semaphore, #tpu.memory_space<semaphore_mem>> -> memref<1x!tpu.dma_semaphore, #tpu.memory_space<semaphore_mem>>
    %dma_wait3A_130 = tpu.memref_squeeze %dma_wait3A_129 : memref<1x!tpu.dma_semaphore, #tpu.memory_space<semaphore_mem>> -> memref<!tpu.dma_semaphore, #tpu.memory_space<semaphore_mem>>
    tpu.wait_indirect_dma semaphore(%dma_wait3A_130 : memref<!tpu.dma_semaphore, #tpu.memory_space<semaphore_mem>>) src(%dma_wait3A_128 : memref<944x64xf32, #tpu.memory_space<hbm>>) dst(%dma_wait3A_123 : memref<128x64xf32, #tpu.memory_space<vmem>>)
    %dma_wait3A_131 = arith.constant 1 : i32
    %dma_wait3A_132 = arith.constant 128 : i32
    %dma_wait3A_133 = arith.constant 0 : i32
    %dma_wait3A_134 = tpu.memref_slice %arg24[%dma_wait3A_132, %dma_wait3A_133] : memref<512x64xf32, #tpu.memory_space<vmem>> -> memref<128x64xf32, #tpu.memory_space<vmem>>
    %dma_wait3A_135 = arith.constant 128 : i32
    %dma_wait3A_136 = tpu.memref_slice %arg16[%dma_wait3A_135] : memref<512xi32, #tpu.memory_space<vmem>> -> memref<128xi32, #tpu.memory_space<vmem>>
    %dma_wait3A_137 = arith.constant 0 : i32
    %dma_wait3A_138 = arith.constant 0 : i32
    %dma_wait3A_139 = tpu.memref_slice %arg10[%dma_wait3A_137, %dma_wait3A_138] : memref<1683x64xf32, #tpu.memory_space<hbm>> -> memref<1683x64xf32, #tpu.memory_space<hbm>>
    %dma_wait3A_140 = tpu.memref_slice %arg30[%dma_wait3A_131] : memref<4x!tpu.dma_semaphore, #tpu.memory_space<semaphore_mem>> -> memref<1x!tpu.dma_semaphore, #tpu.memory_space<semaphore_mem>>
    %dma_wait3A_141 = tpu.memref_squeeze %dma_wait3A_140 : memref<1x!tpu.dma_semaphore, #tpu.memory_space<semaphore_mem>> -> memref<!tpu.dma_semaphore, #tpu.memory_space<semaphore_mem>>
    tpu.wait_indirect_dma semaphore(%dma_wait3A_141 : memref<!tpu.dma_semaphore, #tpu.memory_space<semaphore_mem>>) src(%dma_wait3A_139 : memref<1683x64xf32, #tpu.memory_space<hbm>>) dst(%dma_wait3A_134 : memref<128x64xf32, #tpu.memory_space<vmem>>)
    %dma_wait3A_142 = arith.constant 1 : i32
    %dma_wait3A_143 = arith.constant 128 : i32
    %dma_wait3A_144 = arith.constant 0 : i32
    %dma_wait3A_145 = tpu.memref_slice %arg23[%dma_wait3A_143, %dma_wait3A_144] : memref<512x64xf32, #tpu.memory_space<vmem>> -> memref<128x64xf32, #tpu.memory_space<vmem>>
    %dma_wait3A_146 = arith.constant 128 : i32
    %dma_wait3A_147 = tpu.memref_slice %arg17[%dma_wait3A_146] : memref<512xi32, #tpu.memory_space<vmem>> -> memref<128xi32, #tpu.memory_space<vmem>>
    %dma_wait3A_148 = arith.constant 0 : i32
    %dma_wait3A_149 = arith.constant 0 : i32
    %dma_wait3A_150 = tpu.memref_slice %arg9[%dma_wait3A_148, %dma_wait3A_149] : memref<944x64xf32, #tpu.memory_space<hbm>> -> memref<944x64xf32, #tpu.memory_space<hbm>>
    %dma_wait3A_151 = tpu.memref_slice %arg30[%dma_wait3A_142] : memref<4x!tpu.dma_semaphore, #tpu.memory_space<semaphore_mem>> -> memref<1x!tpu.dma_semaphore, #tpu.memory_space<semaphore_mem>>
    %dma_wait3A_152 = tpu.memref_squeeze %dma_wait3A_151 : memref<1x!tpu.dma_semaphore, #tpu.memory_space<semaphore_mem>> -> memref<!tpu.dma_semaphore, #tpu.memory_space<semaphore_mem>>
    tpu.wait_indirect_dma semaphore(%dma_wait3A_152 : memref<!tpu.dma_semaphore, #tpu.memory_space<semaphore_mem>>) src(%dma_wait3A_150 : memref<944x64xf32, #tpu.memory_space<hbm>>) dst(%dma_wait3A_145 : memref<128x64xf32, #tpu.memory_space<vmem>>)
    %dma_wait3A_153 = arith.constant 2 : i32
    %dma_wait3A_154 = arith.constant 256 : i32
    %dma_wait3A_155 = arith.constant 0 : i32
    %dma_wait3A_156 = tpu.memref_slice %arg24[%dma_wait3A_154, %dma_wait3A_155] : memref<512x64xf32, #tpu.memory_space<vmem>> -> memref<128x64xf32, #tpu.memory_space<vmem>>
    %dma_wait3A_157 = arith.constant 256 : i32
    %dma_wait3A_158 = tpu.memref_slice %arg16[%dma_wait3A_157] : memref<512xi32, #tpu.memory_space<vmem>> -> memref<128xi32, #tpu.memory_space<vmem>>
    %dma_wait3A_159 = arith.constant 0 : i32
    %dma_wait3A_160 = arith.constant 0 : i32
    %dma_wait3A_161 = tpu.memref_slice %arg10[%dma_wait3A_159, %dma_wait3A_160] : memref<1683x64xf32, #tpu.memory_space<hbm>> -> memref<1683x64xf32, #tpu.memory_space<hbm>>
    %dma_wait3A_162 = tpu.memref_slice %arg30[%dma_wait3A_153] : memref<4x!tpu.dma_semaphore, #tpu.memory_space<semaphore_mem>> -> memref<1x!tpu.dma_semaphore, #tpu.memory_space<semaphore_mem>>
    %dma_wait3A_163 = tpu.memref_squeeze %dma_wait3A_162 : memref<1x!tpu.dma_semaphore, #tpu.memory_space<semaphore_mem>> -> memref<!tpu.dma_semaphore, #tpu.memory_space<semaphore_mem>>
    tpu.wait_indirect_dma semaphore(%dma_wait3A_163 : memref<!tpu.dma_semaphore, #tpu.memory_space<semaphore_mem>>) src(%dma_wait3A_161 : memref<1683x64xf32, #tpu.memory_space<hbm>>) dst(%dma_wait3A_156 : memref<128x64xf32, #tpu.memory_space<vmem>>)
    %dma_wait3A_164 = arith.constant 2 : i32
    %dma_wait3A_165 = arith.constant 256 : i32
    %dma_wait3A_166 = arith.constant 0 : i32
    %dma_wait3A_167 = tpu.memref_slice %arg23[%dma_wait3A_165, %dma_wait3A_166] : memref<512x64xf32, #tpu.memory_space<vmem>> -> memref<128x64xf32, #tpu.memory_space<vmem>>
    %dma_wait3A_168 = arith.constant 256 : i32
    %dma_wait3A_169 = tpu.memref_slice %arg17[%dma_wait3A_168] : memref<512xi32, #tpu.memory_space<vmem>> -> memref<128xi32, #tpu.memory_space<vmem>>
    %dma_wait3A_170 = arith.constant 0 : i32
    %dma_wait3A_171 = arith.constant 0 : i32
    %dma_wait3A_172 = tpu.memref_slice %arg9[%dma_wait3A_170, %dma_wait3A_171] : memref<944x64xf32, #tpu.memory_space<hbm>> -> memref<944x64xf32, #tpu.memory_space<hbm>>
    %dma_wait3A_173 = tpu.memref_slice %arg30[%dma_wait3A_164] : memref<4x!tpu.dma_semaphore, #tpu.memory_space<semaphore_mem>> -> memref<1x!tpu.dma_semaphore, #tpu.memory_space<semaphore_mem>>
    %dma_wait3A_174 = tpu.memref_squeeze %dma_wait3A_173 : memref<1x!tpu.dma_semaphore, #tpu.memory_space<semaphore_mem>> -> memref<!tpu.dma_semaphore, #tpu.memory_space<semaphore_mem>>
    tpu.wait_indirect_dma semaphore(%dma_wait3A_174 : memref<!tpu.dma_semaphore, #tpu.memory_space<semaphore_mem>>) src(%dma_wait3A_172 : memref<944x64xf32, #tpu.memory_space<hbm>>) dst(%dma_wait3A_167 : memref<128x64xf32, #tpu.memory_space<vmem>>)
    %dma_wait3A_175 = arith.constant 3 : i32
    %dma_wait3A_176 = arith.constant 384 : i32
    %dma_wait3A_177 = arith.constant 0 : i32
    %dma_wait3A_178 = tpu.memref_slice %arg24[%dma_wait3A_176, %dma_wait3A_177] : memref<512x64xf32, #tpu.memory_space<vmem>> -> memref<128x64xf32, #tpu.memory_space<vmem>>
    %dma_wait3A_179 = arith.constant 384 : i32
    %dma_wait3A_180 = tpu.memref_slice %arg16[%dma_wait3A_179] : memref<512xi32, #tpu.memory_space<vmem>> -> memref<128xi32, #tpu.memory_space<vmem>>
    %dma_wait3A_181 = arith.constant 0 : i32
    %dma_wait3A_182 = arith.constant 0 : i32
    %dma_wait3A_183 = tpu.memref_slice %arg10[%dma_wait3A_181, %dma_wait3A_182] : memref<1683x64xf32, #tpu.memory_space<hbm>> -> memref<1683x64xf32, #tpu.memory_space<hbm>>
    %dma_wait3A_184 = tpu.memref_slice %arg30[%dma_wait3A_175] : memref<4x!tpu.dma_semaphore, #tpu.memory_space<semaphore_mem>> -> memref<1x!tpu.dma_semaphore, #tpu.memory_space<semaphore_mem>>
    %dma_wait3A_185 = tpu.memref_squeeze %dma_wait3A_184 : memref<1x!tpu.dma_semaphore, #tpu.memory_space<semaphore_mem>> -> memref<!tpu.dma_semaphore, #tpu.memory_space<semaphore_mem>>
    tpu.wait_indirect_dma semaphore(%dma_wait3A_185 : memref<!tpu.dma_semaphore, #tpu.memory_space<semaphore_mem>>) src(%dma_wait3A_183 : memref<1683x64xf32, #tpu.memory_space<hbm>>) dst(%dma_wait3A_178 : memref<128x64xf32, #tpu.memory_space<vmem>>)
    %dma_wait3A_186 = arith.constant 3 : i32
    %dma_wait3A_187 = arith.constant 384 : i32
    %dma_wait3A_188 = arith.constant 0 : i32
    %dma_wait3A_189 = tpu.memref_slice %arg23[%dma_wait3A_187, %dma_wait3A_188] : memref<512x64xf32, #tpu.memory_space<vmem>> -> memref<128x64xf32, #tpu.memory_space<vmem>>
    %dma_wait3A_190 = arith.constant 384 : i32
    %dma_wait3A_191 = tpu.memref_slice %arg17[%dma_wait3A_190] : memref<512xi32, #tpu.memory_space<vmem>> -> memref<128xi32, #tpu.memory_space<vmem>>
    %dma_wait3A_192 = arith.constant 0 : i32
    %dma_wait3A_193 = arith.constant 0 : i32
    %dma_wait3A_194 = tpu.memref_slice %arg9[%dma_wait3A_192, %dma_wait3A_193] : memref<944x64xf32, #tpu.memory_space<hbm>> -> memref<944x64xf32, #tpu.memory_space<hbm>>
    %dma_wait3A_195 = tpu.memref_slice %arg30[%dma_wait3A_186] : memref<4x!tpu.dma_semaphore, #tpu.memory_space<semaphore_mem>> -> memref<1x!tpu.dma_semaphore, #tpu.memory_space<semaphore_mem>>
    %dma_wait3A_196 = tpu.memref_squeeze %dma_wait3A_195 : memref<1x!tpu.dma_semaphore, #tpu.memory_space<semaphore_mem>> -> memref<!tpu.dma_semaphore, #tpu.memory_space<semaphore_mem>>
    tpu.wait_indirect_dma semaphore(%dma_wait3A_196 : memref<!tpu.dma_semaphore, #tpu.memory_space<semaphore_mem>>) src(%dma_wait3A_194 : memref<944x64xf32, #tpu.memory_space<hbm>>) dst(%dma_wait3A_189 : memref<128x64xf32, #tpu.memory_space<vmem>>)
    %iota3A = tpu.iota {dimensions = array<i32: 0>} : vector<16xi32>
    %scan3A = arith.constant 0 : i32
    %scan3A_197 = arith.constant 0 : i32
    %scan3A_198 = arith.constant 32 : i32
    %scan3A_199 = arith.addi %scan3A_197, %scan3A_198 : i32
    %scan3A_200 = arith.constant 1 : i32
    scf.for %scan3A_202 = %scan3A_197 to %scan3A_199 step %scan3A_200  : i32 {
      %mul3A_203 = arith.constant 16 : i32
      %mul3A_204 = arith.muli %scan3A_202, %mul3A_203 : i32
      %get3A = arith.index_cast %mul3A_204 : i32 to index
      %get3A_205 = tpu.vector_load %arg16[%get3A] {strides = array<i32>} : memref<512xi32, #tpu.memory_space<vmem>>, vector<16xi32>,
      %get3A_206 = arith.index_cast %mul3A_204 : i32 to index
      %get3A_207 = tpu.vector_load %arg18[%get3A_206] {strides = array<i32>} : memref<512xi32, #tpu.memory_space<vmem>>, vector<16xi32>,
      %get3A_208 = arith.index_cast %mul3A_204 : i32 to index
      %get3A_209 = tpu.vector_load %arg19[%get3A_208] {strides = array<i32>} : memref<512xi32, #tpu.memory_space<vmem>>, vector<16xi32>,
      %get3A_210 = arith.index_cast %mul3A_204 : i32 to index
      %get3A_211 = tpu.vector_load %arg20[%get3A_210] {strides = array<i32>} : memref<512xi32, #tpu.memory_space<vmem>>, vector<16xi32>,
      %get3A_212 = arith.index_cast %mul3A_204 : i32 to index
      %get3A_213 = tpu.vector_load %arg21[%get3A_212] {strides = array<i32>} : memref<512xi32, #tpu.memory_space<vmem>>, vector<16xi32>,
      %get3A_214 = arith.index_cast %mul3A_204 : i32 to index
      %get3A_215 = tpu.vector_load %arg22[%get3A_214] {strides = array<i32>} : memref<512xi32, #tpu.memory_space<vmem>>, vector<16xi32>,
      %mul3A_216 = arith.constant 10 : i32
      %mul3A_217 = vector.broadcast %mul3A_216 : i32 to vector<16xi32>
      %mul3A_218 = arith.muli %get3A_211, %mul3A_217 : vector<16xi32>
      %mul3A_219 = arith.constant 5 : i32
      %mul3A_220 = vector.broadcast %mul3A_219 : i32 to vector<16xi32>
      %mul3A_221 = arith.muli %get3A_213, %mul3A_220 : vector<16xi32>
      %add3A_222 = arith.addi %mul3A_218, %mul3A_221 : vector<16xi32>
      %add3A_223 = arith.addi %add3A_222, %get3A_215 : vector<16xi32>
      %mul3A_224 = arith.constant 20 : i32
      %mul3A_225 = vector.broadcast %mul3A_224 : i32 to vector<16xi32>
      %mul3A_226 = arith.muli %get3A_207, %mul3A_225 : vector<16xi32>
      %add3A_227 = arith.addi %mul3A_226, %get3A_209 : vector<16xi32>
      %gather3A = tpu.vector_load_idx %arg27[%get3A_205] : memref<1683xf32, #tpu.memory_space<vmem>>[vector<16xi32>], vector<16xf32>,
      %gather3A_228 = tpu.vector_load_idx %arg28[%add3A_227] : memref<100xf32, #tpu.memory_space<vmem>>[vector<16xi32>], vector<16xf32>,
      %add3A_229 = arith.addf %gather3A, %gather3A_228 : vector<16xf32>
      %mul3A_230 = arith.constant 64 : i32
      %mul3A_231 = vector.broadcast %mul3A_230 : i32 to vector<16xi32>
      %mul3A_232 = arith.muli %add3A_223, %mul3A_231 : vector<16xi32>
      %mul3A_233 = arith.constant 64 : i32
      %mul3A_234 = vector.broadcast %mul3A_233 : i32 to vector<16xi32>
      %mul3A_235 = arith.muli %add3A_227, %mul3A_234 : vector<16xi32>
      %add3A_236 = vector.broadcast %mul3A_204 : i32 to vector<16xi32>
      %add3A_237 = arith.addi %iota3A, %add3A_236 : vector<16xi32>
      %broadcast_in_dim3A = arith.constant 0.000000e+00 : f32
      %broadcast_in_dim3A_238 = vector.broadcast %broadcast_in_dim3A : f32 to vector<16xf32>
      %broadcast_in_dim3A_239 = arith.constant 0.000000e+00 : f32
      %broadcast_in_dim3A_240 = vector.broadcast %broadcast_in_dim3A_239 : f32 to vector<16xf32>
      %broadcast_in_dim3A_241 = arith.constant 0.000000e+00 : f32
      %broadcast_in_dim3A_242 = vector.broadcast %broadcast_in_dim3A_241 : f32 to vector<16xf32>
      %broadcast_in_dim3A_243 = arith.constant 0.000000e+00 : f32
      %broadcast_in_dim3A_244 = vector.broadcast %broadcast_in_dim3A_243 : f32 to vector<16xf32>
      %add3A_245 = arith.constant 0 : i32
      %add3A_246 = vector.broadcast %add3A_245 : i32 to vector<16xi32>
      %add3A_247 = arith.addi %iota3A, %add3A_246 : vector<16xi32>
      %and3A = arith.constant 63 : i32
      %and3A_248 = vector.broadcast %and3A : i32 to vector<16xi32>
      %and3A_249 = arith.andi %add3A_247, %and3A_248 : vector<16xi32>
      %gather3A_250 = tpu.vector_load_idx %arg23[%add3A_237, %and3A_249] : memref<512x64xf32, #tpu.memory_space<vmem>>[vector<16xi32>, vector<16xi32>], vector<16xf32>,
      %add3A_251 = arith.addi %mul3A_232, %and3A_249 : vector<16xi32>
      %gather3A_252 = tpu.vector_load_idx %arg25[%add3A_251] : memref<14080xf32, #tpu.memory_space<vmem>>[vector<16xi32>], vector<16xf32>,
      %add3A_253 = arith.addf %gather3A_250, %gather3A_252 : vector<16xf32>
      %gather3A_254 = tpu.vector_load_idx %arg24[%add3A_237, %and3A_249] : memref<512x64xf32, #tpu.memory_space<vmem>>[vector<16xi32>, vector<16xi32>], vector<16xf32>,
      %add3A_255 = arith.addi %mul3A_235, %and3A_249 : vector<16xi32>
      %gather3A_256 = tpu.vector_load_idx %arg26[%add3A_255] : memref<6400xf32, #tpu.memory_space<vmem>>[vector<16xi32>], vector<16xf32>,
      %add3A_257 = arith.addf %gather3A_254, %gather3A_256 : vector<16xf32>
      %mul3A_258 = arith.mulf %add3A_253, %add3A_257 : vector<16xf32>
      %add3A_259 = arith.addf %broadcast_in_dim3A_238, %mul3A_258 : vector<16xf32>
      %add3A_260 = arith.constant 1 : i32
      %add3A_261 = vector.broadcast %add3A_260 : i32 to vector<16xi32>
      %add3A_262 = arith.addi %iota3A, %add3A_261 : vector<16xi32>
      %and3A_263 = arith.constant 63 : i32
      %and3A_264 = vector.broadcast %and3A_263 : i32 to vector<16xi32>
      %and3A_265 = arith.andi %add3A_262, %and3A_264 : vector<16xi32>
      %gather3A_266 = tpu.vector_load_idx %arg23[%add3A_237, %and3A_265] : memref<512x64xf32, #tpu.memory_space<vmem>>[vector<16xi32>, vector<16xi32>], vector<16xf32>,
      %add3A_267 = arith.addi %mul3A_232, %and3A_265 : vector<16xi32>
      %gather3A_268 = tpu.vector_load_idx %arg25[%add3A_267] : memref<14080xf32, #tpu.memory_space<vmem>>[vector<16xi32>], vector<16xf32>,
      %add3A_269 = arith.addf %gather3A_266, %gather3A_268 : vector<16xf32>
      %gather3A_270 = tpu.vector_load_idx %arg24[%add3A_237, %and3A_265] : memref<512x64xf32, #tpu.memory_space<vmem>>[vector<16xi32>, vector<16xi32>], vector<16xf32>,
      %add3A_271 = arith.addi %mul3A_235, %and3A_265 : vector<16xi32>
      %gather3A_272 = tpu.vector_load_idx %arg26[%add3A_271] : memref<6400xf32, #tpu.memory_space<vmem>>[vector<16xi32>], vector<16xf32>,
      %add3A_273 = arith.addf %gather3A_270, %gather3A_272 : vector<16xf32>
      %mul3A_274 = arith.mulf %add3A_269, %add3A_273 : vector<16xf32>
      %add3A_275 = arith.addf %broadcast_in_dim3A_240, %mul3A_274 : vector<16xf32>
      %add3A_276 = arith.constant 2 : i32
      %add3A_277 = vector.broadcast %add3A_276 : i32 to vector<16xi32>
      %add3A_278 = arith.addi %iota3A, %add3A_277 : vector<16xi32>
      %and3A_279 = arith.constant 63 : i32
      %and3A_280 = vector.broadcast %and3A_279 : i32 to vector<16xi32>
      %and3A_281 = arith.andi %add3A_278, %and3A_280 : vector<16xi32>
      %gather3A_282 = tpu.vector_load_idx %arg23[%add3A_237, %and3A_281] : memref<512x64xf32, #tpu.memory_space<vmem>>[vector<16xi32>, vector<16xi32>], vector<16xf32>,
      %add3A_283 = arith.addi %mul3A_232, %and3A_281 : vector<16xi32>
      %gather3A_284 = tpu.vector_load_idx %arg25[%add3A_283] : memref<14080xf32, #tpu.memory_space<vmem>>[vector<16xi32>], vector<16xf32>,
      %add3A_285 = arith.addf %gather3A_282, %gather3A_284 : vector<16xf32>
      %gather3A_286 = tpu.vector_load_idx %arg24[%add3A_237, %and3A_281] : memref<512x64xf32, #tpu.memory_space<vmem>>[vector<16xi32>, vector<16xi32>], vector<16xf32>,
      %add3A_287 = arith.addi %mul3A_235, %and3A_281 : vector<16xi32>
      %gather3A_288 = tpu.vector_load_idx %arg26[%add3A_287] : memref<6400xf32, #tpu.memory_space<vmem>>[vector<16xi32>], vector<16xf32>,
      %add3A_289 = arith.addf %gather3A_286, %gather3A_288 : vector<16xf32>
      %mul3A_290 = arith.mulf %add3A_285, %add3A_289 : vector<16xf32>
      %add3A_291 = arith.addf %broadcast_in_dim3A_242, %mul3A_290 : vector<16xf32>
      %add3A_292 = arith.constant 3 : i32
      %add3A_293 = vector.broadcast %add3A_292 : i32 to vector<16xi32>
      %add3A_294 = arith.addi %iota3A, %add3A_293 : vector<16xi32>
      %and3A_295 = arith.constant 63 : i32
      %and3A_296 = vector.broadcast %and3A_295 : i32 to vector<16xi32>
      %and3A_297 = arith.andi %add3A_294, %and3A_296 : vector<16xi32>
      %gather3A_298 = tpu.vector_load_idx %arg23[%add3A_237, %and3A_297] : memref<512x64xf32, #tpu.memory_space<vmem>>[vector<16xi32>, vector<16xi32>], vector<16xf32>,
      %add3A_299 = arith.addi %mul3A_232, %and3A_297 : vector<16xi32>
      %gather3A_300 = tpu.vector_load_idx %arg25[%add3A_299] : memref<14080xf32, #tpu.memory_space<vmem>>[vector<16xi32>], vector<16xf32>,
      %add3A_301 = arith.addf %gather3A_298, %gather3A_300 : vector<16xf32>
      %gather3A_302 = tpu.vector_load_idx %arg24[%add3A_237, %and3A_297] : memref<512x64xf32, #tpu.memory_space<vmem>>[vector<16xi32>, vector<16xi32>], vector<16xf32>,
      %add3A_303 = arith.addi %mul3A_235, %and3A_297 : vector<16xi32>
      %gather3A_304 = tpu.vector_load_idx %arg26[%add3A_303] : memref<6400xf32, #tpu.memory_space<vmem>>[vector<16xi32>], vector<16xf32>,
      %add3A_305 = arith.addf %gather3A_302, %gather3A_304 : vector<16xf32>
      %mul3A_306 = arith.mulf %add3A_301, %add3A_305 : vector<16xf32>
      %add3A_307 = arith.addf %broadcast_in_dim3A_244, %mul3A_306 : vector<16xf32>
      %add3A_308 = arith.constant 4 : i32
      %add3A_309 = vector.broadcast %add3A_308 : i32 to vector<16xi32>
      %add3A_310 = arith.addi %iota3A, %add3A_309 : vector<16xi32>
      %and3A_311 = arith.constant 63 : i32
      %and3A_312 = vector.broadcast %and3A_311 : i32 to vector<16xi32>
      %and3A_313 = arith.andi %add3A_310, %and3A_312 : vector<16xi32>
      %gather3A_314 = tpu.vector_load_idx %arg23[%add3A_237, %and3A_313] : memref<512x64xf32, #tpu.memory_space<vmem>>[vector<16xi32>, vector<16xi32>], vector<16xf32>,
      %add3A_315 = arith.addi %mul3A_232, %and3A_313 : vector<16xi32>
      %gather3A_316 = tpu.vector_load_idx %arg25[%add3A_315] : memref<14080xf32, #tpu.memory_space<vmem>>[vector<16xi32>], vector<16xf32>,
      %add3A_317 = arith.addf %gather3A_314, %gather3A_316 : vector<16xf32>
      %gather3A_318 = tpu.vector_load_idx %arg24[%add3A_237, %and3A_313] : memref<512x64xf32, #tpu.memory_space<vmem>>[vector<16xi32>, vector<16xi32>], vector<16xf32>,
      %add3A_319 = arith.addi %mul3A_235, %and3A_313 : vector<16xi32>
      %gather3A_320 = tpu.vector_load_idx %arg26[%add3A_319] : memref<6400xf32, #tpu.memory_space<vmem>>[vector<16xi32>], vector<16xf32>,
      %add3A_321 = arith.addf %gather3A_318, %gather3A_320 : vector<16xf32>
      %mul3A_322 = arith.mulf %add3A_317, %add3A_321 : vector<16xf32>
      %add3A_323 = arith.addf %add3A_259, %mul3A_322 : vector<16xf32>
      %add3A_324 = arith.constant 5 : i32
      %add3A_325 = vector.broadcast %add3A_324 : i32 to vector<16xi32>
      %add3A_326 = arith.addi %iota3A, %add3A_325 : vector<16xi32>
      %and3A_327 = arith.constant 63 : i32
      %and3A_328 = vector.broadcast %and3A_327 : i32 to vector<16xi32>
      %and3A_329 = arith.andi %add3A_326, %and3A_328 : vector<16xi32>
      %gather3A_330 = tpu.vector_load_idx %arg23[%add3A_237, %and3A_329] : memref<512x64xf32, #tpu.memory_space<vmem>>[vector<16xi32>, vector<16xi32>], vector<16xf32>,
      %add3A_331 = arith.addi %mul3A_232, %and3A_329 : vector<16xi32>
      %gather3A_332 = tpu.vector_load_idx %arg25[%add3A_331] : memref<14080xf32, #tpu.memory_space<vmem>>[vector<16xi32>], vector<16xf32>,
      %add3A_333 = arith.addf %gather3A_330, %gather3A_332 : vector<16xf32>
      %gather3A_334 = tpu.vector_load_idx %arg24[%add3A_237, %and3A_329] : memref<512x64xf32, #tpu.memory_space<vmem>>[vector<16xi32>, vector<16xi32>], vector<16xf32>,
      %add3A_335 = arith.addi %mul3A_235, %and3A_329 : vector<16xi32>
      %gather3A_336 = tpu.vector_load_idx %arg26[%add3A_335] : memref<6400xf32, #tpu.memory_space<vmem>>[vector<16xi32>], vector<16xf32>,
      %add3A_337 = arith.addf %gather3A_334, %gather3A_336 : vector<16xf32>
      %mul3A_338 = arith.mulf %add3A_333, %add3A_337 : vector<16xf32>
      %add3A_339 = arith.addf %add3A_275, %mul3A_338 : vector<16xf32>
      %add3A_340 = arith.constant 6 : i32
      %add3A_341 = vector.broadcast %add3A_340 : i32 to vector<16xi32>
      %add3A_342 = arith.addi %iota3A, %add3A_341 : vector<16xi32>
      %and3A_343 = arith.constant 63 : i32
      %and3A_344 = vector.broadcast %and3A_343 : i32 to vector<16xi32>
      %and3A_345 = arith.andi %add3A_342, %and3A_344 : vector<16xi32>
      %gather3A_346 = tpu.vector_load_idx %arg23[%add3A_237, %and3A_345] : memref<512x64xf32, #tpu.memory_space<vmem>>[vector<16xi32>, vector<16xi32>], vector<16xf32>,
      %add3A_347 = arith.addi %mul3A_232, %and3A_345 : vector<16xi32>
      %gather3A_348 = tpu.vector_load_idx %arg25[%add3A_347] : memref<14080xf32, #tpu.memory_space<vmem>>[vector<16xi32>], vector<16xf32>,
      %add3A_349 = arith.addf %gather3A_346, %gather3A_348 : vector<16xf32>
      %gather3A_350 = tpu.vector_load_idx %arg24[%add3A_237, %and3A_345] : memref<512x64xf32, #tpu.memory_space<vmem>>[vector<16xi32>, vector<16xi32>], vector<16xf32>,
      %add3A_351 = arith.addi %mul3A_235, %and3A_345 : vector<16xi32>
      %gather3A_352 = tpu.vector_load_idx %arg26[%add3A_351] : memref<6400xf32, #tpu.memory_space<vmem>>[vector<16xi32>], vector<16xf32>,
      %add3A_353 = arith.addf %gather3A_350, %gather3A_352 : vector<16xf32>
      %mul3A_354 = arith.mulf %add3A_349, %add3A_353 : vector<16xf32>
      %add3A_355 = arith.addf %add3A_291, %mul3A_354 : vector<16xf32>
      %add3A_356 = arith.constant 7 : i32
      %add3A_357 = vector.broadcast %add3A_356 : i32 to vector<16xi32>
      %add3A_358 = arith.addi %iota3A, %add3A_357 : vector<16xi32>
      %and3A_359 = arith.constant 63 : i32
      %and3A_360 = vector.broadcast %and3A_359 : i32 to vector<16xi32>
      %and3A_361 = arith.andi %add3A_358, %and3A_360 : vector<16xi32>
      %gather3A_362 = tpu.vector_load_idx %arg23[%add3A_237, %and3A_361] : memref<512x64xf32, #tpu.memory_space<vmem>>[vector<16xi32>, vector<16xi32>], vector<16xf32>,
      %add3A_363 = arith.addi %mul3A_232, %and3A_361 : vector<16xi32>
      %gather3A_364 = tpu.vector_load_idx %arg25[%add3A_363] : memref<14080xf32, #tpu.memory_space<vmem>>[vector<16xi32>], vector<16xf32>,
      %add3A_365 = arith.addf %gather3A_362, %gather3A_364 : vector<16xf32>
      %gather3A_366 = tpu.vector_load_idx %arg24[%add3A_237, %and3A_361] : memref<512x64xf32, #tpu.memory_space<vmem>>[vector<16xi32>, vector<16xi32>], vector<16xf32>,
      %add3A_367 = arith.addi %mul3A_235, %and3A_361 : vector<16xi32>
      %gather3A_368 = tpu.vector_load_idx %arg26[%add3A_367] : memref<6400xf32, #tpu.memory_space<vmem>>[vector<16xi32>], vector<16xf32>,
      %add3A_369 = arith.addf %gather3A_366, %gather3A_368 : vector<16xf32>
      %mul3A_370 = arith.mulf %add3A_365, %add3A_369 : vector<16xf32>
      %add3A_371 = arith.addf %add3A_307, %mul3A_370 : vector<16xf32>
      %add3A_372 = arith.constant 8 : i32
      %add3A_373 = vector.broadcast %add3A_372 : i32 to vector<16xi32>
      %add3A_374 = arith.addi %iota3A, %add3A_373 : vector<16xi32>
      %and3A_375 = arith.constant 63 : i32
      %and3A_376 = vector.broadcast %and3A_375 : i32 to vector<16xi32>
      %and3A_377 = arith.andi %add3A_374, %and3A_376 : vector<16xi32>
      %gather3A_378 = tpu.vector_load_idx %arg23[%add3A_237, %and3A_377] : memref<512x64xf32, #tpu.memory_space<vmem>>[vector<16xi32>, vector<16xi32>], vector<16xf32>,
      %add3A_379 = arith.addi %mul3A_232, %and3A_377 : vector<16xi32>
      %gather3A_380 = tpu.vector_load_idx %arg25[%add3A_379] : memref<14080xf32, #tpu.memory_space<vmem>>[vector<16xi32>], vector<16xf32>,
      %add3A_381 = arith.addf %gather3A_378, %gather3A_380 : vector<16xf32>
      %gather3A_382 = tpu.vector_load_idx %arg24[%add3A_237, %and3A_377] : memref<512x64xf32, #tpu.memory_space<vmem>>[vector<16xi32>, vector<16xi32>], vector<16xf32>,
      %add3A_383 = arith.addi %mul3A_235, %and3A_377 : vector<16xi32>
      %gather3A_384 = tpu.vector_load_idx %arg26[%add3A_383] : memref<6400xf32, #tpu.memory_space<vmem>>[vector<16xi32>], vector<16xf32>,
      %add3A_385 = arith.addf %gather3A_382, %gather3A_384 : vector<16xf32>
      %mul3A_386 = arith.mulf %add3A_381, %add3A_385 : vector<16xf32>
      %add3A_387 = arith.addf %add3A_323, %mul3A_386 : vector<16xf32>
      %add3A_388 = arith.constant 9 : i32
      %add3A_389 = vector.broadcast %add3A_388 : i32 to vector<16xi32>
      %add3A_390 = arith.addi %iota3A, %add3A_389 : vector<16xi32>
      %and3A_391 = arith.constant 63 : i32
      %and3A_392 = vector.broadcast %and3A_391 : i32 to vector<16xi32>
      %and3A_393 = arith.andi %add3A_390, %and3A_392 : vector<16xi32>
      %gather3A_394 = tpu.vector_load_idx %arg23[%add3A_237, %and3A_393] : memref<512x64xf32, #tpu.memory_space<vmem>>[vector<16xi32>, vector<16xi32>], vector<16xf32>,
      %add3A_395 = arith.addi %mul3A_232, %and3A_393 : vector<16xi32>
      %gather3A_396 = tpu.vector_load_idx %arg25[%add3A_395] : memref<14080xf32, #tpu.memory_space<vmem>>[vector<16xi32>], vector<16xf32>,
      %add3A_397 = arith.addf %gather3A_394, %gather3A_396 : vector<16xf32>
      %gather3A_398 = tpu.vector_load_idx %arg24[%add3A_237, %and3A_393] : memref<512x64xf32, #tpu.memory_space<vmem>>[vector<16xi32>, vector<16xi32>], vector<16xf32>,
      %add3A_399 = arith.addi %mul3A_235, %and3A_393 : vector<16xi32>
      %gather3A_400 = tpu.vector_load_idx %arg26[%add3A_399] : memref<6400xf32, #tpu.memory_space<vmem>>[vector<16xi32>], vector<16xf32>,
      %add3A_401 = arith.addf %gather3A_398, %gather3A_400 : vector<16xf32>
      %mul3A_402 = arith.mulf %add3A_397, %add3A_401 : vector<16xf32>
      %add3A_403 = arith.addf %add3A_339, %mul3A_402 : vector<16xf32>
      %add3A_404 = arith.constant 10 : i32
      %add3A_405 = vector.broadcast %add3A_404 : i32 to vector<16xi32>
      %add3A_406 = arith.addi %iota3A, %add3A_405 : vector<16xi32>
      %and3A_407 = arith.constant 63 : i32
      %and3A_408 = vector.broadcast %and3A_407 : i32 to vector<16xi32>
      %and3A_409 = arith.andi %add3A_406, %and3A_408 : vector<16xi32>
      %gather3A_410 = tpu.vector_load_idx %arg23[%add3A_237, %and3A_409] : memref<512x64xf32, #tpu.memory_space<vmem>>[vector<16xi32>, vector<16xi32>], vector<16xf32>,
      %add3A_411 = arith.addi %mul3A_232, %and3A_409 : vector<16xi32>
      %gather3A_412 = tpu.vector_load_idx %arg25[%add3A_411] : memref<14080xf32, #tpu.memory_space<vmem>>[vector<16xi32>], vector<16xf32>,
      %add3A_413 = arith.addf %gather3A_410, %gather3A_412 : vector<16xf32>
      %gather3A_414 = tpu.vector_load_idx %arg24[%add3A_237, %and3A_409] : memref<512x64xf32, #tpu.memory_space<vmem>>[vector<16xi32>, vector<16xi32>], vector<16xf32>,
      %add3A_415 = arith.addi %mul3A_235, %and3A_409 : vector<16xi32>
      %gather3A_416 = tpu.vector_load_idx %arg26[%add3A_415] : memref<6400xf32, #tpu.memory_space<vmem>>[vector<16xi32>], vector<16xf32>,
      %add3A_417 = arith.addf %gather3A_414, %gather3A_416 : vector<16xf32>
      %mul3A_418 = arith.mulf %add3A_413, %add3A_417 : vector<16xf32>
      %add3A_419 = arith.addf %add3A_355, %mul3A_418 : vector<16xf32>
      %add3A_420 = arith.constant 11 : i32
      %add3A_421 = vector.broadcast %add3A_420 : i32 to vector<16xi32>
      %add3A_422 = arith.addi %iota3A, %add3A_421 : vector<16xi32>
      %and3A_423 = arith.constant 63 : i32
      %and3A_424 = vector.broadcast %and3A_423 : i32 to vector<16xi32>
      %and3A_425 = arith.andi %add3A_422, %and3A_424 : vector<16xi32>
      %gather3A_426 = tpu.vector_load_idx %arg23[%add3A_237, %and3A_425] : memref<512x64xf32, #tpu.memory_space<vmem>>[vector<16xi32>, vector<16xi32>], vector<16xf32>,
      %add3A_427 = arith.addi %mul3A_232, %and3A_425 : vector<16xi32>
      %gather3A_428 = tpu.vector_load_idx %arg25[%add3A_427] : memref<14080xf32, #tpu.memory_space<vmem>>[vector<16xi32>], vector<16xf32>,
      %add3A_429 = arith.addf %gather3A_426, %gather3A_428 : vector<16xf32>
      %gather3A_430 = tpu.vector_load_idx %arg24[%add3A_237, %and3A_425] : memref<512x64xf32, #tpu.memory_space<vmem>>[vector<16xi32>, vector<16xi32>], vector<16xf32>,
      %add3A_431 = arith.addi %mul3A_235, %and3A_425 : vector<16xi32>
      %gather3A_432 = tpu.vector_load_idx %arg26[%add3A_431] : memref<6400xf32, #tpu.memory_space<vmem>>[vector<16xi32>], vector<16xf32>,
      %add3A_433 = arith.addf %gather3A_430, %gather3A_432 : vector<16xf32>
      %mul3A_434 = arith.mulf %add3A_429, %add3A_433 : vector<16xf32>
      %add3A_435 = arith.addf %add3A_371, %mul3A_434 : vector<16xf32>
      %add3A_436 = arith.constant 12 : i32
      %add3A_437 = vector.broadcast %add3A_436 : i32 to vector<16xi32>
      %add3A_438 = arith.addi %iota3A, %add3A_437 : vector<16xi32>
      %and3A_439 = arith.constant 63 : i32
      %and3A_440 = vector.broadcast %and3A_439 : i32 to vector<16xi32>
      %and3A_441 = arith.andi %add3A_438, %and3A_440 : vector<16xi32>
      %gather3A_442 = tpu.vector_load_idx %arg23[%add3A_237, %and3A_441] : memref<512x64xf32, #tpu.memory_space<vmem>>[vector<16xi32>, vector<16xi32>], vector<16xf32>,
      %add3A_443 = arith.addi %mul3A_232, %and3A_441 : vector<16xi32>
      %gather3A_444 = tpu.vector_load_idx %arg25[%add3A_443] : memref<14080xf32, #tpu.memory_space<vmem>>[vector<16xi32>], vector<16xf32>,
      %add3A_445 = arith.addf %gather3A_442, %gather3A_444 : vector<16xf32>
      %gather3A_446 = tpu.vector_load_idx %arg24[%add3A_237, %and3A_441] : memref<512x64xf32, #tpu.memory_space<vmem>>[vector<16xi32>, vector<16xi32>], vector<16xf32>,
      %add3A_447 = arith.addi %mul3A_235, %and3A_441 : vector<16xi32>
      %gather3A_448 = tpu.vector_load_idx %arg26[%add3A_447] : memref<6400xf32, #tpu.memory_space<vmem>>[vector<16xi32>], vector<16xf32>,
      %add3A_449 = arith.addf %gather3A_446, %gather3A_448 : vector<16xf32>
      %mul3A_450 = arith.mulf %add3A_445, %add3A_449 : vector<16xf32>
      %add3A_451 = arith.addf %add3A_387, %mul3A_450 : vector<16xf32>
      %add3A_452 = arith.constant 13 : i32
      %add3A_453 = vector.broadcast %add3A_452 : i32 to vector<16xi32>
      %add3A_454 = arith.addi %iota3A, %add3A_453 : vector<16xi32>
      %and3A_455 = arith.constant 63 : i32
      %and3A_456 = vector.broadcast %and3A_455 : i32 to vector<16xi32>
      %and3A_457 = arith.andi %add3A_454, %and3A_456 : vector<16xi32>
      %gather3A_458 = tpu.vector_load_idx %arg23[%add3A_237, %and3A_457] : memref<512x64xf32, #tpu.memory_space<vmem>>[vector<16xi32>, vector<16xi32>], vector<16xf32>,
      %add3A_459 = arith.addi %mul3A_232, %and3A_457 : vector<16xi32>
      %gather3A_460 = tpu.vector_load_idx %arg25[%add3A_459] : memref<14080xf32, #tpu.memory_space<vmem>>[vector<16xi32>], vector<16xf32>,
      %add3A_461 = arith.addf %gather3A_458, %gather3A_460 : vector<16xf32>
      %gather3A_462 = tpu.vector_load_idx %arg24[%add3A_237, %and3A_457] : memref<512x64xf32, #tpu.memory_space<vmem>>[vector<16xi32>, vector<16xi32>], vector<16xf32>,
      %add3A_463 = arith.addi %mul3A_235, %and3A_457 : vector<16xi32>
      %gather3A_464 = tpu.vector_load_idx %arg26[%add3A_463] : memref<6400xf32, #tpu.memory_space<vmem>>[vector<16xi32>], vector<16xf32>,
      %add3A_465 = arith.addf %gather3A_462, %gather3A_464 : vector<16xf32>
      %mul3A_466 = arith.mulf %add3A_461, %add3A_465 : vector<16xf32>
      %add3A_467 = arith.addf %add3A_403, %mul3A_466 : vector<16xf32>
      %add3A_468 = arith.constant 14 : i32
      %add3A_469 = vector.broadcast %add3A_468 : i32 to vector<16xi32>
      %add3A_470 = arith.addi %iota3A, %add3A_469 : vector<16xi32>
      %and3A_471 = arith.constant 63 : i32
      %and3A_472 = vector.broadcast %and3A_471 : i32 to vector<16xi32>
      %and3A_473 = arith.andi %add3A_470, %and3A_472 : vector<16xi32>
      %gather3A_474 = tpu.vector_load_idx %arg23[%add3A_237, %and3A_473] : memref<512x64xf32, #tpu.memory_space<vmem>>[vector<16xi32>, vector<16xi32>], vector<16xf32>,
      %add3A_475 = arith.addi %mul3A_232, %and3A_473 : vector<16xi32>
      %gather3A_476 = tpu.vector_load_idx %arg25[%add3A_475] : memref<14080xf32, #tpu.memory_space<vmem>>[vector<16xi32>], vector<16xf32>,
      %add3A_477 = arith.addf %gather3A_474, %gather3A_476 : vector<16xf32>
      %gather3A_478 = tpu.vector_load_idx %arg24[%add3A_237, %and3A_473] : memref<512x64xf32, #tpu.memory_space<vmem>>[vector<16xi32>, vector<16xi32>], vector<16xf32>,
      %add3A_479 = arith.addi %mul3A_235, %and3A_473 : vector<16xi32>
      %gather3A_480 = tpu.vector_load_idx %arg26[%add3A_479] : memref<6400xf32, #tpu.memory_space<vmem>>[vector<16xi32>], vector<16xf32>,
      %add3A_481 = arith.addf %gather3A_478, %gather3A_480 : vector<16xf32>
      %mul3A_482 = arith.mulf %add3A_477, %add3A_481 : vector<16xf32>
      %add3A_483 = arith.addf %add3A_419, %mul3A_482 : vector<16xf32>
      %add3A_484 = arith.constant 15 : i32
      %add3A_485 = vector.broadcast %add3A_484 : i32 to vector<16xi32>
      %add3A_486 = arith.addi %iota3A, %add3A_485 : vector<16xi32>
      %and3A_487 = arith.constant 63 : i32
      %and3A_488 = vector.broadcast %and3A_487 : i32 to vector<16xi32>
      %and3A_489 = arith.andi %add3A_486, %and3A_488 : vector<16xi32>
      %gather3A_490 = tpu.vector_load_idx %arg23[%add3A_237, %and3A_489] : memref<512x64xf32, #tpu.memory_space<vmem>>[vector<16xi32>, vector<16xi32>], vector<16xf32>,
      %add3A_491 = arith.addi %mul3A_232, %and3A_489 : vector<16xi32>
      %gather3A_492 = tpu.vector_load_idx %arg25[%add3A_491] : memref<14080xf32, #tpu.memory_space<vmem>>[vector<16xi32>], vector<16xf32>,
      %add3A_493 = arith.addf %gather3A_490, %gather3A_492 : vector<16xf32>
      %gather3A_494 = tpu.vector_load_idx %arg24[%add3A_237, %and3A_489] : memref<512x64xf32, #tpu.memory_space<vmem>>[vector<16xi32>, vector<16xi32>], vector<16xf32>,
      %add3A_495 = arith.addi %mul3A_235, %and3A_489 : vector<16xi32>
      %gather3A_496 = tpu.vector_load_idx %arg26[%add3A_495] : memref<6400xf32, #tpu.memory_space<vmem>>[vector<16xi32>], vector<16xf32>,
      %add3A_497 = arith.addf %gather3A_494, %gather3A_496 : vector<16xf32>
      %mul3A_498 = arith.mulf %add3A_493, %add3A_497 : vector<16xf32>
      %add3A_499 = arith.addf %add3A_435, %mul3A_498 : vector<16xf32>
      %add3A_500 = arith.constant 16 : i32
      %add3A_501 = vector.broadcast %add3A_500 : i32 to vector<16xi32>
      %add3A_502 = arith.addi %iota3A, %add3A_501 : vector<16xi32>
      %and3A_503 = arith.constant 63 : i32
      %and3A_504 = vector.broadcast %and3A_503 : i32 to vector<16xi32>
      %and3A_505 = arith.andi %add3A_502, %and3A_504 : vector<16xi32>
      %gather3A_506 = tpu.vector_load_idx %arg23[%add3A_237, %and3A_505] : memref<512x64xf32, #tpu.memory_space<vmem>>[vector<16xi32>, vector<16xi32>], vector<16xf32>,
      %add3A_507 = arith.addi %mul3A_232, %and3A_505 : vector<16xi32>
      %gather3A_508 = tpu.vector_load_idx %arg25[%add3A_507] : memref<14080xf32, #tpu.memory_space<vmem>>[vector<16xi32>], vector<16xf32>,
      %add3A_509 = arith.addf %gather3A_506, %gather3A_508 : vector<16xf32>
      %gather3A_510 = tpu.vector_load_idx %arg24[%add3A_237, %and3A_505] : memref<512x64xf32, #tpu.memory_space<vmem>>[vector<16xi32>, vector<16xi32>], vector<16xf32>,
      %add3A_511 = arith.addi %mul3A_235, %and3A_505 : vector<16xi32>
      %gather3A_512 = tpu.vector_load_idx %arg26[%add3A_511] : memref<6400xf32, #tpu.memory_space<vmem>>[vector<16xi32>], vector<16xf32>,
      %add3A_513 = arith.addf %gather3A_510, %gather3A_512 : vector<16xf32>
      %mul3A_514 = arith.mulf %add3A_509, %add3A_513 : vector<16xf32>
      %add3A_515 = arith.addf %add3A_451, %mul3A_514 : vector<16xf32>
      %add3A_516 = arith.constant 17 : i32
      %add3A_517 = vector.broadcast %add3A_516 : i32 to vector<16xi32>
      %add3A_518 = arith.addi %iota3A, %add3A_517 : vector<16xi32>
      %and3A_519 = arith.constant 63 : i32
      %and3A_520 = vector.broadcast %and3A_519 : i32 to vector<16xi32>
      %and3A_521 = arith.andi %add3A_518, %and3A_520 : vector<16xi32>
      %gather3A_522 = tpu.vector_load_idx %arg23[%add3A_237, %and3A_521] : memref<512x64xf32, #tpu.memory_space<vmem>>[vector<16xi32>, vector<16xi32>], vector<16xf32>,
      %add3A_523 = arith.addi %mul3A_232, %and3A_521 : vector<16xi32>
      %gather3A_524 = tpu.vector_load_idx %arg25[%add3A_523] : memref<14080xf32, #tpu.memory_space<vmem>>[vector<16xi32>], vector<16xf32>,
      %add3A_525 = arith.addf %gather3A_522, %gather3A_524 : vector<16xf32>
      %gather3A_526 = tpu.vector_load_idx %arg24[%add3A_237, %and3A_521] : memref<512x64xf32, #tpu.memory_space<vmem>>[vector<16xi32>, vector<16xi32>], vector<16xf32>,
      %add3A_527 = arith.addi %mul3A_235, %and3A_521 : vector<16xi32>
      %gather3A_528 = tpu.vector_load_idx %arg26[%add3A_527] : memref<6400xf32, #tpu.memory_space<vmem>>[vector<16xi32>], vector<16xf32>,
      %add3A_529 = arith.addf %gather3A_526, %gather3A_528 : vector<16xf32>
      %mul3A_530 = arith.mulf %add3A_525, %add3A_529 : vector<16xf32>
      %add3A_531 = arith.addf %add3A_467, %mul3A_530 : vector<16xf32>
      %add3A_532 = arith.constant 18 : i32
      %add3A_533 = vector.broadcast %add3A_532 : i32 to vector<16xi32>
      %add3A_534 = arith.addi %iota3A, %add3A_533 : vector<16xi32>
      %and3A_535 = arith.constant 63 : i32
      %and3A_536 = vector.broadcast %and3A_535 : i32 to vector<16xi32>
      %and3A_537 = arith.andi %add3A_534, %and3A_536 : vector<16xi32>
      %gather3A_538 = tpu.vector_load_idx %arg23[%add3A_237, %and3A_537] : memref<512x64xf32, #tpu.memory_space<vmem>>[vector<16xi32>, vector<16xi32>], vector<16xf32>,
      %add3A_539 = arith.addi %mul3A_232, %and3A_537 : vector<16xi32>
      %gather3A_540 = tpu.vector_load_idx %arg25[%add3A_539] : memref<14080xf32, #tpu.memory_space<vmem>>[vector<16xi32>], vector<16xf32>,
      %add3A_541 = arith.addf %gather3A_538, %gather3A_540 : vector<16xf32>
      %gather3A_542 = tpu.vector_load_idx %arg24[%add3A_237, %and3A_537] : memref<512x64xf32, #tpu.memory_space<vmem>>[vector<16xi32>, vector<16xi32>], vector<16xf32>,
      %add3A_543 = arith.addi %mul3A_235, %and3A_537 : vector<16xi32>
      %gather3A_544 = tpu.vector_load_idx %arg26[%add3A_543] : memref<6400xf32, #tpu.memory_space<vmem>>[vector<16xi32>], vector<16xf32>,
      %add3A_545 = arith.addf %gather3A_542, %gather3A_544 : vector<16xf32>
      %mul3A_546 = arith.mulf %add3A_541, %add3A_545 : vector<16xf32>
      %add3A_547 = arith.addf %add3A_483, %mul3A_546 : vector<16xf32>
      %add3A_548 = arith.constant 19 : i32
      %add3A_549 = vector.broadcast %add3A_548 : i32 to vector<16xi32>
      %add3A_550 = arith.addi %iota3A, %add3A_549 : vector<16xi32>
      %and3A_551 = arith.constant 63 : i32
      %and3A_552 = vector.broadcast %and3A_551 : i32 to vector<16xi32>
      %and3A_553 = arith.andi %add3A_550, %and3A_552 : vector<16xi32>
      %gather3A_554 = tpu.vector_load_idx %arg23[%add3A_237, %and3A_553] : memref<512x64xf32, #tpu.memory_space<vmem>>[vector<16xi32>, vector<16xi32>], vector<16xf32>,
      %add3A_555 = arith.addi %mul3A_232, %and3A_553 : vector<16xi32>
      %gather3A_556 = tpu.vector_load_idx %arg25[%add3A_555] : memref<14080xf32, #tpu.memory_space<vmem>>[vector<16xi32>], vector<16xf32>,
      %add3A_557 = arith.addf %gather3A_554, %gather3A_556 : vector<16xf32>
      %gather3A_558 = tpu.vector_load_idx %arg24[%add3A_237, %and3A_553] : memref<512x64xf32, #tpu.memory_space<vmem>>[vector<16xi32>, vector<16xi32>], vector<16xf32>,
      %add3A_559 = arith.addi %mul3A_235, %and3A_553 : vector<16xi32>
      %gather3A_560 = tpu.vector_load_idx %arg26[%add3A_559] : memref<6400xf32, #tpu.memory_space<vmem>>[vector<16xi32>], vector<16xf32>,
      %add3A_561 = arith.addf %gather3A_558, %gather3A_560 : vector<16xf32>
      %mul3A_562 = arith.mulf %add3A_557, %add3A_561 : vector<16xf32>
      %add3A_563 = arith.addf %add3A_499, %mul3A_562 : vector<16xf32>
      %add3A_564 = arith.constant 20 : i32
      %add3A_565 = vector.broadcast %add3A_564 : i32 to vector<16xi32>
      %add3A_566 = arith.addi %iota3A, %add3A_565 : vector<16xi32>
      %and3A_567 = arith.constant 63 : i32
      %and3A_568 = vector.broadcast %and3A_567 : i32 to vector<16xi32>
      %and3A_569 = arith.andi %add3A_566, %and3A_568 : vector<16xi32>
      %gather3A_570 = tpu.vector_load_idx %arg23[%add3A_237, %and3A_569] : memref<512x64xf32, #tpu.memory_space<vmem>>[vector<16xi32>, vector<16xi32>], vector<16xf32>,
      %add3A_571 = arith.addi %mul3A_232, %and3A_569 : vector<16xi32>
      %gather3A_572 = tpu.vector_load_idx %arg25[%add3A_571] : memref<14080xf32, #tpu.memory_space<vmem>>[vector<16xi32>], vector<16xf32>,
      %add3A_573 = arith.addf %gather3A_570, %gather3A_572 : vector<16xf32>
      %gather3A_574 = tpu.vector_load_idx %arg24[%add3A_237, %and3A_569] : memref<512x64xf32, #tpu.memory_space<vmem>>[vector<16xi32>, vector<16xi32>], vector<16xf32>,
      %add3A_575 = arith.addi %mul3A_235, %and3A_569 : vector<16xi32>
      %gather3A_576 = tpu.vector_load_idx %arg26[%add3A_575] : memref<6400xf32, #tpu.memory_space<vmem>>[vector<16xi32>], vector<16xf32>,
      %add3A_577 = arith.addf %gather3A_574, %gather3A_576 : vector<16xf32>
      %mul3A_578 = arith.mulf %add3A_573, %add3A_577 : vector<16xf32>
      %add3A_579 = arith.addf %add3A_515, %mul3A_578 : vector<16xf32>
      %add3A_580 = arith.constant 21 : i32
      %add3A_581 = vector.broadcast %add3A_580 : i32 to vector<16xi32>
      %add3A_582 = arith.addi %iota3A, %add3A_581 : vector<16xi32>
      %and3A_583 = arith.constant 63 : i32
      %and3A_584 = vector.broadcast %and3A_583 : i32 to vector<16xi32>
      %and3A_585 = arith.andi %add3A_582, %and3A_584 : vector<16xi32>
      %gather3A_586 = tpu.vector_load_idx %arg23[%add3A_237, %and3A_585] : memref<512x64xf32, #tpu.memory_space<vmem>>[vector<16xi32>, vector<16xi32>], vector<16xf32>,
      %add3A_587 = arith.addi %mul3A_232, %and3A_585 : vector<16xi32>
      %gather3A_588 = tpu.vector_load_idx %arg25[%add3A_587] : memref<14080xf32, #tpu.memory_space<vmem>>[vector<16xi32>], vector<16xf32>,
      %add3A_589 = arith.addf %gather3A_586, %gather3A_588 : vector<16xf32>
      %gather3A_590 = tpu.vector_load_idx %arg24[%add3A_237, %and3A_585] : memref<512x64xf32, #tpu.memory_space<vmem>>[vector<16xi32>, vector<16xi32>], vector<16xf32>,
      %add3A_591 = arith.addi %mul3A_235, %and3A_585 : vector<16xi32>
      %gather3A_592 = tpu.vector_load_idx %arg26[%add3A_591] : memref<6400xf32, #tpu.memory_space<vmem>>[vector<16xi32>], vector<16xf32>,
      %add3A_593 = arith.addf %gather3A_590, %gather3A_592 : vector<16xf32>
      %mul3A_594 = arith.mulf %add3A_589, %add3A_593 : vector<16xf32>
      %add3A_595 = arith.addf %add3A_531, %mul3A_594 : vector<16xf32>
      %add3A_596 = arith.constant 22 : i32
      %add3A_597 = vector.broadcast %add3A_596 : i32 to vector<16xi32>
      %add3A_598 = arith.addi %iota3A, %add3A_597 : vector<16xi32>
      %and3A_599 = arith.constant 63 : i32
      %and3A_600 = vector.broadcast %and3A_599 : i32 to vector<16xi32>
      %and3A_601 = arith.andi %add3A_598, %and3A_600 : vector<16xi32>
      %gather3A_602 = tpu.vector_load_idx %arg23[%add3A_237, %and3A_601] : memref<512x64xf32, #tpu.memory_space<vmem>>[vector<16xi32>, vector<16xi32>], vector<16xf32>,
      %add3A_603 = arith.addi %mul3A_232, %and3A_601 : vector<16xi32>
      %gather3A_604 = tpu.vector_load_idx %arg25[%add3A_603] : memref<14080xf32, #tpu.memory_space<vmem>>[vector<16xi32>], vector<16xf32>,
      %add3A_605 = arith.addf %gather3A_602, %gather3A_604 : vector<16xf32>
      %gather3A_606 = tpu.vector_load_idx %arg24[%add3A_237, %and3A_601] : memref<512x64xf32, #tpu.memory_space<vmem>>[vector<16xi32>, vector<16xi32>], vector<16xf32>,
      %add3A_607 = arith.addi %mul3A_235, %and3A_601 : vector<16xi32>
      %gather3A_608 = tpu.vector_load_idx %arg26[%add3A_607] : memref<6400xf32, #tpu.memory_space<vmem>>[vector<16xi32>], vector<16xf32>,
      %add3A_609 = arith.addf %gather3A_606, %gather3A_608 : vector<16xf32>
      %mul3A_610 = arith.mulf %add3A_605, %add3A_609 : vector<16xf32>
      %add3A_611 = arith.addf %add3A_547, %mul3A_610 : vector<16xf32>
      %add3A_612 = arith.constant 23 : i32
      %add3A_613 = vector.broadcast %add3A_612 : i32 to vector<16xi32>
      %add3A_614 = arith.addi %iota3A, %add3A_613 : vector<16xi32>
      %and3A_615 = arith.constant 63 : i32
      %and3A_616 = vector.broadcast %and3A_615 : i32 to vector<16xi32>
      %and3A_617 = arith.andi %add3A_614, %and3A_616 : vector<16xi32>
      %gather3A_618 = tpu.vector_load_idx %arg23[%add3A_237, %and3A_617] : memref<512x64xf32, #tpu.memory_space<vmem>>[vector<16xi32>, vector<16xi32>], vector<16xf32>,
      %add3A_619 = arith.addi %mul3A_232, %and3A_617 : vector<16xi32>
      %gather3A_620 = tpu.vector_load_idx %arg25[%add3A_619] : memref<14080xf32, #tpu.memory_space<vmem>>[vector<16xi32>], vector<16xf32>,
      %add3A_621 = arith.addf %gather3A_618, %gather3A_620 : vector<16xf32>
      %gather3A_622 = tpu.vector_load_idx %arg24[%add3A_237, %and3A_617] : memref<512x64xf32, #tpu.memory_space<vmem>>[vector<16xi32>, vector<16xi32>], vector<16xf32>,
      %add3A_623 = arith.addi %mul3A_235, %and3A_617 : vector<16xi32>
      %gather3A_624 = tpu.vector_load_idx %arg26[%add3A_623] : memref<6400xf32, #tpu.memory_space<vmem>>[vector<16xi32>], vector<16xf32>,
      %add3A_625 = arith.addf %gather3A_622, %gather3A_624 : vector<16xf32>
      %mul3A_626 = arith.mulf %add3A_621, %add3A_625 : vector<16xf32>
      %add3A_627 = arith.addf %add3A_563, %mul3A_626 : vector<16xf32>
      %add3A_628 = arith.constant 24 : i32
      %add3A_629 = vector.broadcast %add3A_628 : i32 to vector<16xi32>
      %add3A_630 = arith.addi %iota3A, %add3A_629 : vector<16xi32>
      %and3A_631 = arith.constant 63 : i32
      %and3A_632 = vector.broadcast %and3A_631 : i32 to vector<16xi32>
      %and3A_633 = arith.andi %add3A_630, %and3A_632 : vector<16xi32>
      %gather3A_634 = tpu.vector_load_idx %arg23[%add3A_237, %and3A_633] : memref<512x64xf32, #tpu.memory_space<vmem>>[vector<16xi32>, vector<16xi32>], vector<16xf32>,
      %add3A_635 = arith.addi %mul3A_232, %and3A_633 : vector<16xi32>
      %gather3A_636 = tpu.vector_load_idx %arg25[%add3A_635] : memref<14080xf32, #tpu.memory_space<vmem>>[vector<16xi32>], vector<16xf32>,
      %add3A_637 = arith.addf %gather3A_634, %gather3A_636 : vector<16xf32>
      %gather3A_638 = tpu.vector_load_idx %arg24[%add3A_237, %and3A_633] : memref<512x64xf32, #tpu.memory_space<vmem>>[vector<16xi32>, vector<16xi32>], vector<16xf32>,
      %add3A_639 = arith.addi %mul3A_235, %and3A_633 : vector<16xi32>
      %gather3A_640 = tpu.vector_load_idx %arg26[%add3A_639] : memref<6400xf32, #tpu.memory_space<vmem>>[vector<16xi32>], vector<16xf32>,
      %add3A_641 = arith.addf %gather3A_638, %gather3A_640 : vector<16xf32>
      %mul3A_642 = arith.mulf %add3A_637, %add3A_641 : vector<16xf32>
      %add3A_643 = arith.addf %add3A_579, %mul3A_642 : vector<16xf32>
      %add3A_644 = arith.constant 25 : i32
      %add3A_645 = vector.broadcast %add3A_644 : i32 to vector<16xi32>
      %add3A_646 = arith.addi %iota3A, %add3A_645 : vector<16xi32>
      %and3A_647 = arith.constant 63 : i32
      %and3A_648 = vector.broadcast %and3A_647 : i32 to vector<16xi32>
      %and3A_649 = arith.andi %add3A_646, %and3A_648 : vector<16xi32>
      %gather3A_650 = tpu.vector_load_idx %arg23[%add3A_237, %and3A_649] : memref<512x64xf32, #tpu.memory_space<vmem>>[vector<16xi32>, vector<16xi32>], vector<16xf32>,
      %add3A_651 = arith.addi %mul3A_232, %and3A_649 : vector<16xi32>
      %gather3A_652 = tpu.vector_load_idx %arg25[%add3A_651] : memref<14080xf32, #tpu.memory_space<vmem>>[vector<16xi32>], vector<16xf32>,
      %add3A_653 = arith.addf %gather3A_650, %gather3A_652 : vector<16xf32>
      %gather3A_654 = tpu.vector_load_idx %arg24[%add3A_237, %and3A_649] : memref<512x64xf32, #tpu.memory_space<vmem>>[vector<16xi32>, vector<16xi32>], vector<16xf32>,
      %add3A_655 = arith.addi %mul3A_235, %and3A_649 : vector<16xi32>
      %gather3A_656 = tpu.vector_load_idx %arg26[%add3A_655] : memref<6400xf32, #tpu.memory_space<vmem>>[vector<16xi32>], vector<16xf32>,
      %add3A_657 = arith.addf %gather3A_654, %gather3A_656 : vector<16xf32>
      %mul3A_658 = arith.mulf %add3A_653, %add3A_657 : vector<16xf32>
      %add3A_659 = arith.addf %add3A_595, %mul3A_658 : vector<16xf32>
      %add3A_660 = arith.constant 26 : i32
      %add3A_661 = vector.broadcast %add3A_660 : i32 to vector<16xi32>
      %add3A_662 = arith.addi %iota3A, %add3A_661 : vector<16xi32>
      %and3A_663 = arith.constant 63 : i32
      %and3A_664 = vector.broadcast %and3A_663 : i32 to vector<16xi32>
      %and3A_665 = arith.andi %add3A_662, %and3A_664 : vector<16xi32>
      %gather3A_666 = tpu.vector_load_idx %arg23[%add3A_237, %and3A_665] : memref<512x64xf32, #tpu.memory_space<vmem>>[vector<16xi32>, vector<16xi32>], vector<16xf32>,
      %add3A_667 = arith.addi %mul3A_232, %and3A_665 : vector<16xi32>
      %gather3A_668 = tpu.vector_load_idx %arg25[%add3A_667] : memref<14080xf32, #tpu.memory_space<vmem>>[vector<16xi32>], vector<16xf32>,
      %add3A_669 = arith.addf %gather3A_666, %gather3A_668 : vector<16xf32>
      %gather3A_670 = tpu.vector_load_idx %arg24[%add3A_237, %and3A_665] : memref<512x64xf32, #tpu.memory_space<vmem>>[vector<16xi32>, vector<16xi32>], vector<16xf32>,
      %add3A_671 = arith.addi %mul3A_235, %and3A_665 : vector<16xi32>
      %gather3A_672 = tpu.vector_load_idx %arg26[%add3A_671] : memref<6400xf32, #tpu.memory_space<vmem>>[vector<16xi32>], vector<16xf32>,
      %add3A_673 = arith.addf %gather3A_670, %gather3A_672 : vector<16xf32>
      %mul3A_674 = arith.mulf %add3A_669, %add3A_673 : vector<16xf32>
      %add3A_675 = arith.addf %add3A_611, %mul3A_674 : vector<16xf32>
      %add3A_676 = arith.constant 27 : i32
      %add3A_677 = vector.broadcast %add3A_676 : i32 to vector<16xi32>
      %add3A_678 = arith.addi %iota3A, %add3A_677 : vector<16xi32>
      %and3A_679 = arith.constant 63 : i32
      %and3A_680 = vector.broadcast %and3A_679 : i32 to vector<16xi32>
      %and3A_681 = arith.andi %add3A_678, %and3A_680 : vector<16xi32>
      %gather3A_682 = tpu.vector_load_idx %arg23[%add3A_237, %and3A_681] : memref<512x64xf32, #tpu.memory_space<vmem>>[vector<16xi32>, vector<16xi32>], vector<16xf32>,
      %add3A_683 = arith.addi %mul3A_232, %and3A_681 : vector<16xi32>
      %gather3A_684 = tpu.vector_load_idx %arg25[%add3A_683] : memref<14080xf32, #tpu.memory_space<vmem>>[vector<16xi32>], vector<16xf32>,
      %add3A_685 = arith.addf %gather3A_682, %gather3A_684 : vector<16xf32>
      %gather3A_686 = tpu.vector_load_idx %arg24[%add3A_237, %and3A_681] : memref<512x64xf32, #tpu.memory_space<vmem>>[vector<16xi32>, vector<16xi32>], vector<16xf32>,
      %add3A_687 = arith.addi %mul3A_235, %and3A_681 : vector<16xi32>
      %gather3A_688 = tpu.vector_load_idx %arg26[%add3A_687] : memref<6400xf32, #tpu.memory_space<vmem>>[vector<16xi32>], vector<16xf32>,
      %add3A_689 = arith.addf %gather3A_686, %gather3A_688 : vector<16xf32>
      %mul3A_690 = arith.mulf %add3A_685, %add3A_689 : vector<16xf32>
      %add3A_691 = arith.addf %add3A_627, %mul3A_690 : vector<16xf32>
      %add3A_692 = arith.constant 28 : i32
      %add3A_693 = vector.broadcast %add3A_692 : i32 to vector<16xi32>
      %add3A_694 = arith.addi %iota3A, %add3A_693 : vector<16xi32>
      %and3A_695 = arith.constant 63 : i32
      %and3A_696 = vector.broadcast %and3A_695 : i32 to vector<16xi32>
      %and3A_697 = arith.andi %add3A_694, %and3A_696 : vector<16xi32>
      %gather3A_698 = tpu.vector_load_idx %arg23[%add3A_237, %and3A_697] : memref<512x64xf32, #tpu.memory_space<vmem>>[vector<16xi32>, vector<16xi32>], vector<16xf32>,
      %add3A_699 = arith.addi %mul3A_232, %and3A_697 : vector<16xi32>
      %gather3A_700 = tpu.vector_load_idx %arg25[%add3A_699] : memref<14080xf32, #tpu.memory_space<vmem>>[vector<16xi32>], vector<16xf32>,
      %add3A_701 = arith.addf %gather3A_698, %gather3A_700 : vector<16xf32>
      %gather3A_702 = tpu.vector_load_idx %arg24[%add3A_237, %and3A_697] : memref<512x64xf32, #tpu.memory_space<vmem>>[vector<16xi32>, vector<16xi32>], vector<16xf32>,
      %add3A_703 = arith.addi %mul3A_235, %and3A_697 : vector<16xi32>
      %gather3A_704 = tpu.vector_load_idx %arg26[%add3A_703] : memref<6400xf32, #tpu.memory_space<vmem>>[vector<16xi32>], vector<16xf32>,
      %add3A_705 = arith.addf %gather3A_702, %gather3A_704 : vector<16xf32>
      %mul3A_706 = arith.mulf %add3A_701, %add3A_705 : vector<16xf32>
      %add3A_707 = arith.addf %add3A_643, %mul3A_706 : vector<16xf32>
      %add3A_708 = arith.constant 29 : i32
      %add3A_709 = vector.broadcast %add3A_708 : i32 to vector<16xi32>
      %add3A_710 = arith.addi %iota3A, %add3A_709 : vector<16xi32>
      %and3A_711 = arith.constant 63 : i32
      %and3A_712 = vector.broadcast %and3A_711 : i32 to vector<16xi32>
      %and3A_713 = arith.andi %add3A_710, %and3A_712 : vector<16xi32>
      %gather3A_714 = tpu.vector_load_idx %arg23[%add3A_237, %and3A_713] : memref<512x64xf32, #tpu.memory_space<vmem>>[vector<16xi32>, vector<16xi32>], vector<16xf32>,
      %add3A_715 = arith.addi %mul3A_232, %and3A_713 : vector<16xi32>
      %gather3A_716 = tpu.vector_load_idx %arg25[%add3A_715] : memref<14080xf32, #tpu.memory_space<vmem>>[vector<16xi32>], vector<16xf32>,
      %add3A_717 = arith.addf %gather3A_714, %gather3A_716 : vector<16xf32>
      %gather3A_718 = tpu.vector_load_idx %arg24[%add3A_237, %and3A_713] : memref<512x64xf32, #tpu.memory_space<vmem>>[vector<16xi32>, vector<16xi32>], vector<16xf32>,
      %add3A_719 = arith.addi %mul3A_235, %and3A_713 : vector<16xi32>
      %gather3A_720 = tpu.vector_load_idx %arg26[%add3A_719] : memref<6400xf32, #tpu.memory_space<vmem>>[vector<16xi32>], vector<16xf32>,
      %add3A_721 = arith.addf %gather3A_718, %gather3A_720 : vector<16xf32>
      %mul3A_722 = arith.mulf %add3A_717, %add3A_721 : vector<16xf32>
      %add3A_723 = arith.addf %add3A_659, %mul3A_722 : vector<16xf32>
      %add3A_724 = arith.constant 30 : i32
      %add3A_725 = vector.broadcast %add3A_724 : i32 to vector<16xi32>
      %add3A_726 = arith.addi %iota3A, %add3A_725 : vector<16xi32>
      %and3A_727 = arith.constant 63 : i32
      %and3A_728 = vector.broadcast %and3A_727 : i32 to vector<16xi32>
      %and3A_729 = arith.andi %add3A_726, %and3A_728 : vector<16xi32>
      %gather3A_730 = tpu.vector_load_idx %arg23[%add3A_237, %and3A_729] : memref<512x64xf32, #tpu.memory_space<vmem>>[vector<16xi32>, vector<16xi32>], vector<16xf32>,
      %add3A_731 = arith.addi %mul3A_232, %and3A_729 : vector<16xi32>
      %gather3A_732 = tpu.vector_load_idx %arg25[%add3A_731] : memref<14080xf32, #tpu.memory_space<vmem>>[vector<16xi32>], vector<16xf32>,
      %add3A_733 = arith.addf %gather3A_730, %gather3A_732 : vector<16xf32>
      %gather3A_734 = tpu.vector_load_idx %arg24[%add3A_237, %and3A_729] : memref<512x64xf32, #tpu.memory_space<vmem>>[vector<16xi32>, vector<16xi32>], vector<16xf32>,
      %add3A_735 = arith.addi %mul3A_235, %and3A_729 : vector<16xi32>
      %gather3A_736 = tpu.vector_load_idx %arg26[%add3A_735] : memref<6400xf32, #tpu.memory_space<vmem>>[vector<16xi32>], vector<16xf32>,
      %add3A_737 = arith.addf %gather3A_734, %gather3A_736 : vector<16xf32>
      %mul3A_738 = arith.mulf %add3A_733, %add3A_737 : vector<16xf32>
      %add3A_739 = arith.addf %add3A_675, %mul3A_738 : vector<16xf32>
      %add3A_740 = arith.constant 31 : i32
      %add3A_741 = vector.broadcast %add3A_740 : i32 to vector<16xi32>
      %add3A_742 = arith.addi %iota3A, %add3A_741 : vector<16xi32>
      %and3A_743 = arith.constant 63 : i32
      %and3A_744 = vector.broadcast %and3A_743 : i32 to vector<16xi32>
      %and3A_745 = arith.andi %add3A_742, %and3A_744 : vector<16xi32>
      %gather3A_746 = tpu.vector_load_idx %arg23[%add3A_237, %and3A_745] : memref<512x64xf32, #tpu.memory_space<vmem>>[vector<16xi32>, vector<16xi32>], vector<16xf32>,
      %add3A_747 = arith.addi %mul3A_232, %and3A_745 : vector<16xi32>
      %gather3A_748 = tpu.vector_load_idx %arg25[%add3A_747] : memref<14080xf32, #tpu.memory_space<vmem>>[vector<16xi32>], vector<16xf32>,
      %add3A_749 = arith.addf %gather3A_746, %gather3A_748 : vector<16xf32>
      %gather3A_750 = tpu.vector_load_idx %arg24[%add3A_237, %and3A_745] : memref<512x64xf32, #tpu.memory_space<vmem>>[vector<16xi32>, vector<16xi32>], vector<16xf32>,
      %add3A_751 = arith.addi %mul3A_235, %and3A_745 : vector<16xi32>
      %gather3A_752 = tpu.vector_load_idx %arg26[%add3A_751] : memref<6400xf32, #tpu.memory_space<vmem>>[vector<16xi32>], vector<16xf32>,
      %add3A_753 = arith.addf %gather3A_750, %gather3A_752 : vector<16xf32>
      %mul3A_754 = arith.mulf %add3A_749, %add3A_753 : vector<16xf32>
      %add3A_755 = arith.addf %add3A_691, %mul3A_754 : vector<16xf32>
      %add3A_756 = arith.constant 32 : i32
      %add3A_757 = vector.broadcast %add3A_756 : i32 to vector<16xi32>
      %add3A_758 = arith.addi %iota3A, %add3A_757 : vector<16xi32>
      %and3A_759 = arith.constant 63 : i32
      %and3A_760 = vector.broadcast %and3A_759 : i32 to vector<16xi32>
      %and3A_761 = arith.andi %add3A_758, %and3A_760 : vector<16xi32>
      %gather3A_762 = tpu.vector_load_idx %arg23[%add3A_237, %and3A_761] : memref<512x64xf32, #tpu.memory_space<vmem>>[vector<16xi32>, vector<16xi32>], vector<16xf32>,
      %add3A_763 = arith.addi %mul3A_232, %and3A_761 : vector<16xi32>
      %gather3A_764 = tpu.vector_load_idx %arg25[%add3A_763] : memref<14080xf32, #tpu.memory_space<vmem>>[vector<16xi32>], vector<16xf32>,
      %add3A_765 = arith.addf %gather3A_762, %gather3A_764 : vector<16xf32>
      %gather3A_766 = tpu.vector_load_idx %arg24[%add3A_237, %and3A_761] : memref<512x64xf32, #tpu.memory_space<vmem>>[vector<16xi32>, vector<16xi32>], vector<16xf32>,
      %add3A_767 = arith.addi %mul3A_235, %and3A_761 : vector<16xi32>
      %gather3A_768 = tpu.vector_load_idx %arg26[%add3A_767] : memref<6400xf32, #tpu.memory_space<vmem>>[vector<16xi32>], vector<16xf32>,
      %add3A_769 = arith.addf %gather3A_766, %gather3A_768 : vector<16xf32>
      %mul3A_770 = arith.mulf %add3A_765, %add3A_769 : vector<16xf32>
      %add3A_771 = arith.addf %add3A_707, %mul3A_770 : vector<16xf32>
      %add3A_772 = arith.constant 33 : i32
      %add3A_773 = vector.broadcast %add3A_772 : i32 to vector<16xi32>
      %add3A_774 = arith.addi %iota3A, %add3A_773 : vector<16xi32>
      %and3A_775 = arith.constant 63 : i32
      %and3A_776 = vector.broadcast %and3A_775 : i32 to vector<16xi32>
      %and3A_777 = arith.andi %add3A_774, %and3A_776 : vector<16xi32>
      %gather3A_778 = tpu.vector_load_idx %arg23[%add3A_237, %and3A_777] : memref<512x64xf32, #tpu.memory_space<vmem>>[vector<16xi32>, vector<16xi32>], vector<16xf32>,
      %add3A_779 = arith.addi %mul3A_232, %and3A_777 : vector<16xi32>
      %gather3A_780 = tpu.vector_load_idx %arg25[%add3A_779] : memref<14080xf32, #tpu.memory_space<vmem>>[vector<16xi32>], vector<16xf32>,
      %add3A_781 = arith.addf %gather3A_778, %gather3A_780 : vector<16xf32>
      %gather3A_782 = tpu.vector_load_idx %arg24[%add3A_237, %and3A_777] : memref<512x64xf32, #tpu.memory_space<vmem>>[vector<16xi32>, vector<16xi32>], vector<16xf32>,
      %add3A_783 = arith.addi %mul3A_235, %and3A_777 : vector<16xi32>
      %gather3A_784 = tpu.vector_load_idx %arg26[%add3A_783] : memref<6400xf32, #tpu.memory_space<vmem>>[vector<16xi32>], vector<16xf32>,
      %add3A_785 = arith.addf %gather3A_782, %gather3A_784 : vector<16xf32>
      %mul3A_786 = arith.mulf %add3A_781, %add3A_785 : vector<16xf32>
      %add3A_787 = arith.addf %add3A_723, %mul3A_786 : vector<16xf32>
      %add3A_788 = arith.constant 34 : i32
      %add3A_789 = vector.broadcast %add3A_788 : i32 to vector<16xi32>
      %add3A_790 = arith.addi %iota3A, %add3A_789 : vector<16xi32>
      %and3A_791 = arith.constant 63 : i32
      %and3A_792 = vector.broadcast %and3A_791 : i32 to vector<16xi32>
      %and3A_793 = arith.andi %add3A_790, %and3A_792 : vector<16xi32>
      %gather3A_794 = tpu.vector_load_idx %arg23[%add3A_237, %and3A_793] : memref<512x64xf32, #tpu.memory_space<vmem>>[vector<16xi32>, vector<16xi32>], vector<16xf32>,
      %add3A_795 = arith.addi %mul3A_232, %and3A_793 : vector<16xi32>
      %gather3A_796 = tpu.vector_load_idx %arg25[%add3A_795] : memref<14080xf32, #tpu.memory_space<vmem>>[vector<16xi32>], vector<16xf32>,
      %add3A_797 = arith.addf %gather3A_794, %gather3A_796 : vector<16xf32>
      %gather3A_798 = tpu.vector_load_idx %arg24[%add3A_237, %and3A_793] : memref<512x64xf32, #tpu.memory_space<vmem>>[vector<16xi32>, vector<16xi32>], vector<16xf32>,
      %add3A_799 = arith.addi %mul3A_235, %and3A_793 : vector<16xi32>
      %gather3A_800 = tpu.vector_load_idx %arg26[%add3A_799] : memref<6400xf32, #tpu.memory_space<vmem>>[vector<16xi32>], vector<16xf32>,
      %add3A_801 = arith.addf %gather3A_798, %gather3A_800 : vector<16xf32>
      %mul3A_802 = arith.mulf %add3A_797, %add3A_801 : vector<16xf32>
      %add3A_803 = arith.addf %add3A_739, %mul3A_802 : vector<16xf32>
      %add3A_804 = arith.constant 35 : i32
      %add3A_805 = vector.broadcast %add3A_804 : i32 to vector<16xi32>
      %add3A_806 = arith.addi %iota3A, %add3A_805 : vector<16xi32>
      %and3A_807 = arith.constant 63 : i32
      %and3A_808 = vector.broadcast %and3A_807 : i32 to vector<16xi32>
      %and3A_809 = arith.andi %add3A_806, %and3A_808 : vector<16xi32>
      %gather3A_810 = tpu.vector_load_idx %arg23[%add3A_237, %and3A_809] : memref<512x64xf32, #tpu.memory_space<vmem>>[vector<16xi32>, vector<16xi32>], vector<16xf32>,
      %add3A_811 = arith.addi %mul3A_232, %and3A_809 : vector<16xi32>
      %gather3A_812 = tpu.vector_load_idx %arg25[%add3A_811] : memref<14080xf32, #tpu.memory_space<vmem>>[vector<16xi32>], vector<16xf32>,
      %add3A_813 = arith.addf %gather3A_810, %gather3A_812 : vector<16xf32>
      %gather3A_814 = tpu.vector_load_idx %arg24[%add3A_237, %and3A_809] : memref<512x64xf32, #tpu.memory_space<vmem>>[vector<16xi32>, vector<16xi32>], vector<16xf32>,
      %add3A_815 = arith.addi %mul3A_235, %and3A_809 : vector<16xi32>
      %gather3A_816 = tpu.vector_load_idx %arg26[%add3A_815] : memref<6400xf32, #tpu.memory_space<vmem>>[vector<16xi32>], vector<16xf32>,
      %add3A_817 = arith.addf %gather3A_814, %gather3A_816 : vector<16xf32>
      %mul3A_818 = arith.mulf %add3A_813, %add3A_817 : vector<16xf32>
      %add3A_819 = arith.addf %add3A_755, %mul3A_818 : vector<16xf32>
      %add3A_820 = arith.constant 36 : i32
      %add3A_821 = vector.broadcast %add3A_820 : i32 to vector<16xi32>
      %add3A_822 = arith.addi %iota3A, %add3A_821 : vector<16xi32>
      %and3A_823 = arith.constant 63 : i32
      %and3A_824 = vector.broadcast %and3A_823 : i32 to vector<16xi32>
      %and3A_825 = arith.andi %add3A_822, %and3A_824 : vector<16xi32>
      %gather3A_826 = tpu.vector_load_idx %arg23[%add3A_237, %and3A_825] : memref<512x64xf32, #tpu.memory_space<vmem>>[vector<16xi32>, vector<16xi32>], vector<16xf32>,
      %add3A_827 = arith.addi %mul3A_232, %and3A_825 : vector<16xi32>
      %gather3A_828 = tpu.vector_load_idx %arg25[%add3A_827] : memref<14080xf32, #tpu.memory_space<vmem>>[vector<16xi32>], vector<16xf32>,
      %add3A_829 = arith.addf %gather3A_826, %gather3A_828 : vector<16xf32>
      %gather3A_830 = tpu.vector_load_idx %arg24[%add3A_237, %and3A_825] : memref<512x64xf32, #tpu.memory_space<vmem>>[vector<16xi32>, vector<16xi32>], vector<16xf32>,
      %add3A_831 = arith.addi %mul3A_235, %and3A_825 : vector<16xi32>
      %gather3A_832 = tpu.vector_load_idx %arg26[%add3A_831] : memref<6400xf32, #tpu.memory_space<vmem>>[vector<16xi32>], vector<16xf32>,
      %add3A_833 = arith.addf %gather3A_830, %gather3A_832 : vector<16xf32>
      %mul3A_834 = arith.mulf %add3A_829, %add3A_833 : vector<16xf32>
      %add3A_835 = arith.addf %add3A_771, %mul3A_834 : vector<16xf32>
      %add3A_836 = arith.constant 37 : i32
      %add3A_837 = vector.broadcast %add3A_836 : i32 to vector<16xi32>
      %add3A_838 = arith.addi %iota3A, %add3A_837 : vector<16xi32>
      %and3A_839 = arith.constant 63 : i32
      %and3A_840 = vector.broadcast %and3A_839 : i32 to vector<16xi32>
      %and3A_841 = arith.andi %add3A_838, %and3A_840 : vector<16xi32>
      %gather3A_842 = tpu.vector_load_idx %arg23[%add3A_237, %and3A_841] : memref<512x64xf32, #tpu.memory_space<vmem>>[vector<16xi32>, vector<16xi32>], vector<16xf32>,
      %add3A_843 = arith.addi %mul3A_232, %and3A_841 : vector<16xi32>
      %gather3A_844 = tpu.vector_load_idx %arg25[%add3A_843] : memref<14080xf32, #tpu.memory_space<vmem>>[vector<16xi32>], vector<16xf32>,
      %add3A_845 = arith.addf %gather3A_842, %gather3A_844 : vector<16xf32>
      %gather3A_846 = tpu.vector_load_idx %arg24[%add3A_237, %and3A_841] : memref<512x64xf32, #tpu.memory_space<vmem>>[vector<16xi32>, vector<16xi32>], vector<16xf32>,
      %add3A_847 = arith.addi %mul3A_235, %and3A_841 : vector<16xi32>
      %gather3A_848 = tpu.vector_load_idx %arg26[%add3A_847] : memref<6400xf32, #tpu.memory_space<vmem>>[vector<16xi32>], vector<16xf32>,
      %add3A_849 = arith.addf %gather3A_846, %gather3A_848 : vector<16xf32>
      %mul3A_850 = arith.mulf %add3A_845, %add3A_849 : vector<16xf32>
      %add3A_851 = arith.addf %add3A_787, %mul3A_850 : vector<16xf32>
      %add3A_852 = arith.constant 38 : i32
      %add3A_853 = vector.broadcast %add3A_852 : i32 to vector<16xi32>
      %add3A_854 = arith.addi %iota3A, %add3A_853 : vector<16xi32>
      %and3A_855 = arith.constant 63 : i32
      %and3A_856 = vector.broadcast %and3A_855 : i32 to vector<16xi32>
      %and3A_857 = arith.andi %add3A_854, %and3A_856 : vector<16xi32>
      %gather3A_858 = tpu.vector_load_idx %arg23[%add3A_237, %and3A_857] : memref<512x64xf32, #tpu.memory_space<vmem>>[vector<16xi32>, vector<16xi32>], vector<16xf32>,
      %add3A_859 = arith.addi %mul3A_232, %and3A_857 : vector<16xi32>
      %gather3A_860 = tpu.vector_load_idx %arg25[%add3A_859] : memref<14080xf32, #tpu.memory_space<vmem>>[vector<16xi32>], vector<16xf32>,
      %add3A_861 = arith.addf %gather3A_858, %gather3A_860 : vector<16xf32>
      %gather3A_862 = tpu.vector_load_idx %arg24[%add3A_237, %and3A_857] : memref<512x64xf32, #tpu.memory_space<vmem>>[vector<16xi32>, vector<16xi32>], vector<16xf32>,
      %add3A_863 = arith.addi %mul3A_235, %and3A_857 : vector<16xi32>
      %gather3A_864 = tpu.vector_load_idx %arg26[%add3A_863] : memref<6400xf32, #tpu.memory_space<vmem>>[vector<16xi32>], vector<16xf32>,
      %add3A_865 = arith.addf %gather3A_862, %gather3A_864 : vector<16xf32>
      %mul3A_866 = arith.mulf %add3A_861, %add3A_865 : vector<16xf32>
      %add3A_867 = arith.addf %add3A_803, %mul3A_866 : vector<16xf32>
      %add3A_868 = arith.constant 39 : i32
      %add3A_869 = vector.broadcast %add3A_868 : i32 to vector<16xi32>
      %add3A_870 = arith.addi %iota3A, %add3A_869 : vector<16xi32>
      %and3A_871 = arith.constant 63 : i32
      %and3A_872 = vector.broadcast %and3A_871 : i32 to vector<16xi32>
      %and3A_873 = arith.andi %add3A_870, %and3A_872 : vector<16xi32>
      %gather3A_874 = tpu.vector_load_idx %arg23[%add3A_237, %and3A_873] : memref<512x64xf32, #tpu.memory_space<vmem>>[vector<16xi32>, vector<16xi32>], vector<16xf32>,
      %add3A_875 = arith.addi %mul3A_232, %and3A_873 : vector<16xi32>
      %gather3A_876 = tpu.vector_load_idx %arg25[%add3A_875] : memref<14080xf32, #tpu.memory_space<vmem>>[vector<16xi32>], vector<16xf32>,
      %add3A_877 = arith.addf %gather3A_874, %gather3A_876 : vector<16xf32>
      %gather3A_878 = tpu.vector_load_idx %arg24[%add3A_237, %and3A_873] : memref<512x64xf32, #tpu.memory_space<vmem>>[vector<16xi32>, vector<16xi32>], vector<16xf32>,
      %add3A_879 = arith.addi %mul3A_235, %and3A_873 : vector<16xi32>
      %gather3A_880 = tpu.vector_load_idx %arg26[%add3A_879] : memref<6400xf32, #tpu.memory_space<vmem>>[vector<16xi32>], vector<16xf32>,
      %add3A_881 = arith.addf %gather3A_878, %gather3A_880 : vector<16xf32>
      %mul3A_882 = arith.mulf %add3A_877, %add3A_881 : vector<16xf32>
      %add3A_883 = arith.addf %add3A_819, %mul3A_882 : vector<16xf32>
      %add3A_884 = arith.constant 40 : i32
      %add3A_885 = vector.broadcast %add3A_884 : i32 to vector<16xi32>
      %add3A_886 = arith.addi %iota3A, %add3A_885 : vector<16xi32>
      %and3A_887 = arith.constant 63 : i32
      %and3A_888 = vector.broadcast %and3A_887 : i32 to vector<16xi32>
      %and3A_889 = arith.andi %add3A_886, %and3A_888 : vector<16xi32>
      %gather3A_890 = tpu.vector_load_idx %arg23[%add3A_237, %and3A_889] : memref<512x64xf32, #tpu.memory_space<vmem>>[vector<16xi32>, vector<16xi32>], vector<16xf32>,
      %add3A_891 = arith.addi %mul3A_232, %and3A_889 : vector<16xi32>
      %gather3A_892 = tpu.vector_load_idx %arg25[%add3A_891] : memref<14080xf32, #tpu.memory_space<vmem>>[vector<16xi32>], vector<16xf32>,
      %add3A_893 = arith.addf %gather3A_890, %gather3A_892 : vector<16xf32>
      %gather3A_894 = tpu.vector_load_idx %arg24[%add3A_237, %and3A_889] : memref<512x64xf32, #tpu.memory_space<vmem>>[vector<16xi32>, vector<16xi32>], vector<16xf32>,
      %add3A_895 = arith.addi %mul3A_235, %and3A_889 : vector<16xi32>
      %gather3A_896 = tpu.vector_load_idx %arg26[%add3A_895] : memref<6400xf32, #tpu.memory_space<vmem>>[vector<16xi32>], vector<16xf32>,
      %add3A_897 = arith.addf %gather3A_894, %gather3A_896 : vector<16xf32>
      %mul3A_898 = arith.mulf %add3A_893, %add3A_897 : vector<16xf32>
      %add3A_899 = arith.addf %add3A_835, %mul3A_898 : vector<16xf32>
      %add3A_900 = arith.constant 41 : i32
      %add3A_901 = vector.broadcast %add3A_900 : i32 to vector<16xi32>
      %add3A_902 = arith.addi %iota3A, %add3A_901 : vector<16xi32>
      %and3A_903 = arith.constant 63 : i32
      %and3A_904 = vector.broadcast %and3A_903 : i32 to vector<16xi32>
      %and3A_905 = arith.andi %add3A_902, %and3A_904 : vector<16xi32>
      %gather3A_906 = tpu.vector_load_idx %arg23[%add3A_237, %and3A_905] : memref<512x64xf32, #tpu.memory_space<vmem>>[vector<16xi32>, vector<16xi32>], vector<16xf32>,
      %add3A_907 = arith.addi %mul3A_232, %and3A_905 : vector<16xi32>
      %gather3A_908 = tpu.vector_load_idx %arg25[%add3A_907] : memref<14080xf32, #tpu.memory_space<vmem>>[vector<16xi32>], vector<16xf32>,
      %add3A_909 = arith.addf %gather3A_906, %gather3A_908 : vector<16xf32>
      %gather3A_910 = tpu.vector_load_idx %arg24[%add3A_237, %and3A_905] : memref<512x64xf32, #tpu.memory_space<vmem>>[vector<16xi32>, vector<16xi32>], vector<16xf32>,
      %add3A_911 = arith.addi %mul3A_235, %and3A_905 : vector<16xi32>
      %gather3A_912 = tpu.vector_load_idx %arg26[%add3A_911] : memref<6400xf32, #tpu.memory_space<vmem>>[vector<16xi32>], vector<16xf32>,
      %add3A_913 = arith.addf %gather3A_910, %gather3A_912 : vector<16xf32>
      %mul3A_914 = arith.mulf %add3A_909, %add3A_913 : vector<16xf32>
      %add3A_915 = arith.addf %add3A_851, %mul3A_914 : vector<16xf32>
      %add3A_916 = arith.constant 42 : i32
      %add3A_917 = vector.broadcast %add3A_916 : i32 to vector<16xi32>
      %add3A_918 = arith.addi %iota3A, %add3A_917 : vector<16xi32>
      %and3A_919 = arith.constant 63 : i32
      %and3A_920 = vector.broadcast %and3A_919 : i32 to vector<16xi32>
      %and3A_921 = arith.andi %add3A_918, %and3A_920 : vector<16xi32>
      %gather3A_922 = tpu.vector_load_idx %arg23[%add3A_237, %and3A_921] : memref<512x64xf32, #tpu.memory_space<vmem>>[vector<16xi32>, vector<16xi32>], vector<16xf32>,
      %add3A_923 = arith.addi %mul3A_232, %and3A_921 : vector<16xi32>
      %gather3A_924 = tpu.vector_load_idx %arg25[%add3A_923] : memref<14080xf32, #tpu.memory_space<vmem>>[vector<16xi32>], vector<16xf32>,
      %add3A_925 = arith.addf %gather3A_922, %gather3A_924 : vector<16xf32>
      %gather3A_926 = tpu.vector_load_idx %arg24[%add3A_237, %and3A_921] : memref<512x64xf32, #tpu.memory_space<vmem>>[vector<16xi32>, vector<16xi32>], vector<16xf32>,
      %add3A_927 = arith.addi %mul3A_235, %and3A_921 : vector<16xi32>
      %gather3A_928 = tpu.vector_load_idx %arg26[%add3A_927] : memref<6400xf32, #tpu.memory_space<vmem>>[vector<16xi32>], vector<16xf32>,
      %add3A_929 = arith.addf %gather3A_926, %gather3A_928 : vector<16xf32>
      %mul3A_930 = arith.mulf %add3A_925, %add3A_929 : vector<16xf32>
      %add3A_931 = arith.addf %add3A_867, %mul3A_930 : vector<16xf32>
      %add3A_932 = arith.constant 43 : i32
      %add3A_933 = vector.broadcast %add3A_932 : i32 to vector<16xi32>
      %add3A_934 = arith.addi %iota3A, %add3A_933 : vector<16xi32>
      %and3A_935 = arith.constant 63 : i32
      %and3A_936 = vector.broadcast %and3A_935 : i32 to vector<16xi32>
      %and3A_937 = arith.andi %add3A_934, %and3A_936 : vector<16xi32>
      %gather3A_938 = tpu.vector_load_idx %arg23[%add3A_237, %and3A_937] : memref<512x64xf32, #tpu.memory_space<vmem>>[vector<16xi32>, vector<16xi32>], vector<16xf32>,
      %add3A_939 = arith.addi %mul3A_232, %and3A_937 : vector<16xi32>
      %gather3A_940 = tpu.vector_load_idx %arg25[%add3A_939] : memref<14080xf32, #tpu.memory_space<vmem>>[vector<16xi32>], vector<16xf32>,
      %add3A_941 = arith.addf %gather3A_938, %gather3A_940 : vector<16xf32>
      %gather3A_942 = tpu.vector_load_idx %arg24[%add3A_237, %and3A_937] : memref<512x64xf32, #tpu.memory_space<vmem>>[vector<16xi32>, vector<16xi32>], vector<16xf32>,
      %add3A_943 = arith.addi %mul3A_235, %and3A_937 : vector<16xi32>
      %gather3A_944 = tpu.vector_load_idx %arg26[%add3A_943] : memref<6400xf32, #tpu.memory_space<vmem>>[vector<16xi32>], vector<16xf32>,
      %add3A_945 = arith.addf %gather3A_942, %gather3A_944 : vector<16xf32>
      %mul3A_946 = arith.mulf %add3A_941, %add3A_945 : vector<16xf32>
      %add3A_947 = arith.addf %add3A_883, %mul3A_946 : vector<16xf32>
      %add3A_948 = arith.constant 44 : i32
      %add3A_949 = vector.broadcast %add3A_948 : i32 to vector<16xi32>
      %add3A_950 = arith.addi %iota3A, %add3A_949 : vector<16xi32>
      %and3A_951 = arith.constant 63 : i32
      %and3A_952 = vector.broadcast %and3A_951 : i32 to vector<16xi32>
      %and3A_953 = arith.andi %add3A_950, %and3A_952 : vector<16xi32>
      %gather3A_954 = tpu.vector_load_idx %arg23[%add3A_237, %and3A_953] : memref<512x64xf32, #tpu.memory_space<vmem>>[vector<16xi32>, vector<16xi32>], vector<16xf32>,
      %add3A_955 = arith.addi %mul3A_232, %and3A_953 : vector<16xi32>
      %gather3A_956 = tpu.vector_load_idx %arg25[%add3A_955] : memref<14080xf32, #tpu.memory_space<vmem>>[vector<16xi32>], vector<16xf32>,
      %add3A_957 = arith.addf %gather3A_954, %gather3A_956 : vector<16xf32>
      %gather3A_958 = tpu.vector_load_idx %arg24[%add3A_237, %and3A_953] : memref<512x64xf32, #tpu.memory_space<vmem>>[vector<16xi32>, vector<16xi32>], vector<16xf32>,
      %add3A_959 = arith.addi %mul3A_235, %and3A_953 : vector<16xi32>
      %gather3A_960 = tpu.vector_load_idx %arg26[%add3A_959] : memref<6400xf32, #tpu.memory_space<vmem>>[vector<16xi32>], vector<16xf32>,
      %add3A_961 = arith.addf %gather3A_958, %gather3A_960 : vector<16xf32>
      %mul3A_962 = arith.mulf %add3A_957, %add3A_961 : vector<16xf32>
      %add3A_963 = arith.addf %add3A_899, %mul3A_962 : vector<16xf32>
      %add3A_964 = arith.constant 45 : i32
      %add3A_965 = vector.broadcast %add3A_964 : i32 to vector<16xi32>
      %add3A_966 = arith.addi %iota3A, %add3A_965 : vector<16xi32>
      %and3A_967 = arith.constant 63 : i32
      %and3A_968 = vector.broadcast %and3A_967 : i32 to vector<16xi32>
      %and3A_969 = arith.andi %add3A_966, %and3A_968 : vector<16xi32>
      %gather3A_970 = tpu.vector_load_idx %arg23[%add3A_237, %and3A_969] : memref<512x64xf32, #tpu.memory_space<vmem>>[vector<16xi32>, vector<16xi32>], vector<16xf32>,
      %add3A_971 = arith.addi %mul3A_232, %and3A_969 : vector<16xi32>
      %gather3A_972 = tpu.vector_load_idx %arg25[%add3A_971] : memref<14080xf32, #tpu.memory_space<vmem>>[vector<16xi32>], vector<16xf32>,
      %add3A_973 = arith.addf %gather3A_970, %gather3A_972 : vector<16xf32>
      %gather3A_974 = tpu.vector_load_idx %arg24[%add3A_237, %and3A_969] : memref<512x64xf32, #tpu.memory_space<vmem>>[vector<16xi32>, vector<16xi32>], vector<16xf32>,
      %add3A_975 = arith.addi %mul3A_235, %and3A_969 : vector<16xi32>
      %gather3A_976 = tpu.vector_load_idx %arg26[%add3A_975] : memref<6400xf32, #tpu.memory_space<vmem>>[vector<16xi32>], vector<16xf32>,
      %add3A_977 = arith.addf %gather3A_974, %gather3A_976 : vector<16xf32>
      %mul3A_978 = arith.mulf %add3A_973, %add3A_977 : vector<16xf32>
      %add3A_979 = arith.addf %add3A_915, %mul3A_978 : vector<16xf32>
      %add3A_980 = arith.constant 46 : i32
      %add3A_981 = vector.broadcast %add3A_980 : i32 to vector<16xi32>
      %add3A_982 = arith.addi %iota3A, %add3A_981 : vector<16xi32>
      %and3A_983 = arith.constant 63 : i32
      %and3A_984 = vector.broadcast %and3A_983 : i32 to vector<16xi32>
      %and3A_985 = arith.andi %add3A_982, %and3A_984 : vector<16xi32>
      %gather3A_986 = tpu.vector_load_idx %arg23[%add3A_237, %and3A_985] : memref<512x64xf32, #tpu.memory_space<vmem>>[vector<16xi32>, vector<16xi32>], vector<16xf32>,
      %add3A_987 = arith.addi %mul3A_232, %and3A_985 : vector<16xi32>
      %gather3A_988 = tpu.vector_load_idx %arg25[%add3A_987] : memref<14080xf32, #tpu.memory_space<vmem>>[vector<16xi32>], vector<16xf32>,
      %add3A_989 = arith.addf %gather3A_986, %gather3A_988 : vector<16xf32>
      %gather3A_990 = tpu.vector_load_idx %arg24[%add3A_237, %and3A_985] : memref<512x64xf32, #tpu.memory_space<vmem>>[vector<16xi32>, vector<16xi32>], vector<16xf32>,
      %add3A_991 = arith.addi %mul3A_235, %and3A_985 : vector<16xi32>
      %gather3A_992 = tpu.vector_load_idx %arg26[%add3A_991] : memref<6400xf32, #tpu.memory_space<vmem>>[vector<16xi32>], vector<16xf32>,
      %add3A_993 = arith.addf %gather3A_990, %gather3A_992 : vector<16xf32>
      %mul3A_994 = arith.mulf %add3A_989, %add3A_993 : vector<16xf32>
      %add3A_995 = arith.addf %add3A_931, %mul3A_994 : vector<16xf32>
      %add3A_996 = arith.constant 47 : i32
      %add3A_997 = vector.broadcast %add3A_996 : i32 to vector<16xi32>
      %add3A_998 = arith.addi %iota3A, %add3A_997 : vector<16xi32>
      %and3A_999 = arith.constant 63 : i32
      %and3A_1000 = vector.broadcast %and3A_999 : i32 to vector<16xi32>
      %and3A_1001 = arith.andi %add3A_998, %and3A_1000 : vector<16xi32>
      %gather3A_1002 = tpu.vector_load_idx %arg23[%add3A_237, %and3A_1001] : memref<512x64xf32, #tpu.memory_space<vmem>>[vector<16xi32>, vector<16xi32>], vector<16xf32>,
      %add3A_1003 = arith.addi %mul3A_232, %and3A_1001 : vector<16xi32>
      %gather3A_1004 = tpu.vector_load_idx %arg25[%add3A_1003] : memref<14080xf32, #tpu.memory_space<vmem>>[vector<16xi32>], vector<16xf32>,
      %add3A_1005 = arith.addf %gather3A_1002, %gather3A_1004 : vector<16xf32>
      %gather3A_1006 = tpu.vector_load_idx %arg24[%add3A_237, %and3A_1001] : memref<512x64xf32, #tpu.memory_space<vmem>>[vector<16xi32>, vector<16xi32>], vector<16xf32>,
      %add3A_1007 = arith.addi %mul3A_235, %and3A_1001 : vector<16xi32>
      %gather3A_1008 = tpu.vector_load_idx %arg26[%add3A_1007] : memref<6400xf32, #tpu.memory_space<vmem>>[vector<16xi32>], vector<16xf32>,
      %add3A_1009 = arith.addf %gather3A_1006, %gather3A_1008 : vector<16xf32>
      %mul3A_1010 = arith.mulf %add3A_1005, %add3A_1009 : vector<16xf32>
      %add3A_1011 = arith.addf %add3A_947, %mul3A_1010 : vector<16xf32>
      %add3A_1012 = arith.constant 48 : i32
      %add3A_1013 = vector.broadcast %add3A_1012 : i32 to vector<16xi32>
      %add3A_1014 = arith.addi %iota3A, %add3A_1013 : vector<16xi32>
      %and3A_1015 = arith.constant 63 : i32
      %and3A_1016 = vector.broadcast %and3A_1015 : i32 to vector<16xi32>
      %and3A_1017 = arith.andi %add3A_1014, %and3A_1016 : vector<16xi32>
      %gather3A_1018 = tpu.vector_load_idx %arg23[%add3A_237, %and3A_1017] : memref<512x64xf32, #tpu.memory_space<vmem>>[vector<16xi32>, vector<16xi32>], vector<16xf32>,
      %add3A_1019 = arith.addi %mul3A_232, %and3A_1017 : vector<16xi32>
      %gather3A_1020 = tpu.vector_load_idx %arg25[%add3A_1019] : memref<14080xf32, #tpu.memory_space<vmem>>[vector<16xi32>], vector<16xf32>,
      %add3A_1021 = arith.addf %gather3A_1018, %gather3A_1020 : vector<16xf32>
      %gather3A_1022 = tpu.vector_load_idx %arg24[%add3A_237, %and3A_1017] : memref<512x64xf32, #tpu.memory_space<vmem>>[vector<16xi32>, vector<16xi32>], vector<16xf32>,
      %add3A_1023 = arith.addi %mul3A_235, %and3A_1017 : vector<16xi32>
      %gather3A_1024 = tpu.vector_load_idx %arg26[%add3A_1023] : memref<6400xf32, #tpu.memory_space<vmem>>[vector<16xi32>], vector<16xf32>,
      %add3A_1025 = arith.addf %gather3A_1022, %gather3A_1024 : vector<16xf32>
      %mul3A_1026 = arith.mulf %add3A_1021, %add3A_1025 : vector<16xf32>
      %add3A_1027 = arith.addf %add3A_963, %mul3A_1026 : vector<16xf32>
      %add3A_1028 = arith.constant 49 : i32
      %add3A_1029 = vector.broadcast %add3A_1028 : i32 to vector<16xi32>
      %add3A_1030 = arith.addi %iota3A, %add3A_1029 : vector<16xi32>
      %and3A_1031 = arith.constant 63 : i32
      %and3A_1032 = vector.broadcast %and3A_1031 : i32 to vector<16xi32>
      %and3A_1033 = arith.andi %add3A_1030, %and3A_1032 : vector<16xi32>
      %gather3A_1034 = tpu.vector_load_idx %arg23[%add3A_237, %and3A_1033] : memref<512x64xf32, #tpu.memory_space<vmem>>[vector<16xi32>, vector<16xi32>], vector<16xf32>,
      %add3A_1035 = arith.addi %mul3A_232, %and3A_1033 : vector<16xi32>
      %gather3A_1036 = tpu.vector_load_idx %arg25[%add3A_1035] : memref<14080xf32, #tpu.memory_space<vmem>>[vector<16xi32>], vector<16xf32>,
      %add3A_1037 = arith.addf %gather3A_1034, %gather3A_1036 : vector<16xf32>
      %gather3A_1038 = tpu.vector_load_idx %arg24[%add3A_237, %and3A_1033] : memref<512x64xf32, #tpu.memory_space<vmem>>[vector<16xi32>, vector<16xi32>], vector<16xf32>,
      %add3A_1039 = arith.addi %mul3A_235, %and3A_1033 : vector<16xi32>
      %gather3A_1040 = tpu.vector_load_idx %arg26[%add3A_1039] : memref<6400xf32, #tpu.memory_space<vmem>>[vector<16xi32>], vector<16xf32>,
      %add3A_1041 = arith.addf %gather3A_1038, %gather3A_1040 : vector<16xf32>
      %mul3A_1042 = arith.mulf %add3A_1037, %add3A_1041 : vector<16xf32>
      %add3A_1043 = arith.addf %add3A_979, %mul3A_1042 : vector<16xf32>
      %add3A_1044 = arith.constant 50 : i32
      %add3A_1045 = vector.broadcast %add3A_1044 : i32 to vector<16xi32>
      %add3A_1046 = arith.addi %iota3A, %add3A_1045 : vector<16xi32>
      %and3A_1047 = arith.constant 63 : i32
      %and3A_1048 = vector.broadcast %and3A_1047 : i32 to vector<16xi32>
      %and3A_1049 = arith.andi %add3A_1046, %and3A_1048 : vector<16xi32>
      %gather3A_1050 = tpu.vector_load_idx %arg23[%add3A_237, %and3A_1049] : memref<512x64xf32, #tpu.memory_space<vmem>>[vector<16xi32>, vector<16xi32>], vector<16xf32>,
      %add3A_1051 = arith.addi %mul3A_232, %and3A_1049 : vector<16xi32>
      %gather3A_1052 = tpu.vector_load_idx %arg25[%add3A_1051] : memref<14080xf32, #tpu.memory_space<vmem>>[vector<16xi32>], vector<16xf32>,
      %add3A_1053 = arith.addf %gather3A_1050, %gather3A_1052 : vector<16xf32>
      %gather3A_1054 = tpu.vector_load_idx %arg24[%add3A_237, %and3A_1049] : memref<512x64xf32, #tpu.memory_space<vmem>>[vector<16xi32>, vector<16xi32>], vector<16xf32>,
      %add3A_1055 = arith.addi %mul3A_235, %and3A_1049 : vector<16xi32>
      %gather3A_1056 = tpu.vector_load_idx %arg26[%add3A_1055] : memref<6400xf32, #tpu.memory_space<vmem>>[vector<16xi32>], vector<16xf32>,
      %add3A_1057 = arith.addf %gather3A_1054, %gather3A_1056 : vector<16xf32>
      %mul3A_1058 = arith.mulf %add3A_1053, %add3A_1057 : vector<16xf32>
      %add3A_1059 = arith.addf %add3A_995, %mul3A_1058 : vector<16xf32>
      %add3A_1060 = arith.constant 51 : i32
      %add3A_1061 = vector.broadcast %add3A_1060 : i32 to vector<16xi32>
      %add3A_1062 = arith.addi %iota3A, %add3A_1061 : vector<16xi32>
      %and3A_1063 = arith.constant 63 : i32
      %and3A_1064 = vector.broadcast %and3A_1063 : i32 to vector<16xi32>
      %and3A_1065 = arith.andi %add3A_1062, %and3A_1064 : vector<16xi32>
      %gather3A_1066 = tpu.vector_load_idx %arg23[%add3A_237, %and3A_1065] : memref<512x64xf32, #tpu.memory_space<vmem>>[vector<16xi32>, vector<16xi32>], vector<16xf32>,
      %add3A_1067 = arith.addi %mul3A_232, %and3A_1065 : vector<16xi32>
      %gather3A_1068 = tpu.vector_load_idx %arg25[%add3A_1067] : memref<14080xf32, #tpu.memory_space<vmem>>[vector<16xi32>], vector<16xf32>,
      %add3A_1069 = arith.addf %gather3A_1066, %gather3A_1068 : vector<16xf32>
      %gather3A_1070 = tpu.vector_load_idx %arg24[%add3A_237, %and3A_1065] : memref<512x64xf32, #tpu.memory_space<vmem>>[vector<16xi32>, vector<16xi32>], vector<16xf32>,
      %add3A_1071 = arith.addi %mul3A_235, %and3A_1065 : vector<16xi32>
      %gather3A_1072 = tpu.vector_load_idx %arg26[%add3A_1071] : memref<6400xf32, #tpu.memory_space<vmem>>[vector<16xi32>], vector<16xf32>,
      %add3A_1073 = arith.addf %gather3A_1070, %gather3A_1072 : vector<16xf32>
      %mul3A_1074 = arith.mulf %add3A_1069, %add3A_1073 : vector<16xf32>
      %add3A_1075 = arith.addf %add3A_1011, %mul3A_1074 : vector<16xf32>
      %add3A_1076 = arith.constant 52 : i32
      %add3A_1077 = vector.broadcast %add3A_1076 : i32 to vector<16xi32>
      %add3A_1078 = arith.addi %iota3A, %add3A_1077 : vector<16xi32>
      %and3A_1079 = arith.constant 63 : i32
      %and3A_1080 = vector.broadcast %and3A_1079 : i32 to vector<16xi32>
      %and3A_1081 = arith.andi %add3A_1078, %and3A_1080 : vector<16xi32>
      %gather3A_1082 = tpu.vector_load_idx %arg23[%add3A_237, %and3A_1081] : memref<512x64xf32, #tpu.memory_space<vmem>>[vector<16xi32>, vector<16xi32>], vector<16xf32>,
      %add3A_1083 = arith.addi %mul3A_232, %and3A_1081 : vector<16xi32>
      %gather3A_1084 = tpu.vector_load_idx %arg25[%add3A_1083] : memref<14080xf32, #tpu.memory_space<vmem>>[vector<16xi32>], vector<16xf32>,
      %add3A_1085 = arith.addf %gather3A_1082, %gather3A_1084 : vector<16xf32>
      %gather3A_1086 = tpu.vector_load_idx %arg24[%add3A_237, %and3A_1081] : memref<512x64xf32, #tpu.memory_space<vmem>>[vector<16xi32>, vector<16xi32>], vector<16xf32>,
      %add3A_1087 = arith.addi %mul3A_235, %and3A_1081 : vector<16xi32>
      %gather3A_1088 = tpu.vector_load_idx %arg26[%add3A_1087] : memref<6400xf32, #tpu.memory_space<vmem>>[vector<16xi32>], vector<16xf32>,
      %add3A_1089 = arith.addf %gather3A_1086, %gather3A_1088 : vector<16xf32>
      %mul3A_1090 = arith.mulf %add3A_1085, %add3A_1089 : vector<16xf32>
      %add3A_1091 = arith.addf %add3A_1027, %mul3A_1090 : vector<16xf32>
      %add3A_1092 = arith.constant 53 : i32
      %add3A_1093 = vector.broadcast %add3A_1092 : i32 to vector<16xi32>
      %add3A_1094 = arith.addi %iota3A, %add3A_1093 : vector<16xi32>
      %and3A_1095 = arith.constant 63 : i32
      %and3A_1096 = vector.broadcast %and3A_1095 : i32 to vector<16xi32>
      %and3A_1097 = arith.andi %add3A_1094, %and3A_1096 : vector<16xi32>
      %gather3A_1098 = tpu.vector_load_idx %arg23[%add3A_237, %and3A_1097] : memref<512x64xf32, #tpu.memory_space<vmem>>[vector<16xi32>, vector<16xi32>], vector<16xf32>,
      %add3A_1099 = arith.addi %mul3A_232, %and3A_1097 : vector<16xi32>
      %gather3A_1100 = tpu.vector_load_idx %arg25[%add3A_1099] : memref<14080xf32, #tpu.memory_space<vmem>>[vector<16xi32>], vector<16xf32>,
      %add3A_1101 = arith.addf %gather3A_1098, %gather3A_1100 : vector<16xf32>
      %gather3A_1102 = tpu.vector_load_idx %arg24[%add3A_237, %and3A_1097] : memref<512x64xf32, #tpu.memory_space<vmem>>[vector<16xi32>, vector<16xi32>], vector<16xf32>,
      %add3A_1103 = arith.addi %mul3A_235, %and3A_1097 : vector<16xi32>
      %gather3A_1104 = tpu.vector_load_idx %arg26[%add3A_1103] : memref<6400xf32, #tpu.memory_space<vmem>>[vector<16xi32>], vector<16xf32>,
      %add3A_1105 = arith.addf %gather3A_1102, %gather3A_1104 : vector<16xf32>
      %mul3A_1106 = arith.mulf %add3A_1101, %add3A_1105 : vector<16xf32>
      %add3A_1107 = arith.addf %add3A_1043, %mul3A_1106 : vector<16xf32>
      %add3A_1108 = arith.constant 54 : i32
      %add3A_1109 = vector.broadcast %add3A_1108 : i32 to vector<16xi32>
      %add3A_1110 = arith.addi %iota3A, %add3A_1109 : vector<16xi32>
      %and3A_1111 = arith.constant 63 : i32
      %and3A_1112 = vector.broadcast %and3A_1111 : i32 to vector<16xi32>
      %and3A_1113 = arith.andi %add3A_1110, %and3A_1112 : vector<16xi32>
      %gather3A_1114 = tpu.vector_load_idx %arg23[%add3A_237, %and3A_1113] : memref<512x64xf32, #tpu.memory_space<vmem>>[vector<16xi32>, vector<16xi32>], vector<16xf32>,
      %add3A_1115 = arith.addi %mul3A_232, %and3A_1113 : vector<16xi32>
      %gather3A_1116 = tpu.vector_load_idx %arg25[%add3A_1115] : memref<14080xf32, #tpu.memory_space<vmem>>[vector<16xi32>], vector<16xf32>,
      %add3A_1117 = arith.addf %gather3A_1114, %gather3A_1116 : vector<16xf32>
      %gather3A_1118 = tpu.vector_load_idx %arg24[%add3A_237, %and3A_1113] : memref<512x64xf32, #tpu.memory_space<vmem>>[vector<16xi32>, vector<16xi32>], vector<16xf32>,
      %add3A_1119 = arith.addi %mul3A_235, %and3A_1113 : vector<16xi32>
      %gather3A_1120 = tpu.vector_load_idx %arg26[%add3A_1119] : memref<6400xf32, #tpu.memory_space<vmem>>[vector<16xi32>], vector<16xf32>,
      %add3A_1121 = arith.addf %gather3A_1118, %gather3A_1120 : vector<16xf32>
      %mul3A_1122 = arith.mulf %add3A_1117, %add3A_1121 : vector<16xf32>
      %add3A_1123 = arith.addf %add3A_1059, %mul3A_1122 : vector<16xf32>
      %add3A_1124 = arith.constant 55 : i32
      %add3A_1125 = vector.broadcast %add3A_1124 : i32 to vector<16xi32>
      %add3A_1126 = arith.addi %iota3A, %add3A_1125 : vector<16xi32>
      %and3A_1127 = arith.constant 63 : i32
      %and3A_1128 = vector.broadcast %and3A_1127 : i32 to vector<16xi32>
      %and3A_1129 = arith.andi %add3A_1126, %and3A_1128 : vector<16xi32>
      %gather3A_1130 = tpu.vector_load_idx %arg23[%add3A_237, %and3A_1129] : memref<512x64xf32, #tpu.memory_space<vmem>>[vector<16xi32>, vector<16xi32>], vector<16xf32>,
      %add3A_1131 = arith.addi %mul3A_232, %and3A_1129 : vector<16xi32>
      %gather3A_1132 = tpu.vector_load_idx %arg25[%add3A_1131] : memref<14080xf32, #tpu.memory_space<vmem>>[vector<16xi32>], vector<16xf32>,
      %add3A_1133 = arith.addf %gather3A_1130, %gather3A_1132 : vector<16xf32>
      %gather3A_1134 = tpu.vector_load_idx %arg24[%add3A_237, %and3A_1129] : memref<512x64xf32, #tpu.memory_space<vmem>>[vector<16xi32>, vector<16xi32>], vector<16xf32>,
      %add3A_1135 = arith.addi %mul3A_235, %and3A_1129 : vector<16xi32>
      %gather3A_1136 = tpu.vector_load_idx %arg26[%add3A_1135] : memref<6400xf32, #tpu.memory_space<vmem>>[vector<16xi32>], vector<16xf32>,
      %add3A_1137 = arith.addf %gather3A_1134, %gather3A_1136 : vector<16xf32>
      %mul3A_1138 = arith.mulf %add3A_1133, %add3A_1137 : vector<16xf32>
      %add3A_1139 = arith.addf %add3A_1075, %mul3A_1138 : vector<16xf32>
      %add3A_1140 = arith.constant 56 : i32
      %add3A_1141 = vector.broadcast %add3A_1140 : i32 to vector<16xi32>
      %add3A_1142 = arith.addi %iota3A, %add3A_1141 : vector<16xi32>
      %and3A_1143 = arith.constant 63 : i32
      %and3A_1144 = vector.broadcast %and3A_1143 : i32 to vector<16xi32>
      %and3A_1145 = arith.andi %add3A_1142, %and3A_1144 : vector<16xi32>
      %gather3A_1146 = tpu.vector_load_idx %arg23[%add3A_237, %and3A_1145] : memref<512x64xf32, #tpu.memory_space<vmem>>[vector<16xi32>, vector<16xi32>], vector<16xf32>,
      %add3A_1147 = arith.addi %mul3A_232, %and3A_1145 : vector<16xi32>
      %gather3A_1148 = tpu.vector_load_idx %arg25[%add3A_1147] : memref<14080xf32, #tpu.memory_space<vmem>>[vector<16xi32>], vector<16xf32>,
      %add3A_1149 = arith.addf %gather3A_1146, %gather3A_1148 : vector<16xf32>
      %gather3A_1150 = tpu.vector_load_idx %arg24[%add3A_237, %and3A_1145] : memref<512x64xf32, #tpu.memory_space<vmem>>[vector<16xi32>, vector<16xi32>], vector<16xf32>,
      %add3A_1151 = arith.addi %mul3A_235, %and3A_1145 : vector<16xi32>
      %gather3A_1152 = tpu.vector_load_idx %arg26[%add3A_1151] : memref<6400xf32, #tpu.memory_space<vmem>>[vector<16xi32>], vector<16xf32>,
      %add3A_1153 = arith.addf %gather3A_1150, %gather3A_1152 : vector<16xf32>
      %mul3A_1154 = arith.mulf %add3A_1149, %add3A_1153 : vector<16xf32>
      %add3A_1155 = arith.addf %add3A_1091, %mul3A_1154 : vector<16xf32>
      %add3A_1156 = arith.constant 57 : i32
      %add3A_1157 = vector.broadcast %add3A_1156 : i32 to vector<16xi32>
      %add3A_1158 = arith.addi %iota3A, %add3A_1157 : vector<16xi32>
      %and3A_1159 = arith.constant 63 : i32
      %and3A_1160 = vector.broadcast %and3A_1159 : i32 to vector<16xi32>
      %and3A_1161 = arith.andi %add3A_1158, %and3A_1160 : vector<16xi32>
      %gather3A_1162 = tpu.vector_load_idx %arg23[%add3A_237, %and3A_1161] : memref<512x64xf32, #tpu.memory_space<vmem>>[vector<16xi32>, vector<16xi32>], vector<16xf32>,
      %add3A_1163 = arith.addi %mul3A_232, %and3A_1161 : vector<16xi32>
      %gather3A_1164 = tpu.vector_load_idx %arg25[%add3A_1163] : memref<14080xf32, #tpu.memory_space<vmem>>[vector<16xi32>], vector<16xf32>,
      %add3A_1165 = arith.addf %gather3A_1162, %gather3A_1164 : vector<16xf32>
      %gather3A_1166 = tpu.vector_load_idx %arg24[%add3A_237, %and3A_1161] : memref<512x64xf32, #tpu.memory_space<vmem>>[vector<16xi32>, vector<16xi32>], vector<16xf32>,
      %add3A_1167 = arith.addi %mul3A_235, %and3A_1161 : vector<16xi32>
      %gather3A_1168 = tpu.vector_load_idx %arg26[%add3A_1167] : memref<6400xf32, #tpu.memory_space<vmem>>[vector<16xi32>], vector<16xf32>,
      %add3A_1169 = arith.addf %gather3A_1166, %gather3A_1168 : vector<16xf32>
      %mul3A_1170 = arith.mulf %add3A_1165, %add3A_1169 : vector<16xf32>
      %add3A_1171 = arith.addf %add3A_1107, %mul3A_1170 : vector<16xf32>
      %add3A_1172 = arith.constant 58 : i32
      %add3A_1173 = vector.broadcast %add3A_1172 : i32 to vector<16xi32>
      %add3A_1174 = arith.addi %iota3A, %add3A_1173 : vector<16xi32>
      %and3A_1175 = arith.constant 63 : i32
      %and3A_1176 = vector.broadcast %and3A_1175 : i32 to vector<16xi32>
      %and3A_1177 = arith.andi %add3A_1174, %and3A_1176 : vector<16xi32>
      %gather3A_1178 = tpu.vector_load_idx %arg23[%add3A_237, %and3A_1177] : memref<512x64xf32, #tpu.memory_space<vmem>>[vector<16xi32>, vector<16xi32>], vector<16xf32>,
      %add3A_1179 = arith.addi %mul3A_232, %and3A_1177 : vector<16xi32>
      %gather3A_1180 = tpu.vector_load_idx %arg25[%add3A_1179] : memref<14080xf32, #tpu.memory_space<vmem>>[vector<16xi32>], vector<16xf32>,
      %add3A_1181 = arith.addf %gather3A_1178, %gather3A_1180 : vector<16xf32>
      %gather3A_1182 = tpu.vector_load_idx %arg24[%add3A_237, %and3A_1177] : memref<512x64xf32, #tpu.memory_space<vmem>>[vector<16xi32>, vector<16xi32>], vector<16xf32>,
      %add3A_1183 = arith.addi %mul3A_235, %and3A_1177 : vector<16xi32>
      %gather3A_1184 = tpu.vector_load_idx %arg26[%add3A_1183] : memref<6400xf32, #tpu.memory_space<vmem>>[vector<16xi32>], vector<16xf32>,
      %add3A_1185 = arith.addf %gather3A_1182, %gather3A_1184 : vector<16xf32>
      %mul3A_1186 = arith.mulf %add3A_1181, %add3A_1185 : vector<16xf32>
      %add3A_1187 = arith.addf %add3A_1123, %mul3A_1186 : vector<16xf32>
      %add3A_1188 = arith.constant 59 : i32
      %add3A_1189 = vector.broadcast %add3A_1188 : i32 to vector<16xi32>
      %add3A_1190 = arith.addi %iota3A, %add3A_1189 : vector<16xi32>
      %and3A_1191 = arith.constant 63 : i32
      %and3A_1192 = vector.broadcast %and3A_1191 : i32 to vector<16xi32>
      %and3A_1193 = arith.andi %add3A_1190, %and3A_1192 : vector<16xi32>
      %gather3A_1194 = tpu.vector_load_idx %arg23[%add3A_237, %and3A_1193] : memref<512x64xf32, #tpu.memory_space<vmem>>[vector<16xi32>, vector<16xi32>], vector<16xf32>,
      %add3A_1195 = arith.addi %mul3A_232, %and3A_1193 : vector<16xi32>
      %gather3A_1196 = tpu.vector_load_idx %arg25[%add3A_1195] : memref<14080xf32, #tpu.memory_space<vmem>>[vector<16xi32>], vector<16xf32>,
      %add3A_1197 = arith.addf %gather3A_1194, %gather3A_1196 : vector<16xf32>
      %gather3A_1198 = tpu.vector_load_idx %arg24[%add3A_237, %and3A_1193] : memref<512x64xf32, #tpu.memory_space<vmem>>[vector<16xi32>, vector<16xi32>], vector<16xf32>,
      %add3A_1199 = arith.addi %mul3A_235, %and3A_1193 : vector<16xi32>
      %gather3A_1200 = tpu.vector_load_idx %arg26[%add3A_1199] : memref<6400xf32, #tpu.memory_space<vmem>>[vector<16xi32>], vector<16xf32>,
      %add3A_1201 = arith.addf %gather3A_1198, %gather3A_1200 : vector<16xf32>
      %mul3A_1202 = arith.mulf %add3A_1197, %add3A_1201 : vector<16xf32>
      %add3A_1203 = arith.addf %add3A_1139, %mul3A_1202 : vector<16xf32>
      %add3A_1204 = arith.constant 60 : i32
      %add3A_1205 = vector.broadcast %add3A_1204 : i32 to vector<16xi32>
      %add3A_1206 = arith.addi %iota3A, %add3A_1205 : vector<16xi32>
      %and3A_1207 = arith.constant 63 : i32
      %and3A_1208 = vector.broadcast %and3A_1207 : i32 to vector<16xi32>
      %and3A_1209 = arith.andi %add3A_1206, %and3A_1208 : vector<16xi32>
      %gather3A_1210 = tpu.vector_load_idx %arg23[%add3A_237, %and3A_1209] : memref<512x64xf32, #tpu.memory_space<vmem>>[vector<16xi32>, vector<16xi32>], vector<16xf32>,
      %add3A_1211 = arith.addi %mul3A_232, %and3A_1209 : vector<16xi32>
      %gather3A_1212 = tpu.vector_load_idx %arg25[%add3A_1211] : memref<14080xf32, #tpu.memory_space<vmem>>[vector<16xi32>], vector<16xf32>,
      %add3A_1213 = arith.addf %gather3A_1210, %gather3A_1212 : vector<16xf32>
      %gather3A_1214 = tpu.vector_load_idx %arg24[%add3A_237, %and3A_1209] : memref<512x64xf32, #tpu.memory_space<vmem>>[vector<16xi32>, vector<16xi32>], vector<16xf32>,
      %add3A_1215 = arith.addi %mul3A_235, %and3A_1209 : vector<16xi32>
      %gather3A_1216 = tpu.vector_load_idx %arg26[%add3A_1215] : memref<6400xf32, #tpu.memory_space<vmem>>[vector<16xi32>], vector<16xf32>,
      %add3A_1217 = arith.addf %gather3A_1214, %gather3A_1216 : vector<16xf32>
      %mul3A_1218 = arith.mulf %add3A_1213, %add3A_1217 : vector<16xf32>
      %add3A_1219 = arith.addf %add3A_1155, %mul3A_1218 : vector<16xf32>
      %add3A_1220 = arith.constant 61 : i32
      %add3A_1221 = vector.broadcast %add3A_1220 : i32 to vector<16xi32>
      %add3A_1222 = arith.addi %iota3A, %add3A_1221 : vector<16xi32>
      %and3A_1223 = arith.constant 63 : i32
      %and3A_1224 = vector.broadcast %and3A_1223 : i32 to vector<16xi32>
      %and3A_1225 = arith.andi %add3A_1222, %and3A_1224 : vector<16xi32>
      %gather3A_1226 = tpu.vector_load_idx %arg23[%add3A_237, %and3A_1225] : memref<512x64xf32, #tpu.memory_space<vmem>>[vector<16xi32>, vector<16xi32>], vector<16xf32>,
      %add3A_1227 = arith.addi %mul3A_232, %and3A_1225 : vector<16xi32>
      %gather3A_1228 = tpu.vector_load_idx %arg25[%add3A_1227] : memref<14080xf32, #tpu.memory_space<vmem>>[vector<16xi32>], vector<16xf32>,
      %add3A_1229 = arith.addf %gather3A_1226, %gather3A_1228 : vector<16xf32>
      %gather3A_1230 = tpu.vector_load_idx %arg24[%add3A_237, %and3A_1225] : memref<512x64xf32, #tpu.memory_space<vmem>>[vector<16xi32>, vector<16xi32>], vector<16xf32>,
      %add3A_1231 = arith.addi %mul3A_235, %and3A_1225 : vector<16xi32>
      %gather3A_1232 = tpu.vector_load_idx %arg26[%add3A_1231] : memref<6400xf32, #tpu.memory_space<vmem>>[vector<16xi32>], vector<16xf32>,
      %add3A_1233 = arith.addf %gather3A_1230, %gather3A_1232 : vector<16xf32>
      %mul3A_1234 = arith.mulf %add3A_1229, %add3A_1233 : vector<16xf32>
      %add3A_1235 = arith.addf %add3A_1171, %mul3A_1234 : vector<16xf32>
      %add3A_1236 = arith.constant 62 : i32
      %add3A_1237 = vector.broadcast %add3A_1236 : i32 to vector<16xi32>
      %add3A_1238 = arith.addi %iota3A, %add3A_1237 : vector<16xi32>
      %and3A_1239 = arith.constant 63 : i32
      %and3A_1240 = vector.broadcast %and3A_1239 : i32 to vector<16xi32>
      %and3A_1241 = arith.andi %add3A_1238, %and3A_1240 : vector<16xi32>
      %gather3A_1242 = tpu.vector_load_idx %arg23[%add3A_237, %and3A_1241] : memref<512x64xf32, #tpu.memory_space<vmem>>[vector<16xi32>, vector<16xi32>], vector<16xf32>,
      %add3A_1243 = arith.addi %mul3A_232, %and3A_1241 : vector<16xi32>
      %gather3A_1244 = tpu.vector_load_idx %arg25[%add3A_1243] : memref<14080xf32, #tpu.memory_space<vmem>>[vector<16xi32>], vector<16xf32>,
      %add3A_1245 = arith.addf %gather3A_1242, %gather3A_1244 : vector<16xf32>
      %gather3A_1246 = tpu.vector_load_idx %arg24[%add3A_237, %and3A_1241] : memref<512x64xf32, #tpu.memory_space<vmem>>[vector<16xi32>, vector<16xi32>], vector<16xf32>,
      %add3A_1247 = arith.addi %mul3A_235, %and3A_1241 : vector<16xi32>
      %gather3A_1248 = tpu.vector_load_idx %arg26[%add3A_1247] : memref<6400xf32, #tpu.memory_space<vmem>>[vector<16xi32>], vector<16xf32>,
      %add3A_1249 = arith.addf %gather3A_1246, %gather3A_1248 : vector<16xf32>
      %mul3A_1250 = arith.mulf %add3A_1245, %add3A_1249 : vector<16xf32>
      %add3A_1251 = arith.addf %add3A_1187, %mul3A_1250 : vector<16xf32>
      %add3A_1252 = arith.constant 63 : i32
      %add3A_1253 = vector.broadcast %add3A_1252 : i32 to vector<16xi32>
      %add3A_1254 = arith.addi %iota3A, %add3A_1253 : vector<16xi32>
      %and3A_1255 = arith.constant 63 : i32
      %and3A_1256 = vector.broadcast %and3A_1255 : i32 to vector<16xi32>
      %and3A_1257 = arith.andi %add3A_1254, %and3A_1256 : vector<16xi32>
      %gather3A_1258 = tpu.vector_load_idx %arg23[%add3A_237, %and3A_1257] : memref<512x64xf32, #tpu.memory_space<vmem>>[vector<16xi32>, vector<16xi32>], vector<16xf32>,
      %add3A_1259 = arith.addi %mul3A_232, %and3A_1257 : vector<16xi32>
      %gather3A_1260 = tpu.vector_load_idx %arg25[%add3A_1259] : memref<14080xf32, #tpu.memory_space<vmem>>[vector<16xi32>], vector<16xf32>,
      %add3A_1261 = arith.addf %gather3A_1258, %gather3A_1260 : vector<16xf32>
      %gather3A_1262 = tpu.vector_load_idx %arg24[%add3A_237, %and3A_1257] : memref<512x64xf32, #tpu.memory_space<vmem>>[vector<16xi32>, vector<16xi32>], vector<16xf32>,
      %add3A_1263 = arith.addi %mul3A_235, %and3A_1257 : vector<16xi32>
      %gather3A_1264 = tpu.vector_load_idx %arg26[%add3A_1263] : memref<6400xf32, #tpu.memory_space<vmem>>[vector<16xi32>], vector<16xf32>,
      %add3A_1265 = arith.addf %gather3A_1262, %gather3A_1264 : vector<16xf32>
      %mul3A_1266 = arith.mulf %add3A_1261, %add3A_1265 : vector<16xf32>
      %add3A_1267 = arith.addf %add3A_1203, %mul3A_1266 : vector<16xf32>
      %add3A_1268 = arith.addf %add3A_1219, %add3A_1235 : vector<16xf32>
      %add3A_1269 = arith.addf %add3A_1251, %add3A_1267 : vector<16xf32>
      %add3A_1270 = arith.addf %add3A_1268, %add3A_1269 : vector<16xf32>
      %mul3A_1271 = arith.constant 0.0833333358 : f32
      %mul3A_1272 = vector.broadcast %mul3A_1271 : f32 to vector<16xf32>
      %mul3A_1273 = arith.mulf %add3A_1270, %mul3A_1272 : vector<16xf32>
      %add3A_1274 = arith.addf %add3A_229, %mul3A_1273 : vector<16xf32>
      %neg3A = arith.constant 0.000000e+00 : f32
      %neg3A_1275 = vector.broadcast %neg3A : f32 to vector<16xf32>
      %neg3A_1276 = arith.subf %neg3A_1275, %add3A_1274 : vector<16xf32>
      %exp3A = math.exp %neg3A_1276 : vector<16xf32>
      %add3A_1277 = arith.constant 1.000000e+00 : f32
      %add3A_1278 = vector.broadcast %add3A_1277 : f32 to vector<16xf32>
      %add3A_1279 = arith.addf %add3A_1278, %exp3A : vector<16xf32>
      %div3A = arith.constant 5.000000e+00 : f32
      %div3A_1280 = vector.broadcast %div3A : f32 to vector<16xf32>
      %div3A_1281 = arith.divf %div3A_1280, %add3A_1279 : vector<16xf32>
      %swap3A = arith.index_cast %mul3A_204 : i32 to index
      %swap3A_1282 = tpu.vector_load %arg29[%swap3A] {strides = array<i32>} : memref<512xf32, #tpu.memory_space<vmem>>, vector<16xf32>,
      tpu.vector_store %arg29[%swap3A], %div3A_1281 {strides = array<i32>} : memref<512xf32, #tpu.memory_space<vmem>>, vector<16xf32>,
    }
    %scan3A_201 = arith.constant 32 : i32
    "tpu.region"() ({
      %run_scoped3A = tpu.sem_alloc : memref<!tpu.dma_semaphore, #tpu.memory_space<semaphore_mem>>
      %dma_start3A_202 = tpu.memref_slice %arg15[%mul3A_2] : memref<16384xf32, #tpu.memory_space<hbm>> -> memref<512xf32, #tpu.memory_space<hbm>>
      %dma_start3A_203 = tpu.memref_slice %arg15[%mul3A_2] : memref<16384xf32, #tpu.memory_space<hbm>> -> memref<512xf32, #tpu.memory_space<hbm>>
      tpu.enqueue_dma source(%arg29 : memref<512xf32, #tpu.memory_space<vmem>>) target(%dma_start3A_203 : memref<512xf32, #tpu.memory_space<hbm>>) target_semaphore(%run_scoped3A : memref<!tpu.dma_semaphore, #tpu.memory_space<semaphore_mem>>)
      %dma_wait3A_204 = tpu.memref_slice %arg15[%mul3A_2] : memref<16384xf32, #tpu.memory_space<hbm>> -> memref<512xf32, #tpu.memory_space<hbm>>
      %dma_wait3A_205 = tpu.memref_slice %arg15[%mul3A_2] : memref<16384xf32, #tpu.memory_space<hbm>> -> memref<512xf32, #tpu.memory_space<hbm>>
      tpu.wait_dma2 semaphore(%run_scoped3A : memref<!tpu.dma_semaphore, #tpu.memory_space<semaphore_mem>>) src(%arg29 : memref<512xf32, #tpu.memory_space<vmem>>) dst(%dma_wait3A_205 : memref<512xf32, #tpu.memory_space<hbm>>)
      tpu.yield
    }) : () -> ()
    return
  }
}

</mosaic_0001>

<sc_bundles>
// kernel: kernel.3.cloned.1.call-start
scs
__scs_entry_jumppad:
0x0: {  	(pc) =	sbr.rel $0x88, $3  }
0x1: {  	(tag) =	ssettag $0x0;
	lr =	simm.s32 $0x1  }
0x2: {  	[smem:$0x3F90] =	sst lr;
	_ =	strace $0xD0000000  }
0x3: {  	_ = 	snop  }
0x4: {  	_ = 	snop  }
0x5: {  	_ = 	snop  }
0x6: {  	_ = 	snop  }
0x7: {  	_ = 	snop  }
__scs_overlays_trampoline_lowered:
0x8: {  	[smem:$0x3F9F] =	sst s0  }
0x9: {  	[smem:$0x3FA0] =	sst s1  }
0xa: {  	[smem:$0x3FA1] =	sst s2  }
0xb: {  	[smem:$0x3FA2] =	sst s3  }
0xc: {  	[smem:$0x3FA3] =	sst s4  }
0xd: {  	[smem:$0x3FA4] =	sst s5  }
0xe: {  	[smem:$0x3FA5] =	sst s6  }
0xf: {  	[smem:$0x3FA6] =	sst s7  }
0x10: {  	[smem:$0x3FA7] =	sst s8  }
0x11: {  	[smem:$0x3FA8] =	sst s9;
	s0 =	simm.s32 @!p0 $0x0  }
0x12: {  	s1 =	sld [smem:$0x3F8E];
	s0 =	simm.s32 @p0 $0x1  }
0x13: {  	[smem:$0x3FA9] =	sst s0;
	s0 =	simm.s32 @!p1 $0x0  }
0x14: {  	s2 =	sld [smem:$0x3F8D];
	s0 =	simm.s32 @p1 $0x1  }
0x15: {  	[smem:$0x3FAA] =	sst s0;
	s0 =	simm.s32 @!p2 $0x0  }
0x16: {  	s3 =	sld [smem:$0x3FDB];
	s0 =	simm.s32 @p2 $0x1  }
0x17: {  	s4 =	simm.s32 $0x1BF5;
	[smem:$0x3FAC] =	sst s0  }
0x18: {  	s0 =	sld [smem:$0x3F8F];
	_ =	swait.ge [sflag:s4], $0x0  }
0x19: {  	s7 =	sld [smem:$0x3F90]  }
0x1a: {  	s8 =	sadd.s32 $0xFFFFE003, lr  }
0x1b: {  	s9 =	sadd.s32 $0xFFFFFEF7, lr;
	s5 =	simm.s32 $0xFFFFFFFF;
	p2 =	slt.u32 s8, $0xFFFFF086  }
0x1c: {  	p1 =	slt.u32 s9, $0xF7A;
	s5 =	simm.s32 @!p2 $0x0  }
0x1d: {  	s5 =	simm.s32 @p1 $0x1;
	p0 =	seq.s32 s7, s2  }
0x1e: {  	s7 =	smul.u32 @!p0 $0xF7A, s2;
	p2 =	seq.s32 @!p0 s5, $0x0  }
0x1f: {  	s9 =	smul.u32 $0xF7A, s1;
	s8 =	simm.s32 @!p0 $0x1BF5;
	p2 =	por !p2, p0  }
0x20: {  	[sflag:s8] =	ssyncset.s32 @!p0 $0xFFFFF086;
	s6 =	sadd.s32 @!p0 s3, s7;
	s7 =	simm.s32 @!p0 $0x108  }
0x21: {  	s3 =	sadd.s32 s3, s9;
	s6 =	sadd.s32 @!p0 $0x88, s6;
	s7 =	simm.s32 @p2 $0x1082  }
0x22: {  	[simem:s7], [sflag:s8] =	dma.local @!p0 [hbm:s6], $0xF7A  }
0x23: {  	s9 =	sor.u32 $0xD0000000, s2;
	s6 =	simm.s32 $0x108;
	_ =	swait.ge @!p0 [sflag:s8], $0x0  }
0x24: {  	s3 =	sadd.s32 $0x88, s3;
	s6 =	simm.s32 @!p1 $0x1082;
	[sflag:s4] =	ssyncset.s32 $0xFFFFF086  }
0x25: {  	[simem:s6], [sflag:s4] =	dma.local [hbm:s3], $0xF7A  }
0x26: {  	[smem:$0x3F90] =	sst s1;
	(tag) =	ssettag s2;
	_ =	strace s9  }
0x27: {  	s1 =	sld [smem:$0x3FA0]  }
0x28: {  	s2 =	sld [smem:$0x3FA1]  }
0x29: {  	s4 =	sld [smem:$0x3FA3]  }
0x2a: {  	p0 =	seq.s32 s5, $0x0;
	s5 =	sld [smem:$0x3FA4]  }
0x2b: {  	s6 =	sld [smem:$0x3FA5]  }
0x2c: {  	s7 =	sld [smem:$0x3FA6]  }
0x2d: {  	s3 =	simm.s32 $0x108;
	s8 =	sld [smem:$0x3FA7]  }
0x2e: {  	s3 =	simm.s32 @!p0 $0x1082;
	s9 =	sld [smem:$0x3FA8]  }
0x2f: {  	lr =	sadd.s32 s0, s3;
	s0 =	sld [smem:$0x3F9F]  }
0x30: {  	s3 =	sld [smem:$0x3FA2]  }
0x31: {  	[smem:$0x3FAB] =	sst s10  }
0x32: {  	s10 =	sld [smem:$0x3FA9];
	_ =	sdelay $0x3  }
0x33: {  	p0 =	seq.s32 s10, $0x1;
	s10 =	sld [smem:$0x3FAB];
	_ =	sdelay $0x3  }
0x34: {  	[smem:$0x3FAB] =	sst s10  }
0x35: {  	s10 =	sld [smem:$0x3FAA];
	_ =	sdelay $0x3  }
0x36: {  	p1 =	seq.s32 s10, $0x1;
	s10 =	sld [smem:$0x3FAB];
	_ =	sdelay $0x3  }
0x37: {  	[smem:$0x3FAB] =	sst s10  }
0x38: {  	s10 =	sld [smem:$0x3FAC]  }
0x39: {  	_ = 	snop;
	(pc) =	sbr.ind lr, $3  }
0x3a: {  	_ = 	snop  }
0x3b: {  	_ = 	snop  }
0x3c: {  	p2 =	seq.s32 s10, $0x1;
	s10 =	sld [smem:$0x3FAB]  }
0x3d: {  	_ =	shalt  }
0x3e: {  	_ =	shalt  }
0x3f: {  	_ =	shalt  }
0x40: {  	_ =	shalt  }
0x41: {  	_ =	shalt  }
0x42: {  	_ =	shalt  }
0x43: {  	_ =	shalt  }
0x44: {  	_ =	shalt  }
0x45: {  	_ =	shalt  }
0x46: {  	_ =	shalt  }
0x47: {  	_ =	shalt  }
0x48: {  	_ =	shalt  }
0x49: {  	_ =	shalt  }
0x4a: {  	_ =	shalt  }
0x4b: {  	_ =	shalt  }
0x4c: {  	_ =	shalt  }
0x4d: {  	_ =	shalt  }
0x4e: {  	_ =	shalt  }
0x4f: {  	_ =	shalt  }
0x50: {  	_ =	shalt  }
0x51: {  	_ =	shalt  }
0x52: {  	_ =	shalt  }
0x53: {  	_ =	shalt  }
0x54: {  	_ =	shalt  }
0x55: {  	_ =	shalt  }
0x56: {  	_ =	shalt  }
0x57: {  	_ =	shalt  }
0x58: {  	_ =	shalt  }
0x59: {  	_ =	shalt  }
0x5a: {  	_ =	shalt  }
0x5b: {  	_ =	shalt  }
0x5c: {  	_ =	shalt  }
0x5d: {  	_ =	shalt  }
0x5e: {  	_ =	shalt  }
0x5f: {  	_ =	shalt  }
0x60: {  	_ =	shalt  }
0x61: {  	_ =	shalt  }
0x62: {  	_ =	shalt  }
0x63: {  	_ =	shalt  }
0x64: {  	_ =	shalt  }
0x65: {  	_ =	shalt  }
0x66: {  	_ =	shalt  }
0x67: {  	_ =	shalt  }
0x68: {  	_ =	shalt  }
0x69: {  	_ =	shalt  }
0x6a: {  	_ =	shalt  }
0x6b: {  	_ =	shalt  }
0x6c: {  	_ =	shalt  }
0x6d: {  	_ =	shalt  }
0x6e: {  	_ =	shalt  }
0x6f: {  	_ =	shalt  }
0x70: {  	_ =	shalt  }
0x71: {  	_ =	shalt  }
0x72: {  	_ =	shalt  }
0x73: {  	_ =	shalt  }
0x74: {  	_ =	shalt  }
0x75: {  	_ =	shalt  }
0x76: {  	_ =	shalt  }
0x77: {  	_ =	shalt  }
0x78: {  	_ =	shalt  }
0x79: {  	_ =	shalt  }
0x7a: {  	_ =	shalt  }
0x7b: {  	_ =	shalt  }
0x7c: {  	_ =	shalt  }
0x7d: {  	_ =	shalt  }
0x7e: {  	_ =	shalt  }
0x7f: {  	_ =	shalt  }
0x80: {  	_ =	shalt  }
0x81: {  	_ =	shalt  }
0x82: {  	_ =	shalt  }
0x83: {  	_ =	shalt  }
0x84: {  	_ =	shalt  }
0x85: {  	_ =	shalt  }
0x86: {  	_ =	shalt  }
0x87: {  	_ =	shalt  }
.Lfunc_end0:
.L_simem_size_0:
called_computation_lowered:
.L_overlay_start_0:
0x88: {  	s2 =	sld [smem:$0x3FD9]  }
0x89: {  	s3 =	sld [smem:$0x3FFE];
	_ =	sdelay $0x1  }
0x8a: {  	s1 =	srdreg.scid  }
0x8b: {  	s0 =	sand.u32 $0x1, s1  }
0x8c: {  	s17 =	sshll.u32 s0, $0xA;
	s2 =	sadd.s32 s3, s2  }
0x8d: {  	s2 =	sadd.s32 s2, s17  }
0x8e: {  	[smem:$0x3FB7] =	sst s2  }
0x8f: {  	_ = 	snop  }
0x90: {  	s2 =	sld [smem:$0x3FC9]  }
0x91: {  	s18 =	sld [smem:$0x3FC8]  }
0x92: {  	s4 =	sld [smem:$0x3FC7]  }
0x93: {  	s5 =	sld [smem:$0x3FC6]  }
0x94: {  	s6 =	sld [smem:$0x3FC5]  }
0x95: {  	s7 =	sld [smem:$0x3FC4]  }
0x96: {  	s8 =	sld [smem:$0x3FC3]  }
0x97: {  	s9 =	sld [smem:$0x3FD0];
	(tm) =	ssettm $0x1  }
0x98: {  	s10 =	sld [smem:$0x3FFB];
	_ =	sdelay $0x3  }
0x99: {  	_ =	strace s10  }
0x9a: {  	s10 =	sld [smem:$0x3FFC];
	_ =	sdelay $0x3  }
0x9b: {  	_ =	strace s10  }
0x9c: {  	s10 =	sld [smem:$0x3FFD];
	_ =	sdelay $0x3  }
0x9d: {  	_ =	strace s10  }
0x9e: {  	_ =	strace $0x8FFFFFFF  }
0x9f: {  	s19 =	sld [smem:$0x3FDB];
	_ =	sdelay $0x1  }
0xa0: {  	s11 =	simm.s32 $_scs_section_size  }
0xa1: {  	s12 =	simm.s32 $_size__tile_overlayer_lowered;
	s13 =	simm.s32 $_tile_overlayer_lowered  }
0xa2: {  	s22 =	simm.s32 $0x1BFF;
	s21 =	sshll.u32 s13, $0x1;
	s10 =	sadd.s32 s11, s19  }
0xa3: {  	s14 =	simm.s32 $0x0;
	s20 =	sshll.u32 s12, $0x1;
	s12 =	sadd.s32 s21, s10  }
0xa4: {  	[timem:s14], [sflag:s22] =	dma.local [hbm:s12], s20  }
0xa5: {  	_ =	swait.ge [sflag:s22], s20  }
0xa6: {  	s11 =	ssub.s32 $0x0, s20;
	[sflag:s22] =	ssyncset.done $0x0  }
0xa7: {  	[sflag:s22] =	ssyncadd.s32 s11;
	_ =	sdelay $0x1  }
0xa8: {  	s23 =	simm.s32 $0x1B8B  }
0xa9: {  	_ =	swait.ge [sflag:s23], $0x1  }
0xaa: {  	[sflag:s23] =	ssyncset.done $0x0  }
0xab: {  	s25 =	simm.s32 $0x1B8E;
	s24 =	sld [smem:$0x3FFE];
	[sflag:s23] =	ssyncadd.s32 $0xFFFFFFFF  }
0xac: {  	s26 =	simm.s32 $execute0_lowered;
	[smem:$0x3FD2] =	sst s25  }
0xad: {  	s12 =	sshll.u32 s26, $0x1;
	_ =	strace $0x80000046;
	[dreg:$0x1] =	wrdreg $0xFFFFFFFF  }
0xae: {  	s28 =	simm.s32 $_size_execute0_lowered;
	s10 =	sadd.s32 s10, s12;
	[dreg:$0x0] =	wrdreg $0x0  }
0xaf: {  	s12 =	sshll.u32 s28, $0x1;
	[dreg:$0x2] =	wrdreg s10  }
0xb0: {  	[dreg:$0x3] =	wrdreg s12  }
0xb1: {  	[dreg:$0x4] =	wrdreg $0xC0  }
0xb2: {  	_ =	task [dreg:s14], $0x5FFFF  }
0xb3: {  	[dreg:$0x1] =	wrdreg $0xFFFFFFFF  }
0xb4: {  	[dreg:$0x0] =	wrdreg $0x60  }
0xb5: {  	[dreg:$0x2] =	wrdreg s2  }
0xb6: {  	[dreg:$0x3] =	wrdreg s18  }
0xb7: {  	[dreg:$0x4] =	wrdreg s4  }
0xb8: {  	[dreg:$0x5] =	wrdreg s5  }
0xb9: {  	[dreg:$0x6] =	wrdreg s6  }
0xba: {  	[dreg:$0x7] =	wrdreg s7  }
0xbb: {  	[dreg:$0x8] =	wrdreg s8  }
0xbc: {  	[dreg:$0x9] =	wrdreg s24  }
0xbd: {  	[dreg:$0xa] =	wrdreg s9  }
0xbe: {  	[dreg:$0xb] =	wrdreg $0x9  }
0xbf: {  	_ =	task.clear_ibuf [dreg:s14], $0xCFFFF;
	_ =	strace $0x90000046  }
0xc0: {  	s29 =	simm.s32 $0x9;
	_ =	strace $0x80000048  }
0xc1: {  	_ =	swait.ge [sflag:s29], $0x1  }
0xc2: {  	[sflag:s29] =	ssyncadd.s32 $0xFFFFFFFF  }
0xc3: {  	_ =	strace $0x90000048  }
0xc4: {  	_ =	sfence  }
0xc5: {  	s30 =	sld [smem:$0x0];
	_ =	sdelay $0x2  }
0xc6: {  	s31 =	sshll.u32 s1, $0xD;
	s1 =	sshrl.u32 s1, $0x2  }
0xc7: {  	s3 =	sand.u32 $0x4000, s31;
	s1 =	sadd.s32 s1, s30  }
0xc8: {  	s0 =	sor.u32 s3, s0;
	s1 =	sshll.u32 s1, $0x11  }
0xc9: {  	s0 =	sor.u32 s1, s0  }
0xca: {  	s0 =	sadd.s32 $0x8F2B, s0  }
0xcb: {  	[sflag:s0] =	ssyncadd.remote.s32 $0x1  }
0xcc: {  	_ =	sfence.sel $0xFFFF  }
0xcd: {  	[dreg:$0x0] =	wrdreg $0xFFFFFFFF;
	(pc) =	sbr.abs _section_cstart, $3  }
0xce: {  	[dreg:$0x1] =	wrdreg $0xFFFFFFFF  }
0xcf: {  	_ =	task.clear_ibuf [dreg:s14], $0x2FFFF;
	_ =	strace $0x9FFFFFFF  }
0xd0: {  	(tm) =	ssettm $0x7FFFFFFF  }
0xd1: {  	_ =	shalt  }
tec
execute0_lowered:
.L_overlay_start_1:
0x0: {  	(tag) =	ssettag $0x1  }
0x1: {  	v11 =	vlaneseq.u32  }
0x2: {  	v0 =	vadd.s32 $0x13, v11  }
0x3: {  	v50 =	vadd.s32 $0x14, v11;
	[tilespmem:$0x1FB70] =	vst v0  }
0x4: {  	v51 =	vadd.s32 $0x15, v11;
	[tilespmem:$0x1FB80] =	vst v50  }
0x5: {  	v55 =	vadd.s32 $0x16, v11;
	[tilespmem:$0x1FB90] =	vst v51  }
0x6: {  	v56 =	vadd.s32 $0x17, v11;
	[tilespmem:$0x1FBA0] =	vst v55  }
0x7: {  	v57 =	vadd.s32 $0x18, v11;
	[tilespmem:$0x1FBB0] =	vst v56  }
0x8: {  	v58 =	vadd.s32 $0x19, v11;
	[tilespmem:$0x1FBC0] =	vst v57  }
0x9: {  	v59 =	vadd.s32 $0x1A, v11;
	[tilespmem:$0x1FBD0] =	vst v58  }
0xa: {  	v60 =	vadd.s32 $0x1B, v11;
	[tilespmem:$0x1FBE0] =	vst v59  }
0xb: {  	v61 =	vadd.s32 $0x1C, v11;
	[tilespmem:$0x1FBF0] =	vst v60  }
0xc: {  	v7 =	vimm.s32 $0x34333231;
	v25 =	vimm.s32 $0x38373635;
	v62 =	vadd.s32 $0x1D, v11;
	[tilespmem:$0x1FC00] =	vst v61  }
0xd: {  	v2 =	vimm.s32 $0x3C3B3A39;
	v3 =	vimm.s32 $0x3F3E3D;
	v63 =	vadd.s32 $0x1E, v11;
	[tilespmem:$0x1FC10] =	vst v62  }
0xe: {  	vm0 =	vcmask $0x1F10;
	v32 =	vimm.s32 $0x35343332;
	v4 =	vadd.s32 $0x1F, v11;
	[tilespmem:$0x1FC20] =	vst v63  }
0xf: {  	v33 =	vimm.s32 $0x39383736;
	v34 =	vimm.s32 $0x3D3C3B3A;
	v5 =	vor.u32 $0x20, v11;
	[tilespmem:$0x1FC30] =	vst v4  }
0x10: {  	v43 =	vimm.s32 $0x3020100;
	v8 =	vimm.s32 $0x3F3E3D3C;
	v6 =	vadd.s32 $0x21, v11;
	[tilespmem:$0x1FC40] =	vst v5  }
0x11: {  	v9 =	vimm.s32 $0x37363534;
	v10 =	vimm.s32 $0x3B3A3938;
	v1 =	vadd.s32 $0x22, v11;
	[tilespmem:$0x1FC50] =	vst v6  }
0x12: {  	v49 =	vimm.s32 $0x87654321;
	v24 =	vadd.s32 $0x23, v11;
	v26 =	vadd.s32 $0x24, v11;
	[tilespmem:$0x1FC60] =	vst v1  }
0x13: {  	v36 =	vadd.s32 $0x25, v11;
	v37 =	vadd.s32 $0x26, v11;
	v18 =	vunpack.c.0.s8.s32 v8;
	[tilespmem:$0x1FC70] =	vst v24  }
0x14: {  	v8 =	vunpack.c.0.s8.s32 v9;
	v9 =	vunpack.c.0.s8.s32 v10;
	v0 =	vunpack.c.0.s8.s32 v7;
	[tilespmem:$0x1FC80] =	vst v26  }
0x15: {  	v4 =	vunpack.c.0.s8.s32 v25;
	v5 =	vunpack.c.0.s8.s32 v2;
	v1 =	vunpack.c.0.s8.s32 v3;
	[tilespmem:$0x1FCB0] =	vst v36  }
0x16: {  	v2 =	vunpack.c.0.s8.s32 v32;
	v6 =	vimm.s32 $0x1003F3E;
	v7 =	vunpack.c.0.s8.s32 v33;
	[tilespmem:$0x1FCC0] =	vst v37  }
0x17: {  	v35 =	vunpack.c.0.s8.s32 v6;
	[tilespmem:$0x1FCA0] =	vst v5;
	v3 =	vsel vm0, v1, v5;
	v5 =	vunpack.c.0.s8.s32 v34  }
0x18: {  	[tilespmem:$0x1FD10] =	vst v9;
	v50 =	vsel vm0, v9, v8;
	v6 =	vunpack.c.l.s4.s8 v49;
	v8 =	vimm.s32 $0x5040302  }
0x19: {  	s0 =	rddreg [dreg:$0x0];
	v0 =	vsel vm0, v4, v0;
	[tilespmem:$0x1FCF0] =	vst v5;
	v41 =	vsel vm0, v35, v5;
	v5 =	vunpack.c.0.s8.s32 v43  }
0x1a: {  	s4 =	rddreg [dreg:$0x1];
	v9 =	vimm.s32 $0x98765432;
	[tilespmem:$0x1FC90] =	vst v4;
	v8 =	vunpack.c.0.s8.s32 v8;
	v0 =	vcombine.low v0, v3  }
0x1b: {  	s5 =	rddreg [dreg:$0x2];
	[tilespmem:$0x1FCE0] =	vst v7;
	v38 =	vsel vm0, v7, v2;
	v6 =	vunpack.c.0.s8.s32 v6;
	v5 =	vsel vm0, v5, v18  }
0x1c: {  	s7 =	rddreg [dreg:$0x3];
	v9 =	vunpack.c.l.s4.s8 v9;
	v56 =	vsel vm0, v8, v35;
	[tilespmem:$0x1FCD0] =	vst v0;
	v5 =	vcombine.low v50, v5  }
0x1d: {  	s6 =	rddreg [dreg:$0x4];
	v51 =	vimm.s32 $0x4030201;
	v0 =	vcombine.low v38, v41;
	v6 =	vand.u32 $0xF, v6;
	[tilespmem:$0x1FD40] =	vst v56  }
0x1e: {  	s8 =	rddreg [dreg:$0x5];
	v57 =	vunpack.c.0.s8.s32 v9;
	v3 =	vcombine.low v3, v6;
	[tilespmem:$0x1FD20] =	vst v5;
	v5 =	vunpack.c.0.s8.s32 v51  }
0x1f: {  	s9 =	rddreg [dreg:$0x6];
	[tilespmem:$0x1FD00] =	vst v0  }
0x20: {  	v42 =	vimm.s32 $0x36353433;
	s10 =	rddreg [dreg:$0x7];
	s1 =	simm.s32 $0x0;
	[tilespmem:$0x1FD50] =	vst v3;
	v3 =	vand.u32 $0xF, v57;
	v5 =	vsel vm0, v5, v1  }
0x21: {  	v46 =	vimm.s32 $0x3A393837;
	[smem:$0x7FF] =	sst s1;
	v2 =	vcombine.low v41, v3;
	[tilespmem:$0x1FD30] =	vst v5  }
0x22: {  	s11 =	rddreg [dreg:$0x8];
	v10 =	vunpack.c.0.s8.s32 v46;
	v0 =	vunpack.c.0.s8.s32 v42;
	_ =	strace $0x80000047;
	[tilespmem:$0x1FD60] =	vst v18  }
0x23: {  	v48 =	vimm.s32 $0x201003F;
	v38 =	vimm.s32 $0x3E3D3C3B;
	[tilespmem:$0x1FD70] =	vst v2  }
0x24: {  	v25 =	vimm.s32 $0x6050403;
	v0 =	vsel vm0, v10, v0;
	v41 =	vunpack.c.0.s8.s32 v38;
	[tilespmem:$0x1FD80] =	vst v10  }
0x25: {  	v19 =	vunpack.c.0.s8.s32 v48;
	v36 =	vunpack.c.0.s8.s32 v25;
	[tilespmem:$0x1FD90] =	vst v0  }
0x26: {  	v55 =	vimm.s32 $0x32107654;
	[tilespmem:$0x1FDA0] =	vst v41  }
0x27: {  	v7 =	vunpack.c.l.s4.s8 v55;
	v43 =	vsel vm0, v36, v19;
	[tilespmem:$0x1FDB0] =	vst v19  }
0x28: {  	v49 =	vadd.s32 $0x27, v11;
	[tilespmem:$0x1FDC0] =	vst v43  }
0x29: {  	v59 =	vimm.s32 $0x43218765;
	v55 =	vadd.s32 $0x28, v11;
	v7 =	vunpack.c.0.s8.s32 v7;
	[tilespmem:$0x1FDF0] =	vst v49  }
0x2a: {  	v56 =	vadd.s32 $0x29, v11;
	v6 =	vunpack.c.l.s4.s8 v59;
	[tilespmem:$0x1FE00] =	vst v55  }
0x2b: {  	vm1 =	vcmask $0x2F10;
	v58 =	vand.u32 $0xF, v7;
	v57 =	vadd.s32 $0x2A, v11;
	[tilespmem:$0x1FE10] =	vst v56  }
0x2c: {  	v6 =	vunpack.c.0.s8.s32 v6;
	v5 =	vsel vm1, v58, v18;
	v58 =	vadd.s32 $0x2B, v11;
	[tilespmem:$0x1FE20] =	vst v57  }
0x2d: {  	v60 =	vimm.s32 $0xB0A0908;
	v59 =	vadd.s32 $0x2C, v11;
	[tilespmem:$0x1FE30] =	vst v58  }
0x2e: {  	v7 =	vunpack.c.0.s8.s32 v60;
	v60 =	vadd.s32 $0x2D, v11;
	v62 =	vand.u32 $0xF, v6;
	[tilespmem:$0x1FE40] =	vst v59  }
0x2f: {  	v12 =	vmul.u32 $0x40, v11;
	v1 =	vsel vm1, v62, v1;
	v62 =	vadd.s32 $0x2F, v11;
	[tilespmem:$0x1FE50] =	vst v60  }
0x30: {  	[tilespmem:$0x1FE70] =	vst v62  }
0x31: {  	v13 =	vadd.s32 $0x1, v11;
	[tilespmem:$0x1FE90] =	vst v12  }
0x32: {  	v14 =	vadd.s32 $0x2, v11;
	[tilespmem:$0x1FEA0] =	vst v13  }
0x33: {  	v15 =	vadd.s32 $0x3, v11;
	[tilespmem:$0x1FEB0] =	vst v14  }
0x34: {  	v16 =	vadd.s32 $0x4, v11;
	[tilespmem:$0x1FEC0] =	vst v15  }
0x35: {  	v17 =	vadd.s32 $0x5, v11;
	[tilespmem:$0x1FED0] =	vst v16  }
0x36: {  	v20 =	vadd.s32 $0x6, v11;
	[tilespmem:$0x1FEE0] =	vst v17  }
0x37: {  	v21 =	vadd.s32 $0x7, v11;
	[tilespmem:$0x1FEF0] =	vst v20  }
0x38: {  	v23 =	vadd.s32 $0x8, v11;
	[tilespmem:$0x1FF00] =	vst v21  }
0x39: {  	v29 =	vadd.s32 $0x9, v11;
	[tilespmem:$0x1FF10] =	vst v23  }
0x3a: {  	v30 =	vadd.s32 $0xA, v11;
	[tilespmem:$0x1FF20] =	vst v29  }
0x3b: {  	v39 =	vadd.s32 $0xB, v11;
	[tilespmem:$0x1FF30] =	vst v30  }
0x3c: {  	vm2 =	vcmask $0x3F30;
	v40 =	vadd.s32 $0xC, v11;
	[tilespmem:$0x1FF40] =	vst v39  }
0x3d: {  	s12 =	srdreg.scid;
	s15 =	stileid.u32;
	s28 =	simm.s32 $0x16498;
	v44 =	vadd.s32 $0xD, v11;
	v45 =	vadd.s32 $0xE, v11;
	v47 =	vadd.s32 $0xF, v11;
	[tilespmem:$0x1FF50] =	vst v40  }
0x3e: {  	s18 =	simm.s32 $0x6;
	v52 =	vor.u32 $0x10, v11;
	s2 =	sadd.s32 $0x4800, s10;
	s3 =	sadd.s32 $0x1200, s10;
	v26 =	vimm.s32 $0xA9876543;
	[tilespmem:$0x1FF60] =	vst v44  }
0x3f: {  	s20 =	simm.s32 $0x80;
	v53 =	vadd.s32 $0x11, v11;
	s13 =	sadd.s32 $0x6600, s10;
	s21 =	sadd.s32 $0x6E00, s10;
	v63 =	vimm.s32 $0xC0B0A09;
	v3 =	vunpack.c.l.s4.s8 v26;
	[tilespmem:$0x1FF70] =	vst v45  }
0x40: {  	s29 =	simm.s32 $0x5;
	s30 =	simm.s32 $0x1;
	s31 =	simm.s32 $0x2;
	v54 =	vadd.s32 $0x12, v11;
	v24 =	vimm.s32 $0x6543A987;
	v8 =	vimm.s32 $0x54329876;
	[tilespmem:$0x1FF80] =	vst v47  }
0x41: {  	s12 =	sand.u32 $0x1, s12;
	s22 =	sadd.s32 $0x7400, s10;
	s15 =	sshll.u32 s15, $0x7;
	v37 =	vimm.s32 $0x76543210;
	v61 =	vunpack.c.l.s4.s8 v8;
	v3 =	vunpack.c.0.s8.s32 v3;
	[tilespmem:$0x1FF90] =	vst v52  }
0x42: {  	s10 =	sadd.s32 $0x7200, s10;
	s23 =	ssub.s32 $0x2, s12;
	s12 =	sshll.u32 s12, $0x6;
	v34 =	vimm.s32 $0xD0C0B0A;
	v6 =	vunpack.c.l.s4.s8 v24;
	v51 =	vsel vm2, v7, v5;
	[tilespmem:$0x1FFA0] =	vst v53  }
0x43: {  	s14 =	sshrl.u32 s23, $0x1;
	s16 =	sor.u32 s12, s15;
	[dreg:$0xa] =	wrdreg s13;
	v5 =	vunpack.c.0.s8.s32 v63;
	v2 =	vunpack.c.0.s8.s32 v61;
	v48 =	vand.u32 $0xF, v3;
	[tilespmem:$0x1FFB0] =	vst v54  }
0x44: {  	s24 =	ssub.s32 s23, s14;
	s0 =	sadd.s32 s0, s16;
	v4 =	vunpack.c.0.s8.s32 v34;
	v33 =	vunpack.c.0.s8.s32 v6;
	[dreg:$0xb] =	wrdreg s21;
	v61 =	vadd.s32 $0x2E, v11;
	[tilespmem:$0x1FDE0] =	vst v48  }
0x45: {  	s25 =	sadd.s32 s7, s16;
	s26 =	sadd.s32 s4, s16;
	[dreg:$0xc] =	wrdreg s22;
	v63 =	vor.u32 $0x30, v11;
	[tilespmem:$0x1FE60] =	vst v61;
	v50 =	vsel vm2, v5, v1;
	v32 =	vand.u32 $0xF, v2  }
0x46: {  	s12 =	sadd.s32 s5, s16;
	s14 =	sadd.s32 s8, s16;
	[dreg:$0xd] =	wrdreg s10;
	[tilespmem:$0x1FE80] =	vst v63;
	v2 =	vand.u32 $0xF, v33;
	v1 =	vsel vm1, v32, v35;
	v35 =	vimm.s32 $0xE0D0C0B  }
0x47: {  	s15 =	sadd.s32 s9, s16;
	s23 =	simm.s32 $0x0;
	[dreg:$0xe] =	wrdreg s0;
	[tilespmem:$0x1FFC0] =	vst v51;
	v5 =	vunpack.c.0.s8.s32 v35;
	v42 =	vsel vm2, v4, v1;
	v1 =	vunpack.c.l.s4.s8 v37  }
0x48: {  	s17 =	smax.u32 s24, $0x1;
	s24 =	simm.s32 $0x10E00;
	[dreg:$0xf] =	wrdreg s25;
	v2 =	vsel vm1, v2, v19;
	[tilespmem:$0x1FFD0] =	vst v50  }
0x49: {  	[dreg:$0x10] =	wrdreg s26;
	s13 =	sadd.s32 s6, s16;
	s16 =	sadd.s32 s11, s16;
	[tilespmem:$0x1FFE0] =	vst v42;
	v32 =	vsel vm2, v5, v2;
	v46 =	vunpack.c.0.s8.s32 v1  }
0x4a: {  	s21 =	simm.s32 $0x8E00;
	s22 =	simm.s32 $0xE00;
	s25 =	simm.s32 $0x14500;
	[tilespmem:$0x1FFF0] =	vst v32  }
0x4b: {  	s26 =	simm.s32 $0x15E00;
	s0 =	simm.s32 $0x3;
	s6 =	simm.s32 $0x4;
	[tilespmem:$0x1FDD0] =	vst v46  }
.LBB2_1:
0x4c: {  	s4 =	rddreg [dreg:$0xe]  }
0x4d: {  	[tilespmem:s1], [sflag:$0x6] =	stream.linear.gather [hbm4b:s4+s1], $0x200, $0x38;
	[tilespmem:$0x16700] =	vst v63  }
0x4e: {  	_ =	swait.ge [sflag:s18], $0x200  }
0x4f: {  	[sflag:s18] =	ssyncset.done $0x0  }
0x50: {  	s5 =	simm.s32 $0x200;
	s19 =	rddreg [dreg:$0xf];
	[sflag:s18] =	ssyncadd.s32 $0xFFFFFE00  }
0x51: {  	[tilespmem:s5], [sflag:$0x6] =	stream.linear.gather [hbm4b:s19+s1], $0x200, $0x38;
	[tilespmem:$0x16700] =	vst v63  }
0x52: {  	_ =	swait.ge [sflag:s18], $0x200  }
0x53: {  	[sflag:s18] =	ssyncset.done $0x0  }
0x54: {  	[sflag:s18] =	ssyncadd.s32 $0xFFFFFE00  }
0x55: {  	[tilespmem:s21], [sflag:$0x1] =	stream.indirect.gather [hbm4b:s3+s20], $0x40, s1, s20, $0xb8;
	[tilespmem:$0x16700] =	vst v63  }
0x56: {  	_ = 	snop  }
0x57: {  	[tilespmem:s22], [sflag:$0x1] =	stream.indirect.gather [hbm4b:s2+s20], $0x40, s5, s20, $0xb8;
	[tilespmem:$0x16700] =	vst v63  }
0x58: {  	s5 =	simm.s32 $0xAE00  }
0x59: {  	[tilespmem:s5], [sflag:$0x2] =	stream.indirect.gather [hbm4b:s3+s20], $0x40, s20, s20, $0xb8;
	[tilespmem:$0x16700] =	vst v63  }
0x5a: {  	s7 =	simm.s32 $0x280;
	s8 =	simm.s32 $0x2E00  }
0x5b: {  	[tilespmem:s8], [sflag:$0x2] =	stream.indirect.gather [hbm4b:s2+s20], $0x40, s7, s20, $0xb8;
	[tilespmem:$0x16700] =	vst v63  }
0x5c: {  	s9 =	simm.s32 $0x100;
	s10 =	simm.s32 $0xCE00  }
0x5d: {  	[tilespmem:s10], [sflag:$0x3] =	stream.indirect.gather [hbm4b:s3+s20], $0x40, s9, s20, $0xb8;
	[tilespmem:$0x16700] =	vst v63  }
0x5e: {  	s11 =	simm.s32 $0x300;
	s19 =	simm.s32 $0x4E00  }
0x5f: {  	[tilespmem:s19], [sflag:$0x3] =	stream.indirect.gather [hbm4b:s2+s20], $0x40, s11, s20, $0xb8;
	[tilespmem:$0x16700] =	vst v63  }
0x60: {  	s7 =	simm.s32 $0x180;
	s8 =	simm.s32 $0xEE00  }
0x61: {  	[tilespmem:s8], [sflag:$0x4] =	stream.indirect.gather [hbm4b:s3+s20], $0x40, s7, s20, $0xb8;
	[tilespmem:$0x16700] =	vst v63  }
0x62: {  	s9 =	simm.s32 $0x380;
	s10 =	simm.s32 $0x6E00  }
0x63: {  	[tilespmem:s10], [sflag:$0x4] =	stream.indirect.gather [hbm4b:s2+s20], $0x40, s9, s20, $0xb8;
	[tilespmem:$0x16700] =	vst v63  }
0x64: {  	s4 =	simm.s32 $0x400;
	s11 =	rddreg [dreg:$0x10]  }
0x65: {  	[tilespmem:s4], [sflag:$0x5] =	stream.linear.gather [hbm4b:s11+s1], $0x200, $0x38;
	[tilespmem:$0x16700] =	vst v63  }
0x66: {  	s5 =	simm.s32 $0x600  }
0x67: {  	[tilespmem:s5], [sflag:$0x5] =	stream.linear.gather [hbm4b:s12+s1], $0x200, $0x38;
	[tilespmem:$0x16700] =	vst v63  }
0x68: {  	s7 =	simm.s32 $0x800  }
0x69: {  	[tilespmem:s7], [sflag:$0x5] =	stream.linear.gather [hbm4b:s13+s1], $0x200, $0x38;
	[tilespmem:$0x16700] =	vst v63  }
0x6a: {  	s8 =	simm.s32 $0xA00  }
0x6b: {  	[tilespmem:s8], [sflag:$0x5] =	stream.linear.gather [hbm4b:s14+s1], $0x200, $0x38;
	[tilespmem:$0x16700] =	vst v63  }
0x6c: {  	s9 =	simm.s32 $0xC00  }
0x6d: {  	[tilespmem:s9], [sflag:$0x5] =	stream.linear.gather [hbm4b:s15+s1], $0x200, $0x38;
	[tilespmem:$0x16700] =	vst v63  }
0x6e: {  	s10 =	rddreg [dreg:$0xa]  }
0x6f: {  	[tilespmem:s24], [sflag:$0x5] =	stream.linear.gather [hbm4b:s10+s1], $0x3700, $0x38;
	[tilespmem:$0x16700] =	vst v63  }
0x70: {  	s19 =	rddreg [dreg:$0xb]  }
0x71: {  	[tilespmem:s25], [sflag:$0x5] =	stream.linear.gather [hbm4b:s19+s1], $0x1900, $0x38;
	[tilespmem:$0x16700] =	vst v63  }
0x72: {  	s11 =	rddreg [dreg:$0xc]  }
0x73: {  	[tilespmem:s26], [sflag:$0x5] =	stream.linear.gather [hbm4b:s11+s1], $0x698, $0x38;
	[tilespmem:$0x16700] =	vst v63  }
0x74: {  	s19 =	rddreg [dreg:$0xd]  }
0x75: {  	[tilespmem:s28], [sflag:$0x5] =	stream.linear.gather [hbm4b:s19+s1], $0x68, $0x38;
	[tilespmem:$0x16700] =	vst v63  }
0x76: {  	_ =	swait.ge [sflag:s29], $0x200  }
0x77: {  	[sflag:s29] =	ssyncset.done $0x0  }
0x78: {  	[sflag:s29] =	ssyncadd.s32 $0xFFFFFE00  }
0x79: {  	_ =	swait.ge [sflag:s29], $0x200  }
0x7a: {  	[sflag:s29] =	ssyncset.done $0x0  }
0x7b: {  	[sflag:s29] =	ssyncadd.s32 $0xFFFFFE00  }
0x7c: {  	_ =	swait.ge [sflag:s29], $0x200  }
0x7d: {  	[sflag:s29] =	ssyncset.done $0x0  }
0x7e: {  	[sflag:s29] =	ssyncadd.s32 $0xFFFFFE00  }
0x7f: {  	_ =	swait.ge [sflag:s29], $0x200  }
0x80: {  	[sflag:s29] =	ssyncset.done $0x0  }
0x81: {  	[sflag:s29] =	ssyncadd.s32 $0xFFFFFE00  }
0x82: {  	_ =	swait.ge [sflag:s29], $0x200  }
0x83: {  	[sflag:s29] =	ssyncset.done $0x0  }
0x84: {  	[sflag:s29] =	ssyncadd.s32 $0xFFFFFE00  }
0x85: {  	_ =	swait.ge [sflag:s29], $0x3700  }
0x86: {  	[sflag:s29] =	ssyncset.done $0x0  }
0x87: {  	[sflag:s29] =	ssyncadd.s32 $0xFFFFC900  }
0x88: {  	_ =	swait.ge [sflag:s29], $0x1900  }
0x89: {  	[sflag:s29] =	ssyncset.done $0x0  }
0x8a: {  	[sflag:s29] =	ssyncadd.s32 $0xFFFFE700  }
0x8b: {  	_ =	swait.ge [sflag:s29], $0x698  }
0x8c: {  	[sflag:s29] =	ssyncset.done $0x0  }
0x8d: {  	[sflag:s29] =	ssyncadd.s32 $0xFFFFF968  }
0x8e: {  	_ =	swait.ge [sflag:s29], $0x68  }
0x8f: {  	[sflag:s29] =	ssyncset.done $0x0  }
0x90: {  	[sflag:s29] =	ssyncadd.s32 $0xFFFFFF98  }
0x91: {  	_ =	swait.ge [sflag:s30], $0x2000  }
0x92: {  	[sflag:s30] =	ssyncset.done $0x0  }
0x93: {  	[sflag:s30] =	ssyncadd.s32 $0xFFFFE000  }
0x94: {  	_ =	swait.ge [sflag:s30], $0x2000  }
0x95: {  	[sflag:s30] =	ssyncset.done $0x0  }
0x96: {  	[sflag:s30] =	ssyncadd.s32 $0xFFFFE000  }
0x97: {  	_ =	swait.ge [sflag:s31], $0x2000  }
0x98: {  	[sflag:s31] =	ssyncset.done $0x0  }
0x99: {  	[sflag:s31] =	ssyncadd.s32 $0xFFFFE000  }
0x9a: {  	_ =	swait.ge [sflag:s31], $0x2000  }
0x9b: {  	[sflag:s31] =	ssyncset.done $0x0  }
0x9c: {  	[sflag:s31] =	ssyncadd.s32 $0xFFFFE000  }
0x9d: {  	_ =	swait.ge [sflag:s0], $0x2000  }
0x9e: {  	[sflag:s0] =	ssyncset.done $0x0  }
0x9f: {  	[sflag:s0] =	ssyncadd.s32 $0xFFFFE000  }
0xa0: {  	_ =	swait.ge [sflag:s0], $0x2000  }
0xa1: {  	[sflag:s0] =	ssyncset.done $0x0  }
0xa2: {  	[sflag:s0] =	ssyncadd.s32 $0xFFFFE000  }
0xa3: {  	_ =	swait.ge [sflag:s6], $0x2000  }
0xa4: {  	[sflag:s6] =	ssyncset.done $0x0  }
0xa5: {  	[sflag:s6] =	ssyncadd.s32 $0xFFFFE000  }
0xa6: {  	_ =	swait.ge [sflag:s6], $0x2000  }
0xa7: {  	s10 =	simm.s32 $0x16500;
	[sflag:s6] =	ssyncset.done $0x0  }
0xa8: {  	s11 =	simm.s32 $0x0;
	s19 =	simm.s32 $0x0;
	[sflag:s6] =	ssyncadd.s32 $0xFFFFE000  }
.LBB2_2:
0xa9: {  	v0 =	vld [tilespmem:s7+$0x0]  }
0xaa: {  	v1 =	vld [tilespmem:s8+$0x0];
	v5 =	vmov s19  }
0xab: {  	v38 =	vshll.u32 v5, $0x6  }
0xac: {  	v2 =	vld [tilespmem:s4+$0x0];
	v62 =	vor.u32 v12, v38  }
0xad: {  	v3 =	vld [tilespmem:s9+$0x0];
	v41 =	vor.u32 v11, v62;
	_ =	sdelay $0x1  }
0xae: {  	v4 =	vld [tilespmem:s5+$0x0];
	v0 =	vmul.u32 $0xA, v0;
	v1 =	vmul.u32 $0x5, v1;
	v43 =	vor.u32 v13, v62  }
0xaf: {  	v50 =	vor.u32 v14, v62  }
0xb0: {  	v0 =	vadd.s32 v0, v1  }
0xb1: {  	v2 =	vmul.u32 $0x14, v2;
	v63 =	vor.u32 v16, v62;
	v0 =	vadd.s32 v3, v0;
	v46 =	vld.idx.msk [tilespmem:v41+s22+$0x0], $0xffff  }
0xb2: {  	v61 =	vshll.u32 v0, $0x6;
	v0 =	vld.idx.msk [tilespmem:v41+s21+$0x0], $0xffff  }
0xb3: {  	v35 =	vor.u32 v17, v62;
	v2 =	vadd.s32 v4, v2;
	v54 =	vld.idx.msk [tilespmem:v43+s22+$0x0], $0xffff  }
0xb4: {  	v59 =	vshll.u32 v2, $0x6;
	v38 =	vld.idx.msk [tilespmem:v50+s22+$0x0], $0xffff  }
0xb5: {  	[tilespmem:$0x1FB60] =	vst v2;
	v2 =	vor.u32 v11, v59;
	v26 =	vld.idx.msk [tilespmem:v50+s21+$0x0], $0xffff  }
0xb6: {  	v49 =	vor.u32 v13, v59;
	v24 =	vld.idx.msk [tilespmem:v63+s22+$0x0], $0xffff  }
0xb7: {  	v57 =	vor.u32 v15, v62;
	v56 =	vor.u32 v14, v59;
	v18 =	vld.idx.msk [tilespmem:v63+s21+$0x0], $0xffff  }
0xb8: {  	v60 =	vor.u32 v15, v59;
	v34 =	vor.u32 v16, v59;
	v58 =	vor.u32 v15, v61;
	v15 =	vld.idx.msk [tilespmem:v35+s22+$0x0], $0xffff  }
0xb9: {  	v42 =	vor.u32 v11, v61;
	v10 =	vld.idx.msk [tilespmem:v35+s21+$0x0], $0xffff  }
0xba: {  	v51 =	vor.u32 v14, v61;
	v55 =	vld.idx.msk [tilespmem:v2+s25+$0x0], $0xffff  }
0xbb: {  	v32 =	vld.idx.msk [tilespmem:v49+s25+$0x0], $0xffff  }
0xbc: {  	v19 =	vld.idx.msk [tilespmem:v56+s25+$0x0], $0xffff  }
0xbd: {  	v12 =	vld.idx.msk [tilespmem:v34+s25+$0x0], $0xffff  }
0xbe: {  	v1 =	vld.idx.msk [tilespmem:v42+s24+$0x0], $0xffff  }
0xbf: {  	v33 =	vor.u32 v16, v61;
	v25 =	vld.idx.msk [tilespmem:v51+s24+$0x0], $0xffff  }
0xc0: {  	v6 =	vor.u32 v20, v61;
	v51 =	vld [tilespmem:$0x1FF10]  }
0xc1: {  	v42 =	vld.idx.msk [tilespmem:v43+s21+$0x0], $0xffff;
	v43 =	vor.u32 v17, v59  }
0xc2: {  	v41 =	vor.u32 v17, v61;
	v49 =	vor.u32 v20, v59;
	v56 =	vld [tilespmem:$0x1FF30];
	v17 =	vor.u32 v21, v59  }
0xc3: {  	[tilespmem:$0x1F360] =	vst v46;
	v36 =	vld.idx.msk [tilespmem:v58+s24+$0x0], $0xffff;
	v46 =	vor.u32 v20, v62;
	v20 =	vor.u32 v23, v62  }
0xc4: {  	v48 =	vor.u32 v13, v61;
	v50 =	vor.u32 v21, v62;
	v22 =	vld.idx.msk [tilespmem:v33+s24+$0x0], $0xffff  }
0xc5: {  	v7 =	vor.u32 v21, v61;
	v13 =	vld.idx.msk [tilespmem:v6+s24+$0x0], $0xffff;
	v21 =	vor.u32 v23, v61;
	v23 =	vor.u32 v51, v59  }
0xc6: {  	v9 =	vld.idx.msk [tilespmem:v43+s25+$0x0], $0xffff  }
0xc7: {  	v6 =	vld.idx.msk [tilespmem:v17+s25+$0x0], $0xffff  }
0xc8: {  	v28 =	vor.u32 v29, v62;
	v43 =	vld.idx.msk [tilespmem:v20+s22+$0x0], $0xffff  }
0xc9: {  	v27 =	vor.u32 v29, v61;
	v33 =	vld.idx.msk [tilespmem:v20+s21+$0x0], $0xffff;
	v20 =	vor.u32 v29, v59;
	v29 =	vor.u32 v30, v61  }
0xca: {  	v17 =	vld.idx.msk [tilespmem:v23+s25+$0x0], $0xffff;
	v23 =	vor.u32 v30, v62;
	v30 =	vor.u32 v56, v59  }
0xcb: {  	v8 =	vld.idx.msk [tilespmem:v41+s24+$0x0], $0xffff  }
0xcc: {  	v31 =	vld.idx.msk [tilespmem:v46+s22+$0x0], $0xffff  }
0xcd: {  	v16 =	vld.idx.msk [tilespmem:v46+s21+$0x0], $0xffff  }
0xce: {  	v63 =	vld.idx.msk [tilespmem:v29+s24+$0x0], $0xffff;
	v29 =	vor.u32 v40, v62  }
0xcf: {  	v46 =	vld.idx.msk [tilespmem:v30+s25+$0x0], $0xffff;
	v30 =	vor.u32 v40, v61  }
0xd0: {  	v14 =	vld.idx.msk [tilespmem:v50+s22+$0x0], $0xffff  }
0xd1: {  	v5 =	vld.idx.msk [tilespmem:v7+s24+$0x0], $0xffff  }
0xd2: {  	v7 =	vld.idx.msk [tilespmem:v50+s21+$0x0], $0xffff  }
0xd3: {  	v41 =	vld.idx.msk [tilespmem:v29+s22+$0x0], $0xffff  }
0xd4: {  	v58 =	vor.u32 v40, v59;
	v50 =	vld.idx.msk [tilespmem:v30+s24+$0x0], $0xffff  }
0xd5: {  	v37 =	vld.idx.msk [tilespmem:v48+s24+$0x0], $0xffff  }
0xd6: {  	v48 =	vld.idx.msk [tilespmem:v57+s22+$0x0], $0xffff  }
0xd7: {  	[tilespmem:$0x1F380] =	vst v0;
	v0 =	vld.idx.msk [tilespmem:v57+s21+$0x0], $0xffff  }
0xd8: {  	v51 =	vld.idx.msk [tilespmem:v29+s21+$0x0], $0xffff;
	[tilespmem:$0x1F3C0] =	vst v41;
	v41 =	vor.u32 v44, v61  }
0xd9: {  	[tilespmem:$0x1F3D0] =	vst v50;
	v50 =	vld.idx.msk [tilespmem:v58+s25+$0x0], $0xffff;
	v58 =	vor.u32 v45, v62  }
0xda: {  	[tilespmem:$0x1F370] =	vst v1;
	v1 =	vld.idx.msk [tilespmem:v60+s25+$0x0], $0xffff  }
0xdb: {  	v4 =	vor.u32 v44, v62;
	v57 =	vld.idx.msk [tilespmem:v23+s22+$0x0], $0xffff  }
0xdc: {  	v35 =	vor.u32 v39, v62;
	v60 =	vld.idx.msk [tilespmem:v23+s21+$0x0], $0xffff  }
0xdd: {  	v34 =	vor.u32 v39, v61;
	v23 =	vor.u32 v39, v59;
	v30 =	vor.u32 v45, v61;
	v39 =	vld.idx.msk [tilespmem:v41+s24+$0x0], $0xffff  }
0xde: {  	[tilespmem:$0x1F3E0] =	vst v51;
	v41 =	vor.u32 v45, v59;
	v45 =	vor.u32 v47, v61;
	v51 =	vld.idx.msk [tilespmem:v58+s22+$0x0], $0xffff  }
0xdf: {  	v27 =	vld.idx.msk [tilespmem:v27+s24+$0x0], $0xffff  }
0xe0: {  	v56 =	vld.idx.msk [tilespmem:v4+s22+$0x0], $0xffff  }
0xe1: {  	v40 =	vld.idx.msk [tilespmem:v4+s21+$0x0], $0xffff  }
0xe2: {  	v4 =	vld.idx.msk [tilespmem:v30+s24+$0x0], $0xffff  }
0xe3: {  	[tilespmem:$0x1F410] =	vst v51;
	v51 =	vld.idx.msk [tilespmem:v45+s24+$0x0], $0xffff  }
0xe4: {  	v11 =	vld.idx.msk [tilespmem:v49+s25+$0x0], $0xffff  }
0xe5: {  	[tilespmem:$0x1F3F0] =	vst v56;
	v56 =	vld.idx.msk [tilespmem:v58+s21+$0x0], $0xffff  }
0xe6: {  	v30 =	vor.u32 v47, v62;
	v58 =	vld [tilespmem:$0x1FF80]  }
0xe7: {  	v49 =	vld.idx.msk [tilespmem:v28+s22+$0x0], $0xffff;
	[tilespmem:$0x1F400] =	vst v4  }
0xe8: {  	v4 =	vor.u32 v52, v61;
	[tilespmem:$0x1F430] =	vst v51;
	v51 =	vor.u32 v52, v62;
	v52 =	vld [tilespmem:$0x1FF90]  }
0xe9: {  	v28 =	vld.idx.msk [tilespmem:v28+s21+$0x0], $0xffff  }
0xea: {  	v34 =	vld.idx.msk [tilespmem:v34+s24+$0x0], $0xffff  }
0xeb: {  	v29 =	vor.u32 v44, v59;
	v44 =	vld.idx.msk [tilespmem:v30+s22+$0x0], $0xffff;
	v47 =	vor.u32 v58, v59  }
0xec: {  	v58 =	vld.idx.msk [tilespmem:v41+s25+$0x0], $0xffff  }
0xed: {  	[tilespmem:$0x1F420] =	vst v56;
	v56 =	vld.idx.msk [tilespmem:v4+s24+$0x0], $0xffff;
	v52 =	vor.u32 v52, v59  }
0xee: {  	v4 =	vld.idx.msk [tilespmem:v51+s22+$0x0], $0xffff  }
0xef: {  	v45 =	vld.idx.msk [tilespmem:v30+s21+$0x0], $0xffff  }
0xf0: {  	v30 =	vld.idx.msk [tilespmem:v47+s25+$0x0], $0xffff  }
0xf1: {  	v47 =	vor.u32 v53, v61;
	v51 =	vld.idx.msk [tilespmem:v51+s21+$0x0], $0xffff  }
0xf2: {  	[tilespmem:$0x1F440] =	vst v56;
	v56 =	vld.idx.msk [tilespmem:v52+s25+$0x0], $0xffff  }
0xf3: {  	v41 =	vor.u32 v53, v62;
	[tilespmem:$0x1F450] =	vst v4;
	v4 =	vld [tilespmem:$0x1FFB0]  }
0xf4: {  	v21 =	vld.idx.msk [tilespmem:v21+s24+$0x0], $0xffff  }
0xf5: {  	v20 =	vld.idx.msk [tilespmem:v20+s25+$0x0], $0xffff  }
0xf6: {  	[tilespmem:$0x1F460] =	vst v51;
	v51 =	vld.idx.msk [tilespmem:v47+s24+$0x0], $0xffff  }
0xf7: {  	v53 =	vld [tilespmem:$0x1FFA0]  }
0xf8: {  	[tilespmem:$0x1F470] =	vst v56;
	v56 =	vor.u32 v4, v61;
	v4 =	vld.idx.msk [tilespmem:v41+s22+$0x0], $0xffff  }
0xf9: {  	v52 =	vld [tilespmem:$0x1FFB0]  }
0xfa: {  	[tilespmem:$0x1F3A0] =	vst v1;
	v1 =	vld [tilespmem:$0x1FB70]  }
0xfb: {  	[tilespmem:$0x1F480] =	vst v51;
	v51 =	vld [tilespmem:$0x1FFB0]  }
0xfc: {  	[tilespmem:$0x1F3B0] =	vst v57;
	v57 =	vld.idx.msk [tilespmem:v35+s22+$0x0], $0xffff  }
0xfd: {  	v53 =	vor.u32 v53, v59;
	[tilespmem:$0x1F490] =	vst v4;
	v4 =	vld.idx.msk [tilespmem:v56+s24+$0x0], $0xffff  }
0xfe: {  	v35 =	vld.idx.msk [tilespmem:v35+s21+$0x0], $0xffff;
	v47 =	vor.u32 v52, v62  }
0xff: {  	v23 =	vld.idx.msk [tilespmem:v23+s25+$0x0], $0xffff  }
0x100: {  	[tilespmem:$0x1F390] =	vst v0;
	v29 =	vld.idx.msk [tilespmem:v29+s25+$0x0], $0xffff;
	v0 =	vor.u32 v51, v59  }
0x101: {  	v52 =	vld.idx.msk [tilespmem:v41+s21+$0x0], $0xffff  }
0x102: {  	v41 =	vld.idx.msk [tilespmem:v53+s25+$0x0], $0xffff;
	[tilespmem:$0x1F4A0] =	vst v4  }
0x103: {  	v2 =	vld.idx.msk [tilespmem:v47+s22+$0x0], $0xffff  }
0x104: {  	v51 =	vld.idx.msk [tilespmem:v47+s21+$0x0], $0xffff  }
0x105: {  	v0 =	vld.idx.msk [tilespmem:v0+s25+$0x0], $0xffff  }
0x106: {  	v53 =	vor.u32 v1, v61;
	v56 =	vor.u32 v1, v62;
	v47 =	vor.u32 v1, v59;
	v1 =	vld [tilespmem:$0x1FB80];
	_ =	sdelay $0x4  }
0x107: {  	v4 =	vld.idx.msk [tilespmem:v53+s24+$0x0], $0xffff;
	[tilespmem:$0x1F4D0] =	vst v0;
	v0 =	vor.u32 v1, v61  }
0x108: {  	[tilespmem:$0x1F4C0] =	vst v51;
	v53 =	vor.u32 v1, v62;
	v51 =	vld.idx.msk [tilespmem:v56+s22+$0x0], $0xffff;
	_ =	sdelay $0x1  }
0x109: {  	[tilespmem:$0x1F4B0] =	vst v2;
	v2 =	vld [tilespmem:$0x1FB90];
	_ =	sdelay $0x1  }
0x10a: {  	v0 =	vld.idx.msk [tilespmem:v0+s24+$0x0], $0xffff  }
0x10b: {  	[tilespmem:$0x1F4F0] =	vst v51;
	v51 =	vld.idx.msk [tilespmem:v53+s22+$0x0], $0xffff  }
0x10c: {  	v53 =	vld.idx.msk [tilespmem:v53+s21+$0x0], $0xffff  }
0x10d: {  	[tilespmem:$0x1F4E0] =	vst v4;
	v4 =	vld.idx.msk [tilespmem:v56+s21+$0x0], $0xffff;
	v56 =	vor.u32 v1, v59;
	v1 =	vor.u32 v2, v61;
	_ =	sdelay $0x2  }
0x10e: {  	[tilespmem:$0x1F510] =	vst v0  }
0x10f: {  	v0 =	vor.u32 v2, v62;
	[tilespmem:$0x1F530] =	vst v53;
	v53 =	vor.u32 v2, v59;
	v2 =	vld [tilespmem:$0x1FBA0]  }
0x110: {  	v1 =	vld.idx.msk [tilespmem:v1+s24+$0x0], $0xffff;
	_ =	sdelay $0x2  }
0x111: {  	[tilespmem:$0x1F500] =	vst v4;
	v4 =	vld.idx.msk [tilespmem:v56+s25+$0x0], $0xffff  }
0x112: {  	[tilespmem:$0x1F520] =	vst v51;
	v56 =	vor.u32 v2, v61;
	v51 =	vld.idx.msk [tilespmem:v0+s22+$0x0], $0xffff  }
0x113: {  	[tilespmem:$0x1F550] =	vst v1;
	v1 =	vor.u32 v2, v62;
	v0 =	vld.idx.msk [tilespmem:v0+s21+$0x0], $0xffff;
	_ =	sdelay $0x1  }
0x114: {  	v3 =	vld [tilespmem:$0x1FBB0];
	_ =	sdelay $0x1  }
0x115: {  	[tilespmem:$0x1F560] =	vst v51;
	v56 =	vld.idx.msk [tilespmem:v56+s24+$0x0], $0xffff  }
0x116: {  	[tilespmem:$0x1F570] =	vst v0;
	v0 =	vor.u32 v2, v59;
	v51 =	vld.idx.msk [tilespmem:v1+s22+$0x0], $0xffff  }
0x117: {  	v1 =	vld.idx.msk [tilespmem:v1+s21+$0x0], $0xffff  }
0x118: {  	v2 =	vor.u32 v3, v61;
	_ =	sdelay $0x1  }
0x119: {  	[tilespmem:$0x1F580] =	vst v56;
	v56 =	vor.u32 v3, v62  }
0x11a: {  	v0 =	vld.idx.msk [tilespmem:v0+s25+$0x0], $0xffff  }
0x11b: {  	[tilespmem:$0x1F5A0] =	vst v1;
	v1 =	vor.u32 v3, v59;
	v3 =	vld [tilespmem:$0x1FBC0]  }
0x11c: {  	v2 =	vld.idx.msk [tilespmem:v2+s24+$0x0], $0xffff;
	_ =	sdelay $0x1  }
0x11d: {  	[tilespmem:$0x1F590] =	vst v51;
	v51 =	vld.idx.msk [tilespmem:v56+s22+$0x0], $0xffff  }
0x11e: {  	v56 =	vld.idx.msk [tilespmem:v56+s21+$0x0], $0xffff  }
0x11f: {  	[tilespmem:$0x1F5B0] =	vst v0;
	v0 =	vor.u32 v3, v61  }
0x120: {  	[tilespmem:$0x1F5C0] =	vst v2;
	v2 =	vor.u32 v3, v62;
	_ =	sdelay $0x1  }
0x121: {  	v1 =	vld.idx.msk [tilespmem:v1+s25+$0x0], $0xffff  }
0x122: {  	[tilespmem:$0x1F5E0] =	vst v56;
	v56 =	vor.u32 v3, v59;
	v3 =	vld [tilespmem:$0x1FBD0]  }
0x123: {  	v0 =	vld.idx.msk [tilespmem:v0+s24+$0x0], $0xffff  }
0x124: {  	[tilespmem:$0x1F5D0] =	vst v51;
	v51 =	vld.idx.msk [tilespmem:v2+s22+$0x0], $0xffff  }
0x125: {  	v2 =	vld.idx.msk [tilespmem:v2+s21+$0x0], $0xffff;
	_ =	sdelay $0x1  }
0x126: {  	[tilespmem:$0x1F5F0] =	vst v1;
	v1 =	vor.u32 v3, v61  }
0x127: {  	[tilespmem:$0x1F600] =	vst v0;
	v0 =	vor.u32 v3, v62  }
0x128: {  	v56 =	vld.idx.msk [tilespmem:v56+s25+$0x0], $0xffff  }
0x129: {  	[tilespmem:$0x1F620] =	vst v2;
	v2 =	vor.u32 v3, v59;
	v3 =	vld [tilespmem:$0x1FBE0];
	_ =	sdelay $0x1  }
0x12a: {  	v1 =	vld.idx.msk [tilespmem:v1+s24+$0x0], $0xffff  }
0x12b: {  	[tilespmem:$0x1F610] =	vst v51;
	v51 =	vld.idx.msk [tilespmem:v0+s22+$0x0], $0xffff  }
0x12c: {  	v0 =	vld.idx.msk [tilespmem:v0+s21+$0x0], $0xffff  }
0x12d: {  	[tilespmem:$0x1F630] =	vst v56;
	v56 =	vor.u32 v3, v61;
	_ =	sdelay $0x1  }
0x12e: {  	[tilespmem:$0x1F640] =	vst v1;
	v1 =	vor.u32 v3, v62  }
0x12f: {  	v2 =	vld.idx.msk [tilespmem:v2+s25+$0x0], $0xffff  }
0x130: {  	[tilespmem:$0x1F660] =	vst v0;
	v0 =	vor.u32 v3, v59;
	v3 =	vld [tilespmem:$0x1FBF0]  }
0x131: {  	v56 =	vld.idx.msk [tilespmem:v56+s24+$0x0], $0xffff;
	_ =	sdelay $0x1  }
0x132: {  	[tilespmem:$0x1F650] =	vst v51;
	v51 =	vld.idx.msk [tilespmem:v1+s22+$0x0], $0xffff  }
0x133: {  	v1 =	vld.idx.msk [tilespmem:v1+s21+$0x0], $0xffff  }
0x134: {  	[tilespmem:$0x1F670] =	vst v2;
	v2 =	vor.u32 v3, v61  }
0x135: {  	[tilespmem:$0x1F680] =	vst v56;
	v56 =	vor.u32 v3, v62;
	_ =	sdelay $0x1  }
0x136: {  	v0 =	vld.idx.msk [tilespmem:v0+s25+$0x0], $0xffff  }
0x137: {  	[tilespmem:$0x1F6A0] =	vst v1;
	v1 =	vor.u32 v3, v59;
	v3 =	vld [tilespmem:$0x1FC00]  }
0x138: {  	v2 =	vld.idx.msk [tilespmem:v2+s24+$0x0], $0xffff  }
0x139: {  	[tilespmem:$0x1F690] =	vst v51;
	v51 =	vld.idx.msk [tilespmem:v56+s22+$0x0], $0xffff  }
0x13a: {  	v56 =	vld.idx.msk [tilespmem:v56+s21+$0x0], $0xffff;
	_ =	sdelay $0x1  }
0x13b: {  	[tilespmem:$0x1F6B0] =	vst v0;
	v0 =	vor.u32 v3, v61  }
0x13c: {  	[tilespmem:$0x1F6C0] =	vst v2;
	v2 =	vor.u32 v3, v62  }
0x13d: {  	v1 =	vld.idx.msk [tilespmem:v1+s25+$0x0], $0xffff  }
0x13e: {  	[tilespmem:$0x1F6E0] =	vst v56;
	v56 =	vor.u32 v3, v59;
	v3 =	vld [tilespmem:$0x1FC10];
	_ =	sdelay $0x1  }
0x13f: {  	v0 =	vld.idx.msk [tilespmem:v0+s24+$0x0], $0xffff  }
0x140: {  	[tilespmem:$0x1F6D0] =	vst v51;
	v51 =	vld.idx.msk [tilespmem:v2+s22+$0x0], $0xffff  }
0x141: {  	v2 =	vld.idx.msk [tilespmem:v2+s21+$0x0], $0xffff  }
0x142: {  	[tilespmem:$0x1F6F0] =	vst v1;
	v1 =	vor.u32 v3, v61;
	_ =	sdelay $0x1  }
0x143: {  	[tilespmem:$0x1F700] =	vst v0;
	v0 =	vor.u32 v3, v62  }
0x144: {  	v56 =	vld.idx.msk [tilespmem:v56+s25+$0x0], $0xffff  }
0x145: {  	[tilespmem:$0x1F720] =	vst v2;
	v2 =	vor.u32 v3, v59;
	v3 =	vld [tilespmem:$0x1FC20]  }
0x146: {  	v1 =	vld.idx.msk [tilespmem:v1+s24+$0x0], $0xffff;
	_ =	sdelay $0x1  }
0x147: {  	[tilespmem:$0x1F710] =	vst v51;
	v51 =	vld.idx.msk [tilespmem:v0+s22+$0x0], $0xffff  }
0x148: {  	v0 =	vld.idx.msk [tilespmem:v0+s21+$0x0], $0xffff  }
0x149: {  	[tilespmem:$0x1F730] =	vst v56;
	v56 =	vor.u32 v3, v61  }
0x14a: {  	[tilespmem:$0x1F740] =	vst v1;
	v1 =	vor.u32 v3, v62;
	_ =	sdelay $0x1  }
0x14b: {  	v2 =	vld.idx.msk [tilespmem:v2+s25+$0x0], $0xffff  }
0x14c: {  	[tilespmem:$0x1F760] =	vst v0;
	v0 =	vor.u32 v3, v59;
	v3 =	vld [tilespmem:$0x1FC30]  }
0x14d: {  	v56 =	vld.idx.msk [tilespmem:v56+s24+$0x0], $0xffff  }
0x14e: {  	[tilespmem:$0x1F750] =	vst v51;
	v51 =	vld.idx.msk [tilespmem:v1+s22+$0x0], $0xffff  }
0x14f: {  	v1 =	vld.idx.msk [tilespmem:v1+s21+$0x0], $0xffff;
	_ =	sdelay $0x1  }
0x150: {  	[tilespmem:$0x1F770] =	vst v2;
	v2 =	vor.u32 v3, v61  }
0x151: {  	[tilespmem:$0x1F780] =	vst v56;
	v56 =	vor.u32 v3, v62  }
0x152: {  	v0 =	vld.idx.msk [tilespmem:v0+s25+$0x0], $0xffff  }
0x153: {  	[tilespmem:$0x1F7A0] =	vst v1;
	v1 =	vor.u32 v3, v59;
	v3 =	vld [tilespmem:$0x1FC40];
	_ =	sdelay $0x1  }
0x154: {  	v2 =	vld.idx.msk [tilespmem:v2+s24+$0x0], $0xffff  }
0x155: {  	[tilespmem:$0x1F790] =	vst v51;
	v51 =	vld.idx.msk [tilespmem:v56+s22+$0x0], $0xffff  }
0x156: {  	v56 =	vld.idx.msk [tilespmem:v56+s21+$0x0], $0xffff  }
0x157: {  	[tilespmem:$0x1F7B0] =	vst v0;
	v0 =	vor.u32 v3, v61;
	_ =	sdelay $0x1  }
0x158: {  	[tilespmem:$0x1F7C0] =	vst v2;
	v2 =	vor.u32 v3, v62  }
0x159: {  	v1 =	vld.idx.msk [tilespmem:v1+s25+$0x0], $0xffff  }
0x15a: {  	[tilespmem:$0x1F7E0] =	vst v56;
	v56 =	vor.u32 v3, v59;
	v3 =	vld [tilespmem:$0x1FC50]  }
0x15b: {  	v0 =	vld.idx.msk [tilespmem:v0+s24+$0x0], $0xffff;
	_ =	sdelay $0x1  }
0x15c: {  	[tilespmem:$0x1F7D0] =	vst v51;
	v51 =	vld.idx.msk [tilespmem:v2+s22+$0x0], $0xffff  }
0x15d: {  	v2 =	vld.idx.msk [tilespmem:v2+s21+$0x0], $0xffff  }
0x15e: {  	[tilespmem:$0x1F7F0] =	vst v1;
	v1 =	vor.u32 v3, v61  }
0x15f: {  	[tilespmem:$0x1F800] =	vst v0;
	v0 =	vor.u32 v3, v62;
	_ =	sdelay $0x1  }
0x160: {  	v56 =	vld.idx.msk [tilespmem:v56+s25+$0x0], $0xffff  }
0x161: {  	[tilespmem:$0x1F820] =	vst v2;
	v2 =	vor.u32 v3, v59;
	v3 =	vld [tilespmem:$0x1FC60]  }
0x162: {  	v1 =	vld.idx.msk [tilespmem:v1+s24+$0x0], $0xffff  }
0x163: {  	[tilespmem:$0x1F810] =	vst v51;
	v51 =	vld.idx.msk [tilespmem:v0+s22+$0x0], $0xffff  }
0x164: {  	v0 =	vld.idx.msk [tilespmem:v0+s21+$0x0], $0xffff;
	_ =	sdelay $0x2  }
0x165: {  	[tilespmem:$0x1F830] =	vst v56  }
0x166: {  	[tilespmem:$0x1F840] =	vst v1;
	v2 =	vld.idx.msk [tilespmem:v2+s25+$0x0], $0xffff  }
0x167: {  	v56 =	vor.u32 v3, v61;
	v1 =	vor.u32 v3, v62;
	[tilespmem:$0x1F860] =	vst v0;
	v0 =	vor.u32 v3, v59;
	v3 =	vld [tilespmem:$0x1FC70];
	_ =	sdelay $0x3  }
0x168: {  	[tilespmem:$0x1F850] =	vst v51  }
0x169: {  	[tilespmem:$0x1F870] =	vst v2;
	v2 =	vor.u32 v3, v61;
	v51 =	vld.idx.msk [tilespmem:v1+s22+$0x0], $0xffff;
	_ =	sdelay $0x1  }
0x16a: {  	v0 =	vld.idx.msk [tilespmem:v0+s25+$0x0], $0xffff;
	_ =	sdelay $0x1  }
0x16b: {  	v1 =	vld.idx.msk [tilespmem:v1+s21+$0x0], $0xffff  }
0x16c: {  	[tilespmem:$0x1F890] =	vst v51;
	v51 =	vld.idx.msk [tilespmem:v2+s24+$0x0], $0xffff;
	_ =	sdelay $0x1  }
0x16d: {  	[tilespmem:$0x1F8B0] =	vst v0;
	v0 =	vld [tilespmem:$0x1FC80]  }
0x16e: {  	v56 =	vld.idx.msk [tilespmem:v56+s24+$0x0], $0xffff  }
0x16f: {  	[tilespmem:$0x1F8A0] =	vst v1;
	v1 =	vld [tilespmem:$0x1F360]  }
0x170: {  	[tilespmem:$0x1F8C0] =	vst v51;
	v51 =	vld [tilespmem:$0x1F370];
	_ =	sdelay $0x1  }
0x171: {  	[tilespmem:$0x1F540] =	vst v4;
	v4 =	vor.u32 v0, v61  }
0x172: {  	v19 =	vadd.f32 v19, v26;
	v37 =	vadd.f32 v37, v54  }
0x173: {  	v13 =	vadd.f32 v13, v31;
	v11 =	vadd.f32 v11, v16  }
0x174: {  	v24 =	vadd.f32 v22, v24;
	[tilespmem:$0x1F880] =	vst v56;
	v56 =	vor.u32 v3, v62;
	v1 =	vadd.f32 v51, v1;
	v51 =	vld [tilespmem:$0x1F380]  }
0x175: {  	v22 =	vadd.f32 v27, v49;
	v11 =	vmul.f32 v11, v13;
	v13 =	vadd.f32 v21, v43;
	v54 =	vld [tilespmem:$0x1F390]  }
0x176: {  	v17 =	vadd.f32 v17, v33;
	v20 =	vadd.f32 v20, v28;
	v2 =	vor.u32 v0, v62;
	v26 =	vld.idx.msk [tilespmem:v4+s24+$0x0], $0xffff  }
0x177: {  	v25 =	vadd.f32 v25, v38;
	v8 =	vadd.f32 v8, v15;
	v15 =	vld [tilespmem:$0x1F3A0]  }
0x178: {  	v13 =	vmul.f32 v17, v13;
	v17 =	vmul.f32 v20, v22;
	v22 =	vadd.f32 v46, v60;
	v46 =	vld [tilespmem:$0x1F3D0]  }
0x179: {  	v32 =	vadd.f32 v32, v42;
	v55 =	vadd.f32 v55, v51;
	v51 =	vld.idx.msk [tilespmem:v56+s22+$0x0], $0xffff  }
0x17a: {  	v5 =	vadd.f32 v5, v14;
	v19 =	vmul.f32 v19, v25;
	v25 =	vadd.f32 v36, v48;
	v47 =	vld.idx.msk [tilespmem:v47+s25+$0x0], $0xffff  }
0x17b: {  	v36 =	vld.idx.msk [tilespmem:v2+s22+$0x0], $0xffff;
	[tilespmem:$0x1F900] =	vst v26;
	v26 =	vmul.f32 v32, v37;
	v32 =	vadd.f32 v6, v7  }
0x17c: {  	v53 =	vld.idx.msk [tilespmem:v53+s25+$0x0], $0xffff;
	v3 =	vor.u32 v3, v59  }
0x17d: {  	v42 =	vor.u32 v0, v59;
	v5 =	vmul.f32 v32, v5;
	v32 =	vld [tilespmem:$0x1FE10]  }
0x17e: {  	[tilespmem:$0x1F8D0] =	vst v51;
	v51 =	vld [tilespmem:$0x1FCB0]  }
0x17f: {  	v56 =	vld.idx.msk [tilespmem:v56+s21+$0x0], $0xffff  }
0x180: {  	[tilespmem:$0x1F910] =	vst v36;
	v36 =	vadd.f32 $0.0e+00, v26;
	v26 =	vld [tilespmem:$0x1F3B0]  }
0x181: {  	v38 =	vld.idx.msk [tilespmem:v3+s25+$0x0], $0xffff  }
0x182: {  	v12 =	vadd.f32 v12, v18;
	v18 =	vld.idx.msk [tilespmem:v42+s25+$0x0], $0xffff;
	v27 =	vor.u32 v32, v62  }
0x183: {  	v37 =	vld.idx.msk [tilespmem:v2+s21+$0x0], $0xffff;
	v3 =	vor.u32 v51, v62  }
0x184: {  	[tilespmem:$0x1F8E0] =	vst v56;
	v56 =	vor.u32 v51, v61;
	v48 =	vor.u32 v51, v59;
	v51 =	vadd.f32 v9, v10;
	v9 =	vld [tilespmem:$0x1FCC0]  }
0x185: {  	v20 =	vadd.f32 v63, v26;
	v63 =	vld [tilespmem:$0x1F400]  }
0x186: {  	v4 =	vmul.f32 v51, v8;
	v51 =	vld [tilespmem:$0x1FE00]  }
0x187: {  	v60 =	vld.idx.msk [tilespmem:v27+s21+$0x0], $0xffff  }
0x188: {  	v8 =	vld.idx.msk [tilespmem:v3+s22+$0x0], $0xffff  }
0x189: {  	v0 =	vmul.f32 v55, v1;
	v10 =	vor.u32 v9, v61;
	v55 =	vld.idx.msk [tilespmem:v56+s24+$0x0], $0xffff  }
0x18a: {  	v15 =	vadd.f32 v15, v54;
	v56 =	vor.u32 v9, v62;
	v3 =	vld.idx.msk [tilespmem:v3+s21+$0x0], $0xffff  }
0x18b: {  	[tilespmem:$0x1F8F0] =	vst v38;
	v2 =	vld.idx.msk [tilespmem:v48+s25+$0x0], $0xffff  }
0x18c: {  	v38 =	vmul.f32 v15, v25;
	v15 =	vadd.f32 v4, v36;
	v14 =	vor.u32 v9, v59;
	[tilespmem:$0x1FA40] =	vst v60;
	v60 =	vld [tilespmem:$0x1F480]  }
0x18d: {  	[tilespmem:$0x1F940] =	vst v8;
	v8 =	vld [tilespmem:$0x1FDF0]  }
0x18e: {  	v28 =	vadd.f32 v17, v15;
	v17 =	vmul.f32 v22, v20;
	v22 =	vor.u32 v32, v59;
	v9 =	vld.idx.msk [tilespmem:v10+s24+$0x0], $0xffff  }
0x18f: {  	v42 =	vld.idx.msk [tilespmem:v56+s22+$0x0], $0xffff  }
0x190: {  	v19 =	vadd.f32 $0.0e+00, v19;
	[tilespmem:$0x1F930] =	vst v55;
	v1 =	vld.idx.msk [tilespmem:v56+s21+$0x0], $0xffff;
	v55 =	vor.u32 v51, v62  }
0x191: {  	v48 =	vld.idx.msk [tilespmem:v14+s25+$0x0], $0xffff  }
0x192: {  	[tilespmem:$0x1F960] =	vst v2;
	v56 =	vadd.f32 v11, v19;
	v2 =	vld [tilespmem:$0x1FCD0]  }
0x193: {  	v29 =	vadd.f32 v29, v40;
	v40 =	vld.idx.msk [tilespmem:v22+s25+$0x0], $0xffff  }
0x194: {  	v33 =	vor.u32 v32, v61;
	v32 =	vadd.f32 v17, v56;
	v56 =	vld.idx.msk [tilespmem:v27+s22+$0x0], $0xffff  }
0x195: {  	v21 =	vadd.f32 $0.0e+00, v38;
	[tilespmem:$0x1F920] =	vst v37;
	v37 =	vor.u32 v8, v61;
	v38 =	vld.idx.msk [tilespmem:v55+s22+$0x0], $0xffff  }
0x196: {  	v10 =	vor.u32 v8, v62;
	[tilespmem:$0x1F980] =	vst v42;
	v42 =	vld.idx.msk [tilespmem:v55+s21+$0x0], $0xffff  }
0x197: {  	[tilespmem:$0x1F9A0] =	vst v48;
	v48 =	vld [tilespmem:$0x1F3E0]  }
0x198: {  	v43 =	vor.u32 v8, v59;
	v8 =	vld [tilespmem:$0x1F7B0]  }
0x199: {  	v14 =	vor.u32 v51, v61;
	[tilespmem:$0x1FA30] =	vst v56;
	v56 =	vld [tilespmem:$0x1F470]  }
0x19a: {  	v54 =	vld.idx.msk [tilespmem:v37+s24+$0x0], $0xffff  }
0x19b: {  	v6 =	vld.idx.msk [tilespmem:v10+s22+$0x0], $0xffff  }
0x19c: {  	v7 =	vld.idx.msk [tilespmem:v10+s21+$0x0], $0xffff  }
0x19d: {  	[tilespmem:$0x1F990] =	vst v1;
	v1 =	vld.idx.msk [tilespmem:v43+s25+$0x0], $0xffff  }
0x19e: {  	v37 =	vld.idx.msk [tilespmem:v14+s24+$0x0], $0xffff  }
0x19f: {  	v49 =	vadd.f32 v50, v48;
	v50 =	vld [tilespmem:$0x1FE20]  }
0x1a0: {  	v43 =	vld [tilespmem:$0x1F3C0]  }
0x1a1: {  	[tilespmem:$0x1FA10] =	vst v42;
	v42 =	vld [tilespmem:$0x1FE30]  }
0x1a2: {  	v14 =	vld [tilespmem:$0x1FDA0]  }
0x1a3: {  	[tilespmem:$0x1F9B0] =	vst v54;
	v54 =	vld [tilespmem:$0x1F3F0]  }
0x1a4: {  	v23 =	vadd.f32 v23, v35;
	v19 =	vor.u32 v51, v59;
	v10 =	vld [tilespmem:$0x1FCF0];
	v51 =	vor.u32 v50, v61  }
0x1a5: {  	v36 =	vadd.f32 v34, v57;
	[tilespmem:$0x1F9E0] =	vst v1;
	v1 =	vld.idx.msk [tilespmem:v33+s24+$0x0], $0xffff;
	v55 =	vor.u32 v50, v62  }
0x1a6: {  	[tilespmem:$0x1F9C0] =	vst v6;
	v6 =	vld [tilespmem:$0x1F410]  }
0x1a7: {  	v20 =	vmul.f32 v23, v36;
	v23 =	vadd.f32 v46, v43;
	v43 =	vld [tilespmem:$0x1F430]  }
0x1a8: {  	v31 =	vadd.f32 v39, v54;
	v39 =	vld [tilespmem:$0x1F420]  }
0x1a9: {  	v48 =	vld.idx.msk [tilespmem:v51+s24+$0x0], $0xffff  }
0x1aa: {  	v23 =	vmul.f32 v49, v23;
	v49 =	vld.idx.msk [tilespmem:v55+s22+$0x0], $0xffff  }
0x1ab: {  	v35 =	vor.u32 v42, v62;
	[tilespmem:$0x1FA20] =	vst v1;
	v1 =	vld.idx.msk [tilespmem:v55+s21+$0x0], $0xffff  }
0x1ac: {  	v51 =	vld [tilespmem:$0x1F440]  }
0x1ad: {  	v27 =	vor.u32 v50, v59;
	v54 =	vld [tilespmem:$0x1F450]  }
0x1ae: {  	v55 =	vld [tilespmem:$0x1F460]  }
0x1af: {  	[tilespmem:$0x1F9D0] =	vst v7;
	v7 =	vadd.f32 v63, v6;
	v63 =	vld [tilespmem:$0x1F490]  }
0x1b0: {  	v30 =	vadd.f32 v30, v45;
	v45 =	vld.idx.msk [tilespmem:v35+s22+$0x0], $0xffff;
	v57 =	vmul.f32 v29, v31  }
0x1b1: {  	v6 =	vld [tilespmem:$0x1F500]  }
0x1b2: {  	v21 =	vadd.f32 v5, v21;
	v36 =	vadd.f32 v57, v28;
	v57 =	vld.idx.msk [tilespmem:v27+s25+$0x0], $0xffff  }
0x1b3: {  	v46 =	vadd.f32 v43, v44;
	v31 =	vor.u32 v42, v61;
	v29 =	vadd.f32 v58, v39;
	v58 =	vld [tilespmem:$0x1FE40]  }
0x1b4: {  	v24 =	vmul.f32 v12, v24;
	v0 =	vadd.f32 $0.0e+00, v0;
	[tilespmem:$0x1FA70] =	vst v49;
	v49 =	vld.idx.msk [tilespmem:v35+s21+$0x0], $0xffff  }
0x1b5: {  	v33 =	vadd.f32 v20, v21;
	v28 =	vmul.f32 v30, v46;
	v30 =	vadd.f32 v56, v55;
	v55 =	vld [tilespmem:$0x1F4D0]  }
0x1b6: {  	v0 =	vadd.f32 v24, v0;
	v24 =	vadd.f32 v60, v63;
	v60 =	vld [tilespmem:$0x1F4F0]  }
0x1b7: {  	[tilespmem:$0x1FA50] =	vst v40;
	v40 =	vadd.f32 v28, v33;
	v33 =	vld [tilespmem:$0x1F580]  }
0x1b8: {  	v44 =	vld.idx.msk [tilespmem:v31+s24+$0x0], $0xffff  }
0x1b9: {  	[tilespmem:$0x1FA80] =	vst v1;
	v1 =	vor.u32 v42, v59;
	v50 =	vmul.f32 v29, v7;
	v29 =	vadd.f32 v51, v54;
	v51 =	vld [tilespmem:$0x1F4B0]  }
0x1ba: {  	v54 =	vld [tilespmem:$0x1F4C0]  }
0x1bb: {  	v7 =	vadd.f32 v47, v6;
	v6 =	vld [tilespmem:$0x1F570]  }
0x1bc: {  	v39 =	vadd.f32 v50, v32;
	v50 =	vld [tilespmem:$0x1F4A0]  }
0x1bd: {  	[tilespmem:$0x1FA90] =	vst v57;
	v57 =	vld [tilespmem:$0x1FE50]  }
0x1be: {  	v1 =	vld.idx.msk [tilespmem:v1+s25+$0x0], $0xffff  }
0x1bf: {  	v34 =	vor.u32 v58, v61;
	v31 =	vor.u32 v58, v62;
	v35 =	vor.u32 v58, v59;
	v58 =	vld [tilespmem:$0x1F4E0]  }
0x1c0: {  	v56 =	vadd.f32 v55, v54;
	v54 =	vld [tilespmem:$0x1F530]  }
0x1c1: {  	v55 =	vld [tilespmem:$0x1F540]  }
0x1c2: {  	v25 =	vadd.f32 v41, v52;
	v52 =	vadd.f32 v50, v51;
	v50 =	vld [tilespmem:$0x1F510]  }
0x1c3: {  	v51 =	vld [tilespmem:$0x1F520]  }
0x1c4: {  	[tilespmem:$0x1FA60] =	vst v48;
	v48 =	vmul.f32 v25, v24;
	v24 =	vld.idx.msk [tilespmem:v34+s24+$0x0], $0xffff  }
0x1c5: {  	[tilespmem:$0x1FA00] =	vst v38;
	v25 =	vld.idx.msk [tilespmem:v31+s22+$0x0], $0xffff  }
0x1c6: {  	[tilespmem:$0x1FAC0] =	vst v49;
	v49 =	vld.idx.msk [tilespmem:v31+s21+$0x0], $0xffff  }
0x1c7: {  	[tilespmem:$0x1FAA0] =	vst v44;
	v44 =	vadd.f32 v48, v36;
	v36 =	vld.idx.msk [tilespmem:v35+s25+$0x0], $0xffff  }
0x1c8: {  	v43 =	vor.u32 v57, v62;
	v38 =	vor.u32 v57, v59;
	[tilespmem:$0x1FAD0] =	vst v1;
	v1 =	vor.u32 v57, v61;
	v57 =	vld [tilespmem:$0x1FE60]  }
0x1c9: {  	v63 =	vadd.f32 v58, v60;
	v58 =	vld [tilespmem:$0x1F550]  }
0x1ca: {  	v60 =	vld [tilespmem:$0x1F560]  }
0x1cb: {  	v34 =	vld [tilespmem:$0x1F590]  }
0x1cc: {  	v48 =	vmul.f32 v7, v63;
	v7 =	vadd.f32 v53, v6;
	v53 =	vld [tilespmem:$0x1F5B0]  }
0x1cd: {  	v26 =	vmul.f32 v56, v52;
	v56 =	vadd.f32 v55, v54;
	v55 =	vld [tilespmem:$0x1FE70]  }
0x1ce: {  	v32 =	vld.idx.msk [tilespmem:v43+s21+$0x0], $0xffff  }
0x1cf: {  	[tilespmem:$0x1F9F0] =	vst v37;
	v37 =	vld.idx.msk [tilespmem:v38+s25+$0x0], $0xffff  }
0x1d0: {  	v48 =	vadd.f32 v48, v40;
	v40 =	vld [tilespmem:$0x1F650]  }
0x1d1: {  	v1 =	vld.idx.msk [tilespmem:v1+s24+$0x0], $0xffff  }
0x1d2: {  	[tilespmem:$0x1FAE0] =	vst v24;
	v24 =	vld.idx.msk [tilespmem:v43+s22+$0x0], $0xffff  }
0x1d3: {  	v52 =	vadd.f32 v50, v51;
	v63 =	vadd.f32 v58, v60;
	v60 =	vld [tilespmem:$0x1F5E0]  }
0x1d4: {  	v35 =	vadd.f32 v33, v34;
	v34 =	vld [tilespmem:$0x1FE80]  }
0x1d5: {  	[tilespmem:$0x1FAF0] =	vst v25;
	v25 =	vmul.f32 v56, v52;
	v52 =	vld [tilespmem:$0x1F5A0]  }
0x1d6: {  	v56 =	vld [tilespmem:$0x1F5C0]  }
0x1d7: {  	[tilespmem:$0x1FAB0] =	vst v45;
	v47 =	vadd.f32 v26, v39;
	v45 =	vor.u32 v57, v61;
	v26 =	vmul.f32 v7, v63;
	v63 =	vld [tilespmem:$0x1F5F0]  }
0x1d8: {  	v7 =	vld [tilespmem:$0x1F600]  }
0x1d9: {  	v42 =	vor.u32 v57, v59;
	v51 =	vadd.f32 v26, v44;
	v26 =	vld [tilespmem:$0x1F620]  }
0x1da: {  	[tilespmem:$0x1FB30] =	vst v32;
	v32 =	vld [tilespmem:$0x1F630]  }
0x1db: {  	[tilespmem:$0x1FB10] =	vst v1;
	v1 =	vor.u32 v57, v62;
	v57 =	vld [tilespmem:$0x1F5D0]  }
0x1dc: {  	v38 =	vld.idx.msk [tilespmem:v45+s24+$0x0], $0xffff  }
0x1dd: {  	[tilespmem:$0x1FB20] =	vst v24;
	v24 =	vld [tilespmem:$0x1F610]  }
0x1de: {  	v0 =	vadd.f32 v13, v0;
	v43 =	vld.idx.msk [tilespmem:v42+s25+$0x0], $0xffff  }
0x1df: {  	v54 =	vadd.f32 v53, v52;
	v52 =	vld [tilespmem:$0x1F790]  }
0x1e0: {  	v0 =	vadd.f32 v23, v0;
	v46 =	vmul.f32 v30, v29;
	v6 =	vadd.f32 v63, v60;
	v60 =	vld [tilespmem:$0x1F660]  }
0x1e1: {  	v63 =	vld [tilespmem:$0x1F670]  }
0x1e2: {  	v0 =	vadd.f32 v46, v0;
	v46 =	vor.u32 v55, v61;
	v44 =	vmul.f32 v54, v35;
	v35 =	vld [tilespmem:$0x1F640]  }
0x1e3: {  	v45 =	vor.u32 v55, v62;
	v54 =	vld [tilespmem:$0x1F6C0]  }
0x1e4: {  	v33 =	vadd.f32 v32, v26;
	v32 =	vld [tilespmem:$0x1F680]  }
0x1e5: {  	v39 =	vld.idx.msk [tilespmem:v1+s22+$0x0], $0xffff  }
0x1e6: {  	v53 =	vor.u32 v34, v61;
	v41 =	vld.idx.msk [tilespmem:v1+s21+$0x0], $0xffff  }
0x1e7: {  	v0 =	vadd.f32 v25, v0;
	v25 =	vadd.f32 v7, v24;
	v7 =	vld.idx.msk [tilespmem:v46+s24+$0x0], $0xffff  }
0x1e8: {  	v24 =	vld.idx.msk [tilespmem:v45+s22+$0x0], $0xffff  }
0x1e9: {  	v58 =	vadd.f32 v56, v57;
	v57 =	vadd.f32 v44, v47;
	v44 =	vld.idx.msk [tilespmem:v45+s21+$0x0], $0xffff  }
0x1ea: {  	v1 =	vor.u32 v55, v59;
	v55 =	vld [tilespmem:$0x1F6D0]  }
0x1eb: {  	v45 =	vld.idx.msk [tilespmem:v53+s24+$0x0], $0xffff  }
0x1ec: {  	v25 =	vmul.f32 v33, v25;
	v33 =	vld [tilespmem:$0x1F690]  }
0x1ed: {  	[tilespmem:$0x1FB00] =	vst v49;
	v56 =	vor.u32 v34, v62;
	v49 =	vmul.f32 v6, v58;
	v42 =	vadd.f32 v35, v40;
	v35 =	vld [tilespmem:$0x1F6A0]  }
0x1ee: {  	v40 =	vld [tilespmem:$0x1F6B0]  }
0x1ef: {  	v6 =	vadd.f32 v63, v60;
	v58 =	vadd.f32 v49, v48;
	v48 =	vld [tilespmem:$0x1FD90]  }
0x1f0: {  	v46 =	vld.idx.msk [tilespmem:v1+s25+$0x0], $0xffff  }
0x1f1: {  	v26 =	vmul.f32 v6, v42;
	v6 =	vadd.f32 v25, v0;
	v25 =	vld [tilespmem:$0x1F6E0]  }
0x1f2: {  	v47 =	vld.idx.msk [tilespmem:v56+s22+$0x0], $0xffff  }
0x1f3: {  	v49 =	vor.u32 v34, v59;
	[tilespmem:$0x1FB40] =	vst v7;
	v7 =	vld [tilespmem:$0x1F720]  }
0x1f4: {  	[tilespmem:$0x1FB50] =	vst v24;
	v24 =	vld [tilespmem:$0x1F730]  }
0x1f5: {  	v60 =	vadd.f32 v26, v51;
	v26 =	vld [tilespmem:$0x1F6F0]  }
0x1f6: {  	v34 =	vadd.f32 v32, v33;
	v33 =	vld [tilespmem:$0x1F700]  }
0x1f7: {  	v42 =	vadd.f32 v40, v35;
	v40 =	vld.idx.msk [tilespmem:v56+s21+$0x0], $0xffff  }
0x1f8: {  	v1 =	vor.u32 v2, v61;
	v51 =	vld.idx.msk [tilespmem:v49+s25+$0x0], $0xffff  }
0x1f9: {  	v49 =	vld [tilespmem:$0x1F780]  }
0x1fa: {  	v50 =	vmul.f32 v42, v34;
	v34 =	vld [tilespmem:$0x1F710]  }
0x1fb: {  	v42 =	vld [tilespmem:$0x1F770]  }
0x1fc: {  	v53 =	vor.u32 v2, v62;
	v32 =	vadd.f32 v26, v25;
	v26 =	vld [tilespmem:$0x1FD00]  }
0x1fd: {  	v57 =	vadd.f32 v50, v57;
	v50 =	vld.idx.msk [tilespmem:v1+s24+$0x0], $0xffff  }
0x1fe: {  	v63 =	vadd.f32 v54, v55;
	v25 =	vadd.f32 v24, v7;
	v24 =	vld [tilespmem:$0x1F7A0]  }
0x1ff: {  	v7 =	vld [tilespmem:$0x1F820]  }
0x200: {  	v63 =	vmul.f32 v32, v63;
	v32 =	vld [tilespmem:$0x1FDB0]  }
0x201: {  	[tilespmem:$0x1F950] =	vst v3;
	v3 =	vadd.f32 v49, v52;
	v52 =	vld.idx.msk [tilespmem:v53+s21+$0x0], $0xffff  }
0x202: {  	v35 =	vadd.f32 v33, v34;
	v33 =	vld [tilespmem:$0x1F740]  }
0x203: {  	v34 =	vld [tilespmem:$0x1F750]  }
0x204: {  	v54 =	vmul.f32 v25, v35;
	v35 =	vld [tilespmem:$0x1F760]  }
0x205: {  	v56 =	vor.u32 v2, v59;
	v2 =	vadd.f32 v8, v24;
	v24 =	vld [tilespmem:$0x1F830]  }
0x206: {  	v17 =	vsel vm0, v32, v14;
	v32 =	vld [tilespmem:$0x1F7C0]  }
0x207: {  	[tilespmem:$0x1F970] =	vst v9;
	v9 =	vadd.f32 v54, v6;
	v6 =	vld [tilespmem:$0x1F810]  }
0x208: {  	v5 =	vor.u32 v26, v61;
	v55 =	vadd.f32 v33, v34;
	v33 =	vld [tilespmem:$0x1F7D0]  }
0x209: {  	v25 =	vor.u32 v26, v59;
	v34 =	vld [tilespmem:$0x1F7E0]  }
0x20a: {  	v0 =	vcombine.low v48, v17;
	v48 =	vld [tilespmem:$0x1F7F0]  }
0x20b: {  	v1 =	vor.u32 v26, v62;
	v4 =	vadd.f32 v42, v35;
	v42 =	vld.idx.msk [tilespmem:v53+s22+$0x0], $0xffff  }
0x20c: {  	v2 =	vmul.f32 v2, v3;
	v35 =	vld.idx.msk [tilespmem:v56+s25+$0x0], $0xffff  }
0x20d: {  	v54 =	vld.idx.msk [tilespmem:v5+s24+$0x0], $0xffff  }
0x20e: {  	v11 =	vadd.f32 v2, v57;
	v26 =	vor.u32 v0, v61;
	v57 =	vld.idx.msk [tilespmem:v25+s25+$0x0], $0xffff  }
0x20f: {  	v25 =	vld [tilespmem:$0x1FC90]  }
0x210: {  	v4 =	vmul.f32 v4, v55;
	v55 =	vld.idx.msk [tilespmem:v1+s22+$0x0], $0xffff  }
0x211: {  	v49 =	vadd.f32 v48, v34;
	v34 =	vld.idx.msk [tilespmem:v1+s21+$0x0], $0xffff  }
0x212: {  	v5 =	vadd.f32 v32, v33;
	v32 =	vld [tilespmem:$0x1F840]  }
0x213: {  	v12 =	vor.u32 v0, v59;
	v33 =	vld.idx.msk [tilespmem:v26+s24+$0x0], $0xffff  }
0x214: {  	v26 =	vld [tilespmem:$0x1FCA0]  }
0x215: {  	v48 =	vld [tilespmem:$0x1F850]  }
0x216: {  	v8 =	vadd.f32 v4, v60;
	v4 =	vld [tilespmem:$0x1F800]  }
0x217: {  	v60 =	vadd.f32 v24, v7;
	v24 =	vld [tilespmem:$0x1F860]  }
0x218: {  	v30 =	vld.idx.msk [tilespmem:v12+s25+$0x0], $0xffff  }
0x219: {  	v58 =	vadd.f32 v63, v58;
	v63 =	vsel vm0, v26, v25;
	v25 =	vld [tilespmem:$0x1F870]  }
0x21a: {  	v5 =	vmul.f32 v49, v5;
	v49 =	vadd.f32 v32, v48;
	v32 =	vld [tilespmem:$0x1F880]  }
0x21b: {  	v48 =	vld [tilespmem:$0x1F890]  }
0x21c: {  	v3 =	vor.u32 v0, v62;
	v56 =	vadd.f32 v4, v6;
	v6 =	vld [tilespmem:$0x1FD20]  }
0x21d: {  	v26 =	vld [tilespmem:$0x1FD30]  }
0x21e: {  	v1 =	vadd.f32 v25, v24;
	v24 =	vld [tilespmem:$0x1F8A0]  }
0x21f: {  	v25 =	vld [tilespmem:$0x1F8B0]  }
0x220: {  	v4 =	vld [tilespmem:$0x1F8E0]  }
0x221: {  	v13 =	vadd.f32 v5, v58;
	v58 =	vmul.f32 v60, v56;
	v56 =	vld.idx.msk [tilespmem:v3+s21+$0x0], $0xffff  }
0x222: {  	v5 =	vmul.f32 v1, v49;
	v49 =	vadd.f32 v32, v48;
	v32 =	vld [tilespmem:$0x1FCE0]  }
0x223: {  	v12 =	vadd.f32 v58, v9;
	v58 =	vld [tilespmem:$0x1F8D0]  }
0x224: {  	v0 =	vcombine.low v63, v26;
	v48 =	vld [tilespmem:$0x1FD40];
	v26 =	vadd.f32 v25, v24  }
0x225: {  	v24 =	vld [tilespmem:$0x1F8F0]  }
0x226: {  	v15 =	vadd.f32 v5, v8;
	v5 =	vmul.f32 v26, v49;
	v26 =	vld [tilespmem:$0x1F900]  }
0x227: {  	v7 =	vor.u32 v0, v61;
	v1 =	vsel vm0, v10, v32;
	v32 =	vld [tilespmem:$0x1F910]  }
0x228: {  	v49 =	vld [tilespmem:$0x1F8C0]  }
0x229: {  	v63 =	vld.idx.msk [tilespmem:v3+s22+$0x0], $0xffff  }
0x22a: {  	v8 =	vcombine.low v1, v48;
	v48 =	vld [tilespmem:$0x1F920]  }
0x22b: {  	v25 =	vadd.f32 v24, v4;
	v24 =	vld [tilespmem:$0x1F930]  }
0x22c: {  	v53 =	vor.u32 v6, v61;
	v1 =	vadd.f32 v26, v32;
	v32 =	vld.idx.msk [tilespmem:v7+s24+$0x0], $0xffff  }
0x22d: {  	v2 =	vor.u32 v6, v62;
	v60 =	vor.u32 v6, v59;
	v6 =	vadd.f32 v49, v58;
	v49 =	vld [tilespmem:$0x1FD80]  }
0x22e: {  	v26 =	vld [tilespmem:$0x1F950]  }
0x22f: {  	v3 =	vor.u32 v0, v62;
	v16 =	vadd.f32 v18, v48;
	v48 =	vld [tilespmem:$0x1F960]  }
0x230: {  	v7 =	vmul.f32 v25, v6;
	v6 =	vld [tilespmem:$0x1FDC0]  }
0x231: {  	v25 =	vld [tilespmem:$0x1F940];
	_ =	sdelay $0x2  }
0x232: {  	v10 =	vor.u32 v0, v59;
	v28 =	vld.idx.msk [tilespmem:v3+s22+$0x0], $0xffff  }
0x233: {  	v9 =	vor.u32 v8, v61;
	v0 =	vsel vm0, v14, v49;
	v58 =	vadd.f32 v48, v26;
	v26 =	vld [tilespmem:$0x1F9A0]  }
0x234: {  	v0 =	vcombine.low v0, v6;
	v6 =	vmul.f32 v16, v1;
	v16 =	vadd.f32 v24, v25;
	v24 =	vld [tilespmem:$0x1F990]  }
0x235: {  	v27 =	vld.idx.msk [tilespmem:v3+s21+$0x0], $0xffff  }
0x236: {  	v49 =	vld [tilespmem:$0x1F970]  }
0x237: {  	v14 =	vadd.f32 v5, v11;
	v5 =	vld [tilespmem:$0x1F980]  }
0x238: {  	v48 =	vld [tilespmem:$0x1FD60]  }
0x239: {  	v3 =	vadd.f32 v26, v24;
	v26 =	vld.idx.msk [tilespmem:v9+s24+$0x0], $0xffff  }
0x23a: {  	v9 =	vld [tilespmem:$0x1FD10];
	_ =	sdelay $0x2  }
0x23b: {  	v11 =	vadd.f32 v7, v13;
	v13 =	vmul.f32 v58, v16;
	v58 =	vld [tilespmem:$0x1F9B0]  }
0x23c: {  	v5 =	vadd.f32 v49, v5;
	v49 =	vld [tilespmem:$0x1FDD0]  }
0x23d: {  	v1 =	vsel vm0, v48, v9;
	v48 =	vld [tilespmem:$0x1F9C0];
	_ =	sdelay $0x3  }
0x23e: {  	v1 =	vcombine.low v1, v49;
	v49 =	vld [tilespmem:$0x1F9D0]  }
0x23f: {  	v12 =	vadd.f32 v6, v12;
	v6 =	vmul.f32 v3, v5;
	v5 =	vadd.f32 v58, v48;
	v58 =	vld [tilespmem:$0x1F9E0];
	_ =	sdelay $0x1  }
0x240: {  	v4 =	vor.u32 v8, v62;
	_ =	sdelay $0x1  }
0x241: {  	v48 =	vld [tilespmem:$0x1F9F0]  }
0x242: {  	v16 =	vadd.f32 v58, v49;
	v49 =	vld [tilespmem:$0x1FA00]  }
0x243: {  	v19 =	vld.idx.msk [tilespmem:v19+s25+$0x0], $0xffff  }
0x244: {  	v23 =	vld.idx.msk [tilespmem:v4+s21+$0x0], $0xffff  }
0x245: {  	v25 =	vld.idx.msk [tilespmem:v10+s25+$0x0], $0xffff;
	v10 =	vor.u32 v0, v61  }
0x246: {  	v24 =	vld.idx.msk [tilespmem:v4+s22+$0x0], $0xffff  }
0x247: {  	v4 =	vadd.f32 v48, v49;
	v48 =	vld [tilespmem:$0x1FA10];
	_ =	sdelay $0x1  }
0x248: {  	v7 =	vor.u32 v0, v59  }
0x249: {  	v21 =	vld.idx.msk [tilespmem:v10+s24+$0x0], $0xffff  }
0x24a: {  	v10 =	vmul.f32 v16, v5;
	v5 =	vld [tilespmem:$0x1FA20]  }
0x24b: {  	v49 =	vadd.f32 v19, v48;
	v48 =	vld [tilespmem:$0x1FA30];
	_ =	sdelay $0x1  }
0x24c: {  	v18 =	vld.idx.msk [tilespmem:v7+s25+$0x0], $0xffff  }
0x24d: {  	v7 =	vld [tilespmem:$0x1FA60]  }
0x24e: {  	v9 =	vadd.f32 v6, v14;
	v6 =	vmul.f32 v49, v4;
	v49 =	vld [tilespmem:$0x1FA40]  }
0x24f: {  	v4 =	vadd.f32 v5, v48;
	v5 =	vld [tilespmem:$0x1FA50]  }
0x250: {  	v48 =	vld [tilespmem:$0x1FA70]  }
0x251: {  	v44 =	vadd.f32 v46, v44;
	v46 =	vld [tilespmem:$0x1FFC0]  }
0x252: {  	v42 =	vadd.f32 v50, v42;
	v50 =	vld [tilespmem:$0x1FFD0]  }
0x253: {  	v31 =	vld.idx.msk [tilespmem:v2+s22+$0x0], $0xffff  }
0x254: {  	v29 =	vld.idx.msk [tilespmem:v2+s21+$0x0], $0xffff;
	v8 =	vor.u32 v8, v59;
	v13 =	vadd.f32 v13, v15  }
0x255: {  	v2 =	vor.u32 v0, v62;
	v15 =	vadd.f32 v5, v49;
	v49 =	vadd.f32 v7, v48;
	v7 =	vld [tilespmem:$0x1FA80]  }
0x256: {  	v48 =	vld [tilespmem:$0x1FA90]  }
0x257: {  	v30 =	vadd.f32 v30, v56;
	v56 =	vld [tilespmem:$0x1FFE0]  }
0x258: {  	v53 =	vld.idx.msk [tilespmem:v53+s24+$0x0], $0xffff  }
0x259: {  	v22 =	vld.idx.msk [tilespmem:v8+s25+$0x0], $0xffff  }
0x25a: {  	v34 =	vadd.f32 v57, v34;
	v57 =	vor.u32 v50, v59;
	v20 =	vld.idx.msk [tilespmem:v2+s22+$0x0], $0xffff  }
0x25b: {  	v0 =	vor.u32 v1, v62;
	v19 =	vld.idx.msk [tilespmem:v2+s21+$0x0], $0xffff;
	v2 =	vadd.f32 v48, v7  }
0x25c: {  	v7 =	vld [tilespmem:$0x1FAB0]  }
0x25d: {  	v11 =	vadd.f32 v10, v11;
	v10 =	vadd.f32 v6, v12;
	v6 =	vmul.f32 v2, v49;
	v49 =	vld [tilespmem:$0x1FAA0]  }
0x25e: {  	v60 =	vld.idx.msk [tilespmem:v60+s25+$0x0], $0xffff  }
0x25f: {  	v22 =	vadd.f32 v22, v23;
	v23 =	vld.idx.msk [tilespmem:v57+s25+$0x0], $0xffff;
	v8 =	vor.u32 v1, v59  }
0x260: {  	v14 =	vld.idx.msk [tilespmem:v0+s22+$0x0], $0xffff  }
0x261: {  	v5 =	vld [tilespmem:$0x1FD50]  }
0x262: {  	v12 =	vadd.f32 v49, v7;
	v49 =	vld [tilespmem:$0x1FAC0]  }
0x263: {  	v31 =	vadd.f32 v53, v31;
	v29 =	vadd.f32 v60, v29;
	v7 =	vld [tilespmem:$0x1FAD0]  }
0x264: {  	v8 =	vld.idx.msk [tilespmem:v8+s25+$0x0], $0xffff;
	v58 =	vor.u32 v1, v61  }
0x265: {  	v29 =	vmul.f32 v29, v31;
	v31 =	vor.u32 v56, v59;
	v48 =	vld.idx.msk [tilespmem:v0+s21+$0x0], $0xffff  }
0x266: {  	v0 =	vld [tilespmem:$0x1FD70]  }
0x267: {  	v20 =	vadd.f32 v21, v20;
	v16 =	vor.u32 v5, v61;
	v2 =	vld [tilespmem:$0x1FAE0]  }
0x268: {  	v18 =	vadd.f32 v18, v19;
	v4 =	vmul.f32 v15, v4;
	v15 =	vadd.f32 v7, v49;
	v49 =	vld [tilespmem:$0x1FAF0]  }
0x269: {  	v58 =	vld.idx.msk [tilespmem:v58+s24+$0x0], $0xffff;
	v1 =	vor.u32 v5, v62  }
0x26a: {  	v18 =	vmul.f32 v18, v20;
	v20 =	vld.idx.msk [tilespmem:v31+s25+$0x0], $0xffff  }
0x26b: {  	v5 =	vor.u32 v5, v59;
	v6 =	vadd.f32 v6, v9;
	v9 =	vld [tilespmem:$0x1FDE0]  }
0x26c: {  	v16 =	vld.idx.msk [tilespmem:v16+s24+$0x0], $0xffff  }
0x26d: {  	v3 =	vor.u32 v0, v62;
	v2 =	vadd.f32 v2, v49;
	v49 =	vld [tilespmem:$0x1FB00]  }
0x26e: {  	v4 =	vadd.f32 v4, v13;
	v13 =	vld.idx.msk [tilespmem:v1+s22+$0x0], $0xffff  }
0x26f: {  	v1 =	vld.idx.msk [tilespmem:v1+s21+$0x0], $0xffff  }
0x270: {  	v5 =	vld.idx.msk [tilespmem:v5+s25+$0x0], $0xffff  }
0x271: {  	v9 =	vcombine.low v17, v9;
	v17 =	vld [tilespmem:$0x1FB20];
	v7 =	vor.u32 v0, v61  }
0x272: {  	v12 =	vmul.f32 v15, v12;
	v15 =	vor.u32 v0, v59;
	v0 =	vld.idx.msk [tilespmem:v3+s21+$0x0], $0xffff;
	v36 =	vadd.f32 v36, v49  }
0x273: {  	v38 =	vadd.f32 v38, v39;
	v39 =	vadd.f32 v43, v41;
	v49 =	vld [tilespmem:$0x1FB10]  }
0x274: {  	v2 =	vmul.f32 v36, v2;
	v36 =	vld [tilespmem:$0x1FB30]  }
0x275: {  	v11 =	vadd.f32 v12, v11;
	v12 =	vmul.f32 v39, v38;
	v38 =	vld [tilespmem:$0x1FB40]  }
0x276: {  	v39 =	vld [tilespmem:$0x1FB50]  }
0x277: {  	v43 =	vor.u32 v9, v61;
	v41 =	vld.idx.msk [tilespmem:v7+s24+$0x0], $0xffff  }
0x278: {  	v15 =	vld.idx.msk [tilespmem:v15+s25+$0x0], $0xffff  }
0x279: {  	v17 =	vadd.f32 v49, v17;
	v49 =	vld.idx.msk [tilespmem:v3+s22+$0x0], $0xffff;
	v36 =	vadd.f32 v37, v36;
	v37 =	vor.u32 v9, v62  }
0x27a: {  	v2 =	vadd.f32 v2, v10;
	v3 =	vadd.f32 v12, v6;
	v12 =	vld [tilespmem:$0x1FFC0]  }
0x27b: {  	v9 =	vor.u32 v9, v59;
	v10 =	vmul.f32 v36, v17;
	v36 =	vadd.f32 v45, v47;
	v47 =	vld [tilespmem:$0x1FFC0]  }
0x27c: {  	v17 =	vadd.f32 v38, v39;
	v38 =	vor.u32 v46, v62;
	v39 =	vadd.f32 v51, v40;
	v40 =	vld.idx.msk [tilespmem:v43+s24+$0x0], $0xffff  }
0x27d: {  	v51 =	vld [tilespmem:$0x1FFF0]  }
0x27e: {  	v45 =	vor.u32 v50, v62;
	v4 =	vadd.f32 v10, v4;
	v10 =	vld.idx.msk [tilespmem:v37+s22+$0x0], $0xffff  }
0x27f: {  	v12 =	vor.u32 v12, v61;
	v37 =	vld.idx.msk [tilespmem:v37+s21+$0x0], $0xffff  }
0x280: {  	v33 =	vadd.f32 v33, v63;
	v9 =	vld.idx.msk [tilespmem:v9+s25+$0x0], $0xffff  }
0x281: {  	v35 =	vadd.f32 v35, v52;
	v17 =	vmul.f32 v44, v17;
	v43 =	vor.u32 v47, v59;
	v46 =	vld.idx.msk [tilespmem:v38+s22+$0x0], $0xffff  }
0x282: {  	v30 =	vmul.f32 v30, v33;
	v25 =	vadd.f32 v25, v27;
	v47 =	vor.u32 v50, v61;
	v33 =	vld.idx.msk [tilespmem:v38+s21+$0x0], $0xffff  }
0x283: {  	v7 =	vadd.f32 v17, v11;
	v17 =	vmul.f32 v39, v36;
	v50 =	vor.u32 v56, v61;
	v27 =	vld.idx.msk [tilespmem:v45+s21+$0x0], $0xffff  }
0x284: {  	v55 =	vadd.f32 v54, v55;
	v54 =	vor.u32 v51, v62;
	v12 =	vld.idx.msk [tilespmem:v12+s24+$0x0], $0xffff  }
0x285: {  	v35 =	vmul.f32 v35, v42;
	v21 =	vor.u32 v51, v61;
	v2 =	vadd.f32 v17, v2;
	v17 =	vld.idx.msk [tilespmem:v45+s22+$0x0], $0xffff  }
0x286: {  	v34 =	vmul.f32 v34, v55;
	v28 =	vadd.f32 v32, v28;
	v13 =	vadd.f32 v16, v13;
	v63 =	vld.idx.msk [tilespmem:v43+s25+$0x0], $0xffff  }
0x287: {  	v1 =	vadd.f32 v5, v1;
	v16 =	vor.u32 v51, v59;
	v7 =	vadd.f32 v30, v7;
	v30 =	vld.idx.msk [tilespmem:v47+s24+$0x0], $0xffff  }
0x288: {  	v14 =	vadd.f32 v58, v14;
	v8 =	vadd.f32 v8, v48;
	v43 =	vor.u32 v56, v62;
	v11 =	vld.idx.msk [tilespmem:v50+s24+$0x0], $0xffff  }
0x289: {  	v25 =	vmul.f32 v25, v28;
	v24 =	vadd.f32 v26, v24;
	v1 =	vmul.f32 v1, v13;
	v13 =	vld.idx.msk [tilespmem:v54+s22+$0x0], $0xffff  }
0x28a: {  	v8 =	vmul.f32 v8, v14;
	v4 =	vadd.f32 v35, v4;
	v2 =	vadd.f32 v29, v2;
	v14 =	vld.idx.msk [tilespmem:v21+s24+$0x0], $0xffff  }
0x28b: {  	v22 =	vmul.f32 v22, v24;
	v0 =	vadd.f32 v15, v0;
	v3 =	vadd.f32 v34, v3;
	v56 =	vld.idx.msk [tilespmem:v54+s21+$0x0], $0xffff  }
0x28c: {  	v4 =	vadd.f32 v25, v4;
	v2 =	vadd.f32 v8, v2;
	v8 =	vld.idx.msk [tilespmem:v16+s25+$0x0], $0xffff  }
0x28d: {  	v3 =	vadd.f32 v22, v3;
	v57 =	vadd.f32 v41, v49;
	v19 =	vld.idx.msk [tilespmem:v43+s22+$0x0], $0xffff  }
0x28e: {  	v7 =	vadd.f32 v18, v7;
	v1 =	vadd.f32 v1, v4;
	v55 =	vld.idx.msk [tilespmem:v43+s21+$0x0], $0xffff  }
0x28f: {  	v15 =	vld [tilespmem:s11+$0x0];
	v10 =	vadd.f32 v40, v10;
	v9 =	vadd.f32 v9, v37  }
0x290: {  	v18 =	vadd.f32 v23, v27;
	v62 =	vld [tilespmem:$0x1FB60];
	v12 =	vadd.f32 v12, v46  }
0x291: {  	v0 =	vmul.f32 v0, v57;
	v16 =	vadd.f32 v63, v33;
	v17 =	vadd.f32 v30, v17  }
0x292: {  	v9 =	vmul.f32 v9, v10;
	v10 =	vadd.f32 v14, v13;
	v4 =	vadd.f32 v8, v56  }
0x293: {  	v58 =	vadd.f32 v11, v19;
	v5 =	vadd.f32 v20, v55  }
0x294: {  	v0 =	vadd.f32 v0, v3;
	v59 =	vmul.f32 v16, v12;
	v8 =	vmul.f32 v18, v17  }
0x295: {  	v7 =	vadd.f32 v9, v7;
	v4 =	vmul.f32 v4, v10;
	v5 =	vmul.f32 v5, v58  }
0x296: {  	v2 =	vadd.f32 v59, v2;
	v1 =	vadd.f32 v8, v1  }
0x297: {  	v61 =	vld.idx.msk [tilespmem:v15+s26+$0x0], $0xffff;
	v60 =	vadd.f32 v4, v7;
	v0 =	vadd.f32 v5, v0  }
0x298: {  	v5 =	vld.idx.msk [tilespmem:v62+s28+$0x0], $0xffff  }
0x299: {  	v1 =	vadd.f32 v1, v2;
	v0 =	vadd.f32 v60, v0;
	_ =	sdelay $0x1  }
0x29a: {  	v0 =	vadd.f32 v0, v1;
	_ =	sdelay $0x1  }
0x29b: {  	v63 =	vadd.f32 v5, v61;
	v0 =	vmul.f32 $8.333333580e-02, v0;
	_ =	sdelay $0x1  }
0x29c: {  	v0 =	vadd.f32 v0, v63;
	_ =	sdelay $0x1  }
0x29d: {  	v0 =	vsub.f32 $0.0e+00, v0;
	_ =	sdelay $0x1  }
0x29e: {  	v0 =	vmul.f32 $1.442695020e+00, v0;
	_ =	sdelay $0x1  }
0x29f: {  	(erf) = vpow2.f32 v0;
	_ =	sdelay $0x6  }
0x2a0: {  	v52 =	vld [tilespmem:$0x1FF90]  }
0x2a1: {  	v53 =	vld [tilespmem:$0x1FFA0]  }
0x2a2: {  	v44 =	vld [tilespmem:$0x1FF60];
	v0 =	vpop (erf)  }
0x2a3: {  	v39 =	vld [tilespmem:$0x1FF40];
	v0 =	vadd.f32 $1.000000000e+00, v0  }
0x2a4: {  	v15 =	vld [tilespmem:$0x1FEC0]  }
0x2a5: {  	v45 =	vld [tilespmem:$0x1FF70];
	(erf) = vrcp.f32 v0  }
0x2a6: {  	v29 =	vld [tilespmem:$0x1FF20]  }
0x2a7: {  	v40 =	vld [tilespmem:$0x1FF50]  }
0x2a8: {  	v47 =	vld [tilespmem:$0x1FF80]  }
0x2a9: {  	v21 =	vld [tilespmem:$0x1FF00]  }
0x2aa: {  	v23 =	vld [tilespmem:$0x1FF10]  }
0x2ab: {  	v30 =	vld [tilespmem:$0x1FF30]  }
0x2ac: {  	p0 =	sne.s32 s19, $0x1F0;
	v14 =	vld [tilespmem:$0x1FEB0]  }
.Ltmp0:
0x2ad: {  	v13 =	vld [tilespmem:$0x1FEA0];
	(pc) =	sbr.rel @p0 .LBB2_2-.Ltmp0, $4  }
0x2ae: {  	v16 =	vld [tilespmem:$0x1FED0];
	v0 =	vpop (erf)  }
0x2af: {  	s4 =	sadd.s32 $0x10, s4;
	s5 =	sadd.s32 $0x10, s5;
	v12 =	vld [tilespmem:$0x1FE90];
	v0 =	vmul.f32 $5.000000000e+00, v0  }
0x2b0: {  	s7 =	sadd.s32 $0x10, s7;
	s8 =	sadd.s32 $0x10, s8;
	s9 =	sadd.s32 $0x10, s9;
	v17 =	vld [tilespmem:$0x1FEE0]  }
0x2b1: {  	s19 =	sadd.s32 $0x10, s19;
	s11 =	sadd.s32 $0x10, s11;
	v11 =	vlaneseq.u32;
	v20 =	vld [tilespmem:$0x1FEF0];
	[tilespmem:s10+$0x0] =	vst v0;
	s10 =	sadd.s32 $0x10, s10  }
0x2b2: {  	s23 =	sadd.s32 $0x1, s23  }
0x2b3: {  	p0 =	sne.s32 s23, s17  }
.Ltmp1:
0x2b4: {  	s4 =	simm.s32 $0x16500;
	(pc) =	sbr.rel @p0 .LBB2_1-.Ltmp1, $4  }
0x2b5: {  	[hbm4b:s16+s1] =	stream.linear.scatter [tilespmem:s4], [sflag:$0x6], $0x200, $0x38;
	[tilespmem:$0x16700] =	vst v63  }
0x2b6: {  	_ =	swait.ge [sflag:s18], $0x200  }
0x2b7: {  	[sflag:s18] =	ssyncset.done $0x0  }
0x2b8: {  	[sflag:s18] =	ssyncadd.s32 $0xFFFFFE00  }
0x2b9: {  	_ =	sfence.sel $0x180000  }
0x2ba: {  	[bflag:$0x0] =	sbarrier.arrive $0xFFFF  }
0x2bb: {  	_ =	strace $0x90000047  }
0x2bc: {  	s0 =	stileid.u32;
	[bflag:$0x2] =	sbarrier.arrive $0xFFFF  }
0x2bd: {  	p0 =	sne.s32 s0, $0x0;
	s0 =	rddreg [dreg:$0x9]  }
0x2be: {  	s0 =	sadd.s32 @!p0 $0x100000, s0  }
0x2bf: {  	[sflag:s0] =	ssyncadd.tile.s32 @!p0 $0x1;
	_ =	shalt  }
.Lfunc_end2:
_tile_overlayer_lowered:
.L_overlay_start_2:
0x2c0: {  	(tag) =	ssettag $0x2  }
0x2c1: {  	s0 =	rddreg [dreg:$0x0];
	s2 =	stileid.u32  }
0x2c2: {  	s1 =	rddreg [dreg:$0x1];
	p0 =	sne.s32 s2, $0x0  }
0x2c3: {  	s3 =	rddreg [dreg:$0x2];
	[bflag:$0x3] =	sbarrier.arrive $0xFFFF;
	s2 =	simm.s32 @!p0 $0x1C06  }
0x2c4: {  	[timem:s3], [sflag:s2] =	dma.local @!p0 [hbm:s0], s1  }
0x2c5: {  	s0 =	simm.s32 @!p0 $0x6  }
0x2c6: {  	_ =	swait.ge @!p0 [sflag:s0], s1  }
0x2c7: {  	s1 =	ssub.s32 @!p0 $0x0, s1;
	[sflag:s0] =	ssyncset.done @!p0 $0x0  }
0x2c8: {  	[sflag:s0] =	ssyncadd.s32 @!p0 s1  }
0x2c9: {  	[bflag:$0x3] =	sbarrier.arrive $0xFFFF  }
0x2ca: {  	_ =	shalt  }

</sc_bundles>
